<compile_context>
chip_gen: v7x
topology: tpu7x:2x2x1
jax: 0.10.2.dev20260603
libtpu: 0.0.44.dev20260713+nightly
codegen_flags: <defaults>
</compile_context>

<pallas_src>
import functools

import jax
import jax.numpy as jnp
from jax import lax
from jax.experimental import pallas as pl
from jax.experimental.pallas import tpu as pltpu
from jax.experimental.pallas import tpu_sc as plsc

VOCAB = 100000
HID = 128
MAXPOS = 200
NTYPE = 3
NVEC = HID // 16

NC, NS = 2, 16
NW = NC * NS
TOK = 1024 * 200
TPW = TOK // NW
CHUNK = 64
NCHUNK = TPW // CHUNK
NBUF = 4
assert NCHUNK % NBUF == 0 and CHUNK % 16 == 0

ROWBLK = 2000


def _proj_body(w_ref, w2_ref, out_ref):
    p = lax.dot_general(w_ref[...], w2_ref[...], (((1,), (1,)), ((), ())),
                        preferred_element_type=jnp.float32,
                        precision=lax.Precision.HIGHEST)
    out_ref[...] = p - jnp.mean(p, axis=1, keepdims=True)


def _ctab_body(pos_ref, typ_ref, pos_out, typ_out):
    pos_out[...] = pos_ref[...] - jnp.mean(pos_ref[...], axis=1, keepdims=True)
    typ_out[...] = typ_ref[...] - jnp.mean(typ_ref[...], axis=1, keepdims=True)


def _sc_body(p_hbm, pos_hbm, typ_hbm, ids_hbm, cidx_hbm, gb_hbm, out_hbm,
             idx_v, cidx_v, rows_refs, pos_v, typ_v, gb_v, g_sems, o_sems):
    wid = lax.axis_index("s") * NC + lax.axis_index("c")
    base = wid * TPW
    pltpu.sync_copy(ids_hbm.at[wid], idx_v)
    pltpu.sync_copy(cidx_hbm.at[wid], cidx_v)
    pltpu.sync_copy(pos_hbm, pos_v)
    pltpu.sync_copy(typ_hbm, typ_v)
    pltpu.sync_copy(gb_hbm, gb_v)

    iota = lax.iota(jnp.int32, 16)
    gs = [gb_v[0, pl.ds(j * 16, 16)] for j in range(NVEC)]
    bs = [gb_v[1, pl.ds(j * 16, 16)] for j in range(NVEC)]
    magic = jnp.full((16,), 0x5F3759DF, jnp.int32)

    def compute_chunk(cc, rows_v):
        @plsc.parallel_loop(0, CHUNK, 1, unroll=4)
        def tok_body(t):
            k = lax.rem(t, 16)
            cvec = cidx_v[cc, pl.ds(t - k, 16)]
            msplat = cvec.at[lax.broadcast(k, (16,))].get(
                mode="promise_in_bounds")
            psplat = jnp.bitwise_and(msplat, 255)
            ssplat = lax.shift_right_logical(msplat, 8)
            xs = []
            sq = []
            for j in range(NVEC):
                lane = iota + (j * 16)
                xj = rows_v[t, pl.ds(j * 16, 16)]
                xj = xj + (plsc.load_gather(pos_v, [psplat, lane])
                           + plsc.load_gather(typ_v, [ssplat, lane]))
                xs.append(xj)
                sq.append(xj * xj)
            acc = ((sq[0] + sq[1]) + (sq[2] + sq[3])) + (
                (sq[4] + sq[5]) + (sq[6] + sq[7]))
            ssq = jnp.sum(acc)
            vv = lax.broadcast(ssq, (16,)) * (1.0 / HID) + 1e-12
            y = lax.bitcast_convert_type(
                magic - lax.shift_right_logical(
                    lax.bitcast_convert_type(vv, jnp.int32), 1),
                jnp.float32)
            half = vv * 0.5
            for _ in range(3):
                y = y * (1.5 - half * y * y)
            for j in range(NVEC):
                rows_v[t, pl.ds(j * 16, 16)] = xs[j] * y * gs[j] + bs[j]

    def out_slice(cc):
        return out_hbm.at[pl.ds(base + cc * CHUNK, CHUNK)]

    def wait_out(s, cc):
        pltpu.make_async_copy(rows_refs[s], out_slice(cc), o_sems[s]).wait()

    pltpu.async_copy(p_hbm.at[idx_v.at[0]], rows_refs[0], g_sems[0])
    pltpu.async_copy(p_hbm.at[idx_v.at[1]], rows_refs[1], g_sems[1])

    def ring_body(i, carry):
        for s in range(NBUF):
            cc = i * NBUF + s
            nxt = (s + 2) % NBUF

            @pl.when(cc >= 2)
            def _():
                wait_out(nxt, cc - 2)

            @pl.when(cc + 2 < NCHUNK)
            def _():
                pltpu.async_copy(p_hbm.at[idx_v.at[cc + 2]], rows_refs[nxt],
                                 g_sems[nxt])

            pltpu.make_async_copy(p_hbm.at[idx_v.at[cc]], rows_refs[s],
                                  g_sems[s]).wait()
            compute_chunk(cc, rows_refs[s])
            pltpu.async_copy(rows_refs[s], out_slice(cc), o_sems[s])
        return carry

    lax.fori_loop(0, NCHUNK // NBUF, ring_body, 0)
    wait_out((NCHUNK - 2) % NBUF, NCHUNK - 2)
    wait_out((NCHUNK - 1) % NBUF, NCHUNK - 1)


@functools.cache
def _sc_call():
    return pl.kernel(
        _sc_body,
        out_type=jax.ShapeDtypeStruct((TOK, HID), jnp.float32),
        mesh=plsc.VectorSubcoreMesh(core_axis_name="c", subcore_axis_name="s",
                                    num_cores=NC, num_subcores=NS),
        compiler_params=pltpu.CompilerParams(needs_layout_passes=False),
        scratch_types=[
            pltpu.VMEM((NCHUNK, CHUNK), jnp.int32),
            pltpu.VMEM((NCHUNK, CHUNK), jnp.int32),
            [pltpu.VMEM((CHUNK, HID), jnp.float32) for _ in range(NBUF)],
            pltpu.VMEM((MAXPOS, HID), jnp.float32),
            pltpu.VMEM((NTYPE, HID), jnp.float32),
            pltpu.VMEM((2, HID), jnp.float32),
            [pltpu.SemaphoreType.DMA for _ in range(NBUF)],
            [pltpu.SemaphoreType.DMA for _ in range(NBUF)],
        ],
    )


def kernel(input_ids, segment_ids, word_emb, W2, pos_emb, type_emb, gamma,
           beta):
    B, L = input_ids.shape
    ids = input_ids.astype(jnp.int32).reshape(NW, NCHUNK, CHUNK)
    lpos = jnp.arange(MAXPOS, dtype=jnp.int32)
    cidx = segment_ids.astype(jnp.int32) * 256 + lpos[None, :]
    cidx = cidx.reshape(NW, NCHUNK, CHUNK)

    ptab = pl.pallas_call(
        _proj_body,
        grid=(VOCAB // ROWBLK,),
        in_specs=[
            pl.BlockSpec((ROWBLK, HID), lambda i: (i, 0)),
            pl.BlockSpec((HID, HID), lambda i: (0, 0)),
        ],
        out_specs=pl.BlockSpec((ROWBLK, HID), lambda i: (i, 0)),
        out_shape=jax.ShapeDtypeStruct((VOCAB, HID), jnp.float32),
    )(word_emb, W2)

    pos_c, typ_c = pl.pallas_call(
        _ctab_body,
        out_shape=(jax.ShapeDtypeStruct((MAXPOS, HID), jnp.float32),
                   jax.ShapeDtypeStruct((NTYPE, HID), jnp.float32)),
    )(pos_emb, type_emb)

    gb = jnp.stack([gamma, beta]).astype(jnp.float32)
    out = _sc_call()(ptab, pos_c, typ_c, ids, cidx, gb)
    return out.reshape(B, L, HID)

# --- scband reference (transcript-rebuilt; emitter-appended) ---
"""Pipeline reference for scband-embeddings-29420525977980 (READ-ONLY COPY).

The authoritative reference and input builder live on the scoring server;
editing this copy changes nothing except your own understanding.
"""

import jax, jax.numpy as jnp
import numpy as np

VOCAB = 100000
HID = 128
WORD_DIM = 128
MAXPOS = 200
B = 1024
L = 200


def setup_inputs(seed: int = 0) -> dict:
    key = jax.random.key(seed)
    ks = jax.random.split(key, 8)
    input_ids = jax.random.randint(ks[0], (B, L), 0, VOCAB, dtype=jnp.int64 if jax.config.read('jax_enable_x64') else jnp.int32)
    segment_ids = jax.random.randint(ks[1], (B, L), 0, 3, dtype=input_ids.dtype)
    word_emb = jax.random.normal(ks[2], (VOCAB, WORD_DIM), dtype=jnp.float32) * 0.02
    word_emb = word_emb.at[0].set(0.0)  # padding_idx=0 row is zeros
    W2 = jax.random.normal(ks[3], (HID, WORD_DIM), dtype=jnp.float32) * 0.02  # torch Linear weight [out, in], no bias
    pos_emb = jax.random.normal(ks[4], (MAXPOS, HID), dtype=jnp.float32) * 0.02
    type_emb = jax.random.normal(ks[5], (3, HID), dtype=jnp.float32) * 0.02
    gamma = jnp.ones((HID,), dtype=jnp.float32)
    beta = jnp.zeros((HID,), dtype=jnp.float32)
    return {
        'input_ids': input_ids,
        'segment_ids': segment_ids,
        'word_emb': word_emb,
        'W2': W2,
        'pos_emb': pos_emb,
        'type_emb': type_emb,
        'gamma': gamma,
        'beta': beta,
    }


def reference(input_ids, segment_ids, word_emb, W2, pos_emb, type_emb, gamma, beta):
    # word embedding lookup (padding_idx handled via zero row)
    words = jnp.take(word_emb, input_ids, axis=0)          # [B, L, 128]
    words = words @ W2.T                                    # Linear(128 -> hidden), no bias
    # position_ids = arange(len) expanded to input shape
    position_ids = jnp.broadcast_to(jnp.arange(MAXPOS)[None, :], input_ids.shape)
    pos = jnp.take(pos_emb, position_ids, axis=0)           # [B, L, H]
    typ = jnp.take(type_emb, segment_ids, axis=0)           # [B, L, H]
    emb = words + pos + typ
    # LayerNorm(eps=1e-12)
    mu = jnp.mean(emb, axis=-1, keepdims=True)
    var = jnp.mean((emb - mu) ** 2, axis=-1, keepdims=True)
    out = (emb - mu) / jnp.sqrt(var + 1e-12) * gamma + beta
    # dropout is identity in eval / deterministic reference
    return out

if __name__ == "__main__":
    import jax
    _d = setup_inputs()
    print(jax.jit(kernel)(*tuple(_d.values())))

</pallas_src>

<mosaic_0001>
#map = affine_map<(d0, d1) -> (0, 0)>
#map1 = affine_map<(d0, d1) -> (0, 0, 0)>
module attributes {stable_mosaic.version = 14 : i64} {
  func.func @_sc_body(%arg0: i32, %arg1: i32, %arg2: memref<100000x128xf32, #tpu.memory_space<hbm>>, %arg3: memref<200x128xf32, #tpu.memory_space<hbm>>, %arg4: memref<3x128xf32, #tpu.memory_space<hbm>>, %arg5: memref<32x100x64xi32, #tpu.memory_space<hbm>>, %arg6: memref<32x100x64xi32, #tpu.memory_space<hbm>>, %arg7: memref<2x128xf32, #tpu.memory_space<hbm>>, %arg8: memref<204800x128xf32, #tpu.memory_space<hbm>>, %arg9: memref<100x64xi32, #tpu.memory_space<vmem>>, %arg10: memref<100x64xi32, #tpu.memory_space<vmem>>, %arg11: memref<64x128xf32, #tpu.memory_space<vmem>>, %arg12: memref<64x128xf32, #tpu.memory_space<vmem>>, %arg13: memref<64x128xf32, #tpu.memory_space<vmem>>, %arg14: memref<64x128xf32, #tpu.memory_space<vmem>>, %arg15: memref<200x128xf32, #tpu.memory_space<vmem>>, %arg16: memref<3x128xf32, #tpu.memory_space<vmem>>, %arg17: memref<2x128xf32, #tpu.memory_space<vmem>>, %arg18: memref<!tpu.dma_semaphore, #tpu.memory_space<semaphore_mem>>, %arg19: memref<!tpu.dma_semaphore, #tpu.memory_space<semaphore_mem>>, %arg20: memref<!tpu.dma_semaphore, #tpu.memory_space<semaphore_mem>>, %arg21: memref<!tpu.dma_semaphore, #tpu.memory_space<semaphore_mem>>, %arg22: memref<!tpu.dma_semaphore, #tpu.memory_space<semaphore_mem>>, %arg23: memref<!tpu.dma_semaphore, #tpu.memory_space<semaphore_mem>>, %arg24: memref<!tpu.dma_semaphore, #tpu.memory_space<semaphore_mem>>, %arg25: memref<!tpu.dma_semaphore, #tpu.memory_space<semaphore_mem>>) attributes {dimension_semantics = [#tpu.dimension_semantics<core_parallel>, #tpu.dimension_semantics<subcore_parallel>], iteration_bounds = array<i64: 2, 16>, scalar_prefetch = 0 : i64, scratch_operands = 17 : i64, tpu.core_type = #tpu.core_type<sc_vector_subcore>, window_params = [{transform_indices = #map}, {transform_indices = #map}, {transform_indices = #map}, {transform_indices = #map1}, {transform_indices = #map1}, {transform_indices = #map}, {transform_indices = #map}]} {
    %mul3A = arith.constant 2 : i32
    %mul3A_0 = arith.muli %arg1, %mul3A : i32
    %add3A = arith.addi %mul3A_0, %arg0 : i32
    %mul3A_1 = arith.constant 6400 : i32
    %mul3A_2 = arith.muli %add3A, %mul3A_1 : i32
    "tpu.region"() ({
      %run_scoped3A = tpu.sem_alloc : memref<!tpu.dma_semaphore, #tpu.memory_space<semaphore_mem>>
      %dma_start3A_96 = arith.constant 0 : i32
      %dma_start3A_97 = arith.constant 0 : i32
      %dma_start3A_98 = tpu.memref_slice %arg5[%add3A, %dma_start3A_96, %dma_start3A_97] : memref<32x100x64xi32, #tpu.memory_space<hbm>> -> memref<1x100x64xi32, #tpu.memory_space<hbm>>
      %dma_start3A_99 = tpu.memref_squeeze %dma_start3A_98 : memref<1x100x64xi32, #tpu.memory_space<hbm>> -> memref<100x64xi32, #tpu.memory_space<hbm>>
      %dma_start3A_100 = arith.constant 0 : i32
      %dma_start3A_101 = arith.constant 0 : i32
      %dma_start3A_102 = tpu.memref_slice %arg5[%add3A, %dma_start3A_100, %dma_start3A_101] : memref<32x100x64xi32, #tpu.memory_space<hbm>> -> memref<1x100x64xi32, #tpu.memory_space<hbm>>
      %dma_start3A_103 = tpu.memref_squeeze %dma_start3A_102 : memref<1x100x64xi32, #tpu.memory_space<hbm>> -> memref<100x64xi32, #tpu.memory_space<hbm>>
      tpu.enqueue_dma source(%dma_start3A_103 : memref<100x64xi32, #tpu.memory_space<hbm>>) target(%arg9 : memref<100x64xi32, #tpu.memory_space<vmem>>) target_semaphore(%run_scoped3A : memref<!tpu.dma_semaphore, #tpu.memory_space<semaphore_mem>>)
      %dma_wait3A_104 = arith.constant 0 : i32
      %dma_wait3A_105 = arith.constant 0 : i32
      %dma_wait3A_106 = tpu.memref_slice %arg5[%add3A, %dma_wait3A_104, %dma_wait3A_105] : memref<32x100x64xi32, #tpu.memory_space<hbm>> -> memref<1x100x64xi32, #tpu.memory_space<hbm>>
      %dma_wait3A_107 = tpu.memref_squeeze %dma_wait3A_106 : memref<1x100x64xi32, #tpu.memory_space<hbm>> -> memref<100x64xi32, #tpu.memory_space<hbm>>
      %dma_wait3A_108 = arith.constant 0 : i32
      %dma_wait3A_109 = arith.constant 0 : i32
      %dma_wait3A_110 = tpu.memref_slice %arg5[%add3A, %dma_wait3A_108, %dma_wait3A_109] : memref<32x100x64xi32, #tpu.memory_space<hbm>> -> memref<1x100x64xi32, #tpu.memory_space<hbm>>
      %dma_wait3A_111 = tpu.memref_squeeze %dma_wait3A_110 : memref<1x100x64xi32, #tpu.memory_space<hbm>> -> memref<100x64xi32, #tpu.memory_space<hbm>>
      tpu.wait_dma2 semaphore(%run_scoped3A : memref<!tpu.dma_semaphore, #tpu.memory_space<semaphore_mem>>) src(%dma_wait3A_111 : memref<100x64xi32, #tpu.memory_space<hbm>>) dst(%arg9 : memref<100x64xi32, #tpu.memory_space<vmem>>)
      tpu.yield
    }) : () -> ()
    "tpu.region"() ({
      %run_scoped3A = tpu.sem_alloc : memref<!tpu.dma_semaphore, #tpu.memory_space<semaphore_mem>>
      %dma_start3A_96 = arith.constant 0 : i32
      %dma_start3A_97 = arith.constant 0 : i32
      %dma_start3A_98 = tpu.memref_slice %arg6[%add3A, %dma_start3A_96, %dma_start3A_97] : memref<32x100x64xi32, #tpu.memory_space<hbm>> -> memref<1x100x64xi32, #tpu.memory_space<hbm>>
      %dma_start3A_99 = tpu.memref_squeeze %dma_start3A_98 : memref<1x100x64xi32, #tpu.memory_space<hbm>> -> memref<100x64xi32, #tpu.memory_space<hbm>>
      %dma_start3A_100 = arith.constant 0 : i32
      %dma_start3A_101 = arith.constant 0 : i32
      %dma_start3A_102 = tpu.memref_slice %arg6[%add3A, %dma_start3A_100, %dma_start3A_101] : memref<32x100x64xi32, #tpu.memory_space<hbm>> -> memref<1x100x64xi32, #tpu.memory_space<hbm>>
      %dma_start3A_103 = tpu.memref_squeeze %dma_start3A_102 : memref<1x100x64xi32, #tpu.memory_space<hbm>> -> memref<100x64xi32, #tpu.memory_space<hbm>>
      tpu.enqueue_dma source(%dma_start3A_103 : memref<100x64xi32, #tpu.memory_space<hbm>>) target(%arg10 : memref<100x64xi32, #tpu.memory_space<vmem>>) target_semaphore(%run_scoped3A : memref<!tpu.dma_semaphore, #tpu.memory_space<semaphore_mem>>)
      %dma_wait3A_104 = arith.constant 0 : i32
      %dma_wait3A_105 = arith.constant 0 : i32
      %dma_wait3A_106 = tpu.memref_slice %arg6[%add3A, %dma_wait3A_104, %dma_wait3A_105] : memref<32x100x64xi32, #tpu.memory_space<hbm>> -> memref<1x100x64xi32, #tpu.memory_space<hbm>>
      %dma_wait3A_107 = tpu.memref_squeeze %dma_wait3A_106 : memref<1x100x64xi32, #tpu.memory_space<hbm>> -> memref<100x64xi32, #tpu.memory_space<hbm>>
      %dma_wait3A_108 = arith.constant 0 : i32
      %dma_wait3A_109 = arith.constant 0 : i32
      %dma_wait3A_110 = tpu.memref_slice %arg6[%add3A, %dma_wait3A_108, %dma_wait3A_109] : memref<32x100x64xi32, #tpu.memory_space<hbm>> -> memref<1x100x64xi32, #tpu.memory_space<hbm>>
      %dma_wait3A_111 = tpu.memref_squeeze %dma_wait3A_110 : memref<1x100x64xi32, #tpu.memory_space<hbm>> -> memref<100x64xi32, #tpu.memory_space<hbm>>
      tpu.wait_dma2 semaphore(%run_scoped3A : memref<!tpu.dma_semaphore, #tpu.memory_space<semaphore_mem>>) src(%dma_wait3A_111 : memref<100x64xi32, #tpu.memory_space<hbm>>) dst(%arg10 : memref<100x64xi32, #tpu.memory_space<vmem>>)
      tpu.yield
    }) : () -> ()
    "tpu.region"() ({
      %run_scoped3A = tpu.sem_alloc : memref<!tpu.dma_semaphore, #tpu.memory_space<semaphore_mem>>
      tpu.enqueue_dma source(%arg3 : memref<200x128xf32, #tpu.memory_space<hbm>>) target(%arg15 : memref<200x128xf32, #tpu.memory_space<vmem>>) target_semaphore(%run_scoped3A : memref<!tpu.dma_semaphore, #tpu.memory_space<semaphore_mem>>)
      tpu.wait_dma2 semaphore(%run_scoped3A : memref<!tpu.dma_semaphore, #tpu.memory_space<semaphore_mem>>) src(%arg3 : memref<200x128xf32, #tpu.memory_space<hbm>>) dst(%arg15 : memref<200x128xf32, #tpu.memory_space<vmem>>)
      tpu.yield
    }) : () -> ()
    "tpu.region"() ({
      %run_scoped3A = tpu.sem_alloc : memref<!tpu.dma_semaphore, #tpu.memory_space<semaphore_mem>>
      tpu.enqueue_dma source(%arg4 : memref<3x128xf32, #tpu.memory_space<hbm>>) target(%arg16 : memref<3x128xf32, #tpu.memory_space<vmem>>) target_semaphore(%run_scoped3A : memref<!tpu.dma_semaphore, #tpu.memory_space<semaphore_mem>>)
      tpu.wait_dma2 semaphore(%run_scoped3A : memref<!tpu.dma_semaphore, #tpu.memory_space<semaphore_mem>>) src(%arg4 : memref<3x128xf32, #tpu.memory_space<hbm>>) dst(%arg16 : memref<3x128xf32, #tpu.memory_space<vmem>>)
      tpu.yield
    }) : () -> ()
    "tpu.region"() ({
      %run_scoped3A = tpu.sem_alloc : memref<!tpu.dma_semaphore, #tpu.memory_space<semaphore_mem>>
      tpu.enqueue_dma source(%arg7 : memref<2x128xf32, #tpu.memory_space<hbm>>) target(%arg17 : memref<2x128xf32, #tpu.memory_space<vmem>>) target_semaphore(%run_scoped3A : memref<!tpu.dma_semaphore, #tpu.memory_space<semaphore_mem>>)
      tpu.wait_dma2 semaphore(%run_scoped3A : memref<!tpu.dma_semaphore, #tpu.memory_space<semaphore_mem>>) src(%arg7 : memref<2x128xf32, #tpu.memory_space<hbm>>) dst(%arg17 : memref<2x128xf32, #tpu.memory_space<vmem>>)
      tpu.yield
    }) : () -> ()
    %iota3A = tpu.iota {dimensions = array<i32: 0>} : vector<16xi32>
    %get3A = arith.constant 0 : i32
    %get3A_3 = arith.index_cast %get3A : i32 to index
    %get3A_4 = arith.constant 0 : index
    %get3A_5 = tpu.vector_load %arg17[%get3A_3, %get3A_4] {strides = array<i32>} : memref<2x128xf32, #tpu.memory_space<vmem>>, vector<16xf32>,
    %get3A_6 = arith.constant 0 : i32
    %get3A_7 = arith.index_cast %get3A_6 : i32 to index
    %get3A_8 = arith.constant 16 : index
    %get3A_9 = tpu.vector_load %arg17[%get3A_7, %get3A_8] {strides = array<i32>} : memref<2x128xf32, #tpu.memory_space<vmem>>, vector<16xf32>,
    %get3A_10 = arith.constant 0 : i32
    %get3A_11 = arith.index_cast %get3A_10 : i32 to index
    %get3A_12 = arith.constant 32 : index
    %get3A_13 = tpu.vector_load %arg17[%get3A_11, %get3A_12] {strides = array<i32>} : memref<2x128xf32, #tpu.memory_space<vmem>>, vector<16xf32>,
    %get3A_14 = arith.constant 0 : i32
    %get3A_15 = arith.index_cast %get3A_14 : i32 to index
    %get3A_16 = arith.constant 48 : index
    %get3A_17 = tpu.vector_load %arg17[%get3A_15, %get3A_16] {strides = array<i32>} : memref<2x128xf32, #tpu.memory_space<vmem>>, vector<16xf32>,
    %get3A_18 = arith.constant 0 : i32
    %get3A_19 = arith.index_cast %get3A_18 : i32 to index
    %get3A_20 = arith.constant 64 : index
    %get3A_21 = tpu.vector_load %arg17[%get3A_19, %get3A_20] {strides = array<i32>} : memref<2x128xf32, #tpu.memory_space<vmem>>, vector<16xf32>,
    %get3A_22 = arith.constant 0 : i32
    %get3A_23 = arith.index_cast %get3A_22 : i32 to index
    %get3A_24 = arith.constant 80 : index
    %get3A_25 = tpu.vector_load %arg17[%get3A_23, %get3A_24] {strides = array<i32>} : memref<2x128xf32, #tpu.memory_space<vmem>>, vector<16xf32>,
    %get3A_26 = arith.constant 0 : i32
    %get3A_27 = arith.index_cast %get3A_26 : i32 to index
    %get3A_28 = arith.constant 96 : index
    %get3A_29 = tpu.vector_load %arg17[%get3A_27, %get3A_28] {strides = array<i32>} : memref<2x128xf32, #tpu.memory_space<vmem>>, vector<16xf32>,
    %get3A_30 = arith.constant 0 : i32
    %get3A_31 = arith.index_cast %get3A_30 : i32 to index
    %get3A_32 = arith.constant 112 : index
    %get3A_33 = tpu.vector_load %arg17[%get3A_31, %get3A_32] {strides = array<i32>} : memref<2x128xf32, #tpu.memory_space<vmem>>, vector<16xf32>,
    %get3A_34 = arith.constant 1 : i32
    %get3A_35 = arith.index_cast %get3A_34 : i32 to index
    %get3A_36 = arith.constant 0 : index
    %get3A_37 = tpu.vector_load %arg17[%get3A_35, %get3A_36] {strides = array<i32>} : memref<2x128xf32, #tpu.memory_space<vmem>>, vector<16xf32>,
    %get3A_38 = arith.constant 1 : i32
    %get3A_39 = arith.index_cast %get3A_38 : i32 to index
    %get3A_40 = arith.constant 16 : index
    %get3A_41 = tpu.vector_load %arg17[%get3A_39, %get3A_40] {strides = array<i32>} : memref<2x128xf32, #tpu.memory_space<vmem>>, vector<16xf32>,
    %get3A_42 = arith.constant 1 : i32
    %get3A_43 = arith.index_cast %get3A_42 : i32 to index
    %get3A_44 = arith.constant 32 : index
    %get3A_45 = tpu.vector_load %arg17[%get3A_43, %get3A_44] {strides = array<i32>} : memref<2x128xf32, #tpu.memory_space<vmem>>, vector<16xf32>,
    %get3A_46 = arith.constant 1 : i32
    %get3A_47 = arith.index_cast %get3A_46 : i32 to index
    %get3A_48 = arith.constant 48 : index
    %get3A_49 = tpu.vector_load %arg17[%get3A_47, %get3A_48] {strides = array<i32>} : memref<2x128xf32, #tpu.memory_space<vmem>>, vector<16xf32>,
    %get3A_50 = arith.constant 1 : i32
    %get3A_51 = arith.index_cast %get3A_50 : i32 to index
    %get3A_52 = arith.constant 64 : index
    %get3A_53 = tpu.vector_load %arg17[%get3A_51, %get3A_52] {strides = array<i32>} : memref<2x128xf32, #tpu.memory_space<vmem>>, vector<16xf32>,
    %get3A_54 = arith.constant 1 : i32
    %get3A_55 = arith.index_cast %get3A_54 : i32 to index
    %get3A_56 = arith.constant 80 : index
    %get3A_57 = tpu.vector_load %arg17[%get3A_55, %get3A_56] {strides = array<i32>} : memref<2x128xf32, #tpu.memory_space<vmem>>, vector<16xf32>,
    %get3A_58 = arith.constant 1 : i32
    %get3A_59 = arith.index_cast %get3A_58 : i32 to index
    %get3A_60 = arith.constant 96 : index
    %get3A_61 = tpu.vector_load %arg17[%get3A_59, %get3A_60] {strides = array<i32>} : memref<2x128xf32, #tpu.memory_space<vmem>>, vector<16xf32>,
    %get3A_62 = arith.constant 1 : i32
    %get3A_63 = arith.index_cast %get3A_62 : i32 to index
    %get3A_64 = arith.constant 112 : index
    %get3A_65 = tpu.vector_load %arg17[%get3A_63, %get3A_64] {strides = array<i32>} : memref<2x128xf32, #tpu.memory_space<vmem>>, vector<16xf32>,
    %broadcast_in_dim3A = arith.constant 1597463007 : i32
    %broadcast_in_dim3A_66 = vector.broadcast %broadcast_in_dim3A : i32 to vector<16xi32>
    %dma_start3A = arith.constant 0 : i32
    %dma_start3A_67 = arith.constant 0 : i32
    %dma_start3A_68 = tpu.memref_slice %arg9[%dma_start3A, %dma_start3A_67] : memref<100x64xi32, #tpu.memory_space<vmem>> -> memref<1x64xi32, #tpu.memory_space<vmem>>
    %dma_start3A_69 = tpu.memref_squeeze %dma_start3A_68 : memref<1x64xi32, #tpu.memory_space<vmem>> -> memref<64xi32, #tpu.memory_space<vmem>>
    %dma_start3A_70 = arith.constant 0 : i32
    %dma_start3A_71 = arith.constant 0 : i32
    %dma_start3A_72 = tpu.memref_slice %arg2[%dma_start3A_70, %dma_start3A_71] : memref<100000x128xf32, #tpu.memory_space<hbm>> -> memref<100000x128xf32, #tpu.memory_space<hbm>>
    tpu.enqueue_indirect_dma source(%dma_start3A_72 : memref<100000x128xf32, #tpu.memory_space<hbm>>) target(%arg11 : memref<64x128xf32, #tpu.memory_space<vmem>>) offsets(%dma_start3A_69 : memref<64xi32, #tpu.memory_space<vmem>>) semaphore(%arg18 : memref<!tpu.dma_semaphore, #tpu.memory_space<semaphore_mem>>)
    %dma_start3A_73 = arith.constant 1 : i32
    %dma_start3A_74 = arith.constant 0 : i32
    %dma_start3A_75 = tpu.memref_slice %arg9[%dma_start3A_73, %dma_start3A_74] : memref<100x64xi32, #tpu.memory_space<vmem>> -> memref<1x64xi32, #tpu.memory_space<vmem>>
    %dma_start3A_76 = tpu.memref_squeeze %dma_start3A_75 : memref<1x64xi32, #tpu.memory_space<vmem>> -> memref<64xi32, #tpu.memory_space<vmem>>
    %dma_start3A_77 = arith.constant 0 : i32
    %dma_start3A_78 = arith.constant 0 : i32
    %dma_start3A_79 = tpu.memref_slice %arg2[%dma_start3A_77, %dma_start3A_78] : memref<100000x128xf32, #tpu.memory_space<hbm>> -> memref<100000x128xf32, #tpu.memory_space<hbm>>
    tpu.enqueue_indirect_dma source(%dma_start3A_79 : memref<100000x128xf32, #tpu.memory_space<hbm>>) target(%arg12 : memref<64x128xf32, #tpu.memory_space<vmem>>) offsets(%dma_start3A_76 : memref<64xi32, #tpu.memory_space<vmem>>) semaphore(%arg19 : memref<!tpu.dma_semaphore, #tpu.memory_space<semaphore_mem>>)
    %scan3A = arith.constant 0 : i32
    %scan3A_80 = arith.constant 0 : i32
    %scan3A_81 = arith.constant 25 : i32
    %scan3A_82 = arith.addi %scan3A_80, %scan3A_81 : i32
    %scan3A_83 = arith.constant 1 : i32
    scf.for %scan3A_96 = %scan3A_80 to %scan3A_82 step %scan3A_83  : i32 {
      %mul3A_97 = arith.constant 4 : i32
      %mul3A_98 = arith.muli %scan3A_96, %mul3A_97 : i32
      %add3A_99 = arith.constant 0 : i32
      %add3A_100 = arith.addi %mul3A_98, %add3A_99 : i32
      %ge3A = arith.constant 2 : i32
      %ge3A_101 = arith.cmpi sge, %add3A_100, %ge3A : i32
      %convert_element_type3A = arith.extui %ge3A_101 : i1 to i32
      %cond3A = arith.constant 0 : i32
      %cond3A_102 = arith.cmpi ne, %convert_element_type3A, %cond3A : i32
      scf.if %cond3A_102 {
        %sub3A = arith.constant 2 : i32
        %sub3A_220 = arith.subi %add3A_100, %sub3A : i32
        %mul3A_221 = arith.constant 64 : i32
        %mul3A_222 = arith.muli %sub3A_220, %mul3A_221 : i32
        %add3A_223 = arith.addi %mul3A_2, %mul3A_222 : i32
        %dma_wait3A_224 = arith.constant 0 : i32
        %dma_wait3A_225 = tpu.memref_slice %arg8[%add3A_223, %dma_wait3A_224] : memref<204800x128xf32, #tpu.memory_space<hbm>> -> memref<64x128xf32, #tpu.memory_space<hbm>>
        %dma_wait3A_226 = arith.constant 0 : i32
        %dma_wait3A_227 = tpu.memref_slice %arg8[%add3A_223, %dma_wait3A_226] : memref<204800x128xf32, #tpu.memory_space<hbm>> -> memref<64x128xf32, #tpu.memory_space<hbm>>
        tpu.wait_dma2 semaphore(%arg24 : memref<!tpu.dma_semaphore, #tpu.memory_space<semaphore_mem>>) src(%arg13 : memref<64x128xf32, #tpu.memory_space<vmem>>) dst(%dma_wait3A_227 : memref<64x128xf32, #tpu.memory_space<hbm>>)
      } else {
      }
      %add3A_103 = arith.constant 2 : i32
      %add3A_104 = arith.addi %add3A_100, %add3A_103 : i32
      %lt3A = arith.constant 100 : i32
      %lt3A_105 = arith.cmpi slt, %add3A_104, %lt3A : i32
      %convert_element_type3A_106 = arith.extui %lt3A_105 : i1 to i32
      %cond3A_107 = arith.constant 0 : i32
      %cond3A_108 = arith.cmpi ne, %convert_element_type3A_106, %cond3A_107 : i32
      scf.if %cond3A_108 {
        %add3A_220 = arith.constant 2 : i32
        %add3A_221 = arith.addi %add3A_100, %add3A_220 : i32
        %dma_start3A_222 = arith.constant 0 : i32
        %dma_start3A_223 = tpu.memref_slice %arg9[%add3A_221, %dma_start3A_222] : memref<100x64xi32, #tpu.memory_space<vmem>> -> memref<1x64xi32, #tpu.memory_space<vmem>>
        %dma_start3A_224 = tpu.memref_squeeze %dma_start3A_223 : memref<1x64xi32, #tpu.memory_space<vmem>> -> memref<64xi32, #tpu.memory_space<vmem>>
        %dma_start3A_225 = arith.constant 0 : i32
        %dma_start3A_226 = arith.constant 0 : i32
        %dma_start3A_227 = tpu.memref_slice %arg2[%dma_start3A_225, %dma_start3A_226] : memref<100000x128xf32, #tpu.memory_space<hbm>> -> memref<100000x128xf32, #tpu.memory_space<hbm>>
        tpu.enqueue_indirect_dma source(%dma_start3A_227 : memref<100000x128xf32, #tpu.memory_space<hbm>>) target(%arg13 : memref<64x128xf32, #tpu.memory_space<vmem>>) offsets(%dma_start3A_224 : memref<64xi32, #tpu.memory_space<vmem>>) semaphore(%arg20 : memref<!tpu.dma_semaphore, #tpu.memory_space<semaphore_mem>>)
      } else {
      }
      %dma_wait3A_109 = arith.constant 0 : i32
      %dma_wait3A_110 = tpu.memref_slice %arg9[%add3A_100, %dma_wait3A_109] : memref<100x64xi32, #tpu.memory_space<vmem>> -> memref<1x64xi32, #tpu.memory_space<vmem>>
      %dma_wait3A_111 = tpu.memref_squeeze %dma_wait3A_110 : memref<1x64xi32, #tpu.memory_space<vmem>> -> memref<64xi32, #tpu.memory_space<vmem>>
      %dma_wait3A_112 = arith.constant 0 : i32
      %dma_wait3A_113 = arith.constant 0 : i32
      %dma_wait3A_114 = tpu.memref_slice %arg2[%dma_wait3A_112, %dma_wait3A_113] : memref<100000x128xf32, #tpu.memory_space<hbm>> -> memref<100000x128xf32, #tpu.memory_space<hbm>>
      tpu.wait_indirect_dma semaphore(%arg18 : memref<!tpu.dma_semaphore, #tpu.memory_space<semaphore_mem>>) src(%dma_wait3A_114 : memref<100000x128xf32, #tpu.memory_space<hbm>>) dst(%arg11 : memref<64x128xf32, #tpu.memory_space<vmem>>)
      %parallel_loop3A = arith.constant 0 : i32
      %parallel_loop3A_115 = arith.constant 64 : i32
      %parallel_loop3A_116 = arith.constant 1 : i32
      scf.for %parallel_loop3A_220 = %parallel_loop3A to %parallel_loop3A_115 step %parallel_loop3A_116  : i32 {
        %parallel_loop3A_221 = arith.constant 16 : i32
        %parallel_loop3A_222 = arith.remsi %parallel_loop3A_220, %parallel_loop3A_221 : i32
        %parallel_loop3A_223 = arith.subi %parallel_loop3A_220, %parallel_loop3A_222 : i32
        %parallel_loop3A_224 = arith.index_cast %add3A_100 : i32 to index
        %parallel_loop3A_225 = arith.index_cast %parallel_loop3A_223 : i32 to index
        %parallel_loop3A_226 = tpu.vector_load %arg10[%parallel_loop3A_224, %parallel_loop3A_225] {strides = array<i32>} : memref<100x64xi32, #tpu.memory_space<vmem>>, vector<16xi32>,
        %parallel_loop3A_227 = vector.broadcast %parallel_loop3A_222 : i32 to vector<16xi32>
        %parallel_loop3A_228 = arith.constant 0 : i32
        %parallel_loop3A_229 = vector.broadcast %parallel_loop3A_228 : i32 to vector<16xi32>
        %parallel_loop3A_230 = arith.cmpi slt, %parallel_loop3A_227, %parallel_loop3A_229 : vector<16xi32>
        %parallel_loop3A_231 = arith.constant 16 : i32
        %parallel_loop3A_232 = vector.broadcast %parallel_loop3A_231 : i32 to vector<16xi32>
        %parallel_loop3A_233 = arith.addi %parallel_loop3A_227, %parallel_loop3A_232 : vector<16xi32>
        %parallel_loop3A_234 = arith.select %parallel_loop3A_230, %parallel_loop3A_233, %parallel_loop3A_227 : vector<16xi1>, vector<16xi32>
        %parallel_loop3A_235 = vector.shape_cast %parallel_loop3A_234 : vector<16xi32> to vector<16x1xi32>
        %parallel_loop3A_236 = vector.shape_cast %parallel_loop3A_235 : vector<16x1xi32> to vector<16xi32>
        %parallel_loop3A_237 = tpu.dynamic_gather %parallel_loop3A_226[%parallel_loop3A_236] in [0] : vector<16xi32>, vector<16xi32> -> vector<16xi32>
        %parallel_loop3A_238 = arith.constant 255 : i32
        %parallel_loop3A_239 = vector.broadcast %parallel_loop3A_238 : i32 to vector<16xi32>
        %parallel_loop3A_240 = arith.andi %parallel_loop3A_237, %parallel_loop3A_239 : vector<16xi32>
        %parallel_loop3A_241 = arith.constant 8 : i32
        %parallel_loop3A_242 = vector.broadcast %parallel_loop3A_241 : i32 to vector<16xi32>
        %parallel_loop3A_243 = arith.shrui %parallel_loop3A_237, %parallel_loop3A_242 : vector<16xi32>
        %parallel_loop3A_244 = arith.constant 0 : i32
        %parallel_loop3A_245 = vector.broadcast %parallel_loop3A_244 : i32 to vector<16xi32>
        %parallel_loop3A_246 = arith.addi %iota3A, %parallel_loop3A_245 : vector<16xi32>
        %parallel_loop3A_247 = arith.index_cast %parallel_loop3A_220 : i32 to index
        %parallel_loop3A_248 = arith.constant 0 : index
        %parallel_loop3A_249 = tpu.vector_load %arg11[%parallel_loop3A_247, %parallel_loop3A_248] {strides = array<i32>} : memref<64x128xf32, #tpu.memory_space<vmem>>, vector<16xf32>,
        %parallel_loop3A_250 = tpu.vector_load_idx %arg15[%parallel_loop3A_240, %parallel_loop3A_246] : memref<200x128xf32, #tpu.memory_space<vmem>>[vector<16xi32>, vector<16xi32>], vector<16xf32>,
        %parallel_loop3A_251 = tpu.vector_load_idx %arg16[%parallel_loop3A_243, %parallel_loop3A_246] : memref<3x128xf32, #tpu.memory_space<vmem>>[vector<16xi32>, vector<16xi32>], vector<16xf32>,
        %parallel_loop3A_252 = arith.addf %parallel_loop3A_250, %parallel_loop3A_251 : vector<16xf32>
        %parallel_loop3A_253 = arith.addf %parallel_loop3A_249, %parallel_loop3A_252 : vector<16xf32>
        %parallel_loop3A_254 = arith.mulf %parallel_loop3A_253, %parallel_loop3A_253 : vector<16xf32>
        %parallel_loop3A_255 = arith.constant 16 : i32
        %parallel_loop3A_256 = vector.broadcast %parallel_loop3A_255 : i32 to vector<16xi32>
        %parallel_loop3A_257 = arith.addi %iota3A, %parallel_loop3A_256 : vector<16xi32>
        %parallel_loop3A_258 = arith.index_cast %parallel_loop3A_220 : i32 to index
        %parallel_loop3A_259 = arith.constant 16 : index
        %parallel_loop3A_260 = tpu.vector_load %arg11[%parallel_loop3A_258, %parallel_loop3A_259] {strides = array<i32>} : memref<64x128xf32, #tpu.memory_space<vmem>>, vector<16xf32>,
        %parallel_loop3A_261 = tpu.vector_load_idx %arg15[%parallel_loop3A_240, %parallel_loop3A_257] : memref<200x128xf32, #tpu.memory_space<vmem>>[vector<16xi32>, vector<16xi32>], vector<16xf32>,
        %parallel_loop3A_262 = tpu.vector_load_idx %arg16[%parallel_loop3A_243, %parallel_loop3A_257] : memref<3x128xf32, #tpu.memory_space<vmem>>[vector<16xi32>, vector<16xi32>], vector<16xf32>,
        %parallel_loop3A_263 = arith.addf %parallel_loop3A_261, %parallel_loop3A_262 : vector<16xf32>
        %parallel_loop3A_264 = arith.addf %parallel_loop3A_260, %parallel_loop3A_263 : vector<16xf32>
        %parallel_loop3A_265 = arith.mulf %parallel_loop3A_264, %parallel_loop3A_264 : vector<16xf32>
        %parallel_loop3A_266 = arith.constant 32 : i32
        %parallel_loop3A_267 = vector.broadcast %parallel_loop3A_266 : i32 to vector<16xi32>
        %parallel_loop3A_268 = arith.addi %iota3A, %parallel_loop3A_267 : vector<16xi32>
        %parallel_loop3A_269 = arith.index_cast %parallel_loop3A_220 : i32 to index
        %parallel_loop3A_270 = arith.constant 32 : index
        %parallel_loop3A_271 = tpu.vector_load %arg11[%parallel_loop3A_269, %parallel_loop3A_270] {strides = array<i32>} : memref<64x128xf32, #tpu.memory_space<vmem>>, vector<16xf32>,
        %parallel_loop3A_272 = tpu.vector_load_idx %arg15[%parallel_loop3A_240, %parallel_loop3A_268] : memref<200x128xf32, #tpu.memory_space<vmem>>[vector<16xi32>, vector<16xi32>], vector<16xf32>,
        %parallel_loop3A_273 = tpu.vector_load_idx %arg16[%parallel_loop3A_243, %parallel_loop3A_268] : memref<3x128xf32, #tpu.memory_space<vmem>>[vector<16xi32>, vector<16xi32>], vector<16xf32>,
        %parallel_loop3A_274 = arith.addf %parallel_loop3A_272, %parallel_loop3A_273 : vector<16xf32>
        %parallel_loop3A_275 = arith.addf %parallel_loop3A_271, %parallel_loop3A_274 : vector<16xf32>
        %parallel_loop3A_276 = arith.mulf %parallel_loop3A_275, %parallel_loop3A_275 : vector<16xf32>
        %parallel_loop3A_277 = arith.constant 48 : i32
        %parallel_loop3A_278 = vector.broadcast %parallel_loop3A_277 : i32 to vector<16xi32>
        %parallel_loop3A_279 = arith.addi %iota3A, %parallel_loop3A_278 : vector<16xi32>
        %parallel_loop3A_280 = arith.index_cast %parallel_loop3A_220 : i32 to index
        %parallel_loop3A_281 = arith.constant 48 : index
        %parallel_loop3A_282 = tpu.vector_load %arg11[%parallel_loop3A_280, %parallel_loop3A_281] {strides = array<i32>} : memref<64x128xf32, #tpu.memory_space<vmem>>, vector<16xf32>,
        %parallel_loop3A_283 = tpu.vector_load_idx %arg15[%parallel_loop3A_240, %parallel_loop3A_279] : memref<200x128xf32, #tpu.memory_space<vmem>>[vector<16xi32>, vector<16xi32>], vector<16xf32>,
        %parallel_loop3A_284 = tpu.vector_load_idx %arg16[%parallel_loop3A_243, %parallel_loop3A_279] : memref<3x128xf32, #tpu.memory_space<vmem>>[vector<16xi32>, vector<16xi32>], vector<16xf32>,
        %parallel_loop3A_285 = arith.addf %parallel_loop3A_283, %parallel_loop3A_284 : vector<16xf32>
        %parallel_loop3A_286 = arith.addf %parallel_loop3A_282, %parallel_loop3A_285 : vector<16xf32>
        %parallel_loop3A_287 = arith.mulf %parallel_loop3A_286, %parallel_loop3A_286 : vector<16xf32>
        %parallel_loop3A_288 = arith.constant 64 : i32
        %parallel_loop3A_289 = vector.broadcast %parallel_loop3A_288 : i32 to vector<16xi32>
        %parallel_loop3A_290 = arith.addi %iota3A, %parallel_loop3A_289 : vector<16xi32>
        %parallel_loop3A_291 = arith.index_cast %parallel_loop3A_220 : i32 to index
        %parallel_loop3A_292 = arith.constant 64 : index
        %parallel_loop3A_293 = tpu.vector_load %arg11[%parallel_loop3A_291, %parallel_loop3A_292] {strides = array<i32>} : memref<64x128xf32, #tpu.memory_space<vmem>>, vector<16xf32>,
        %parallel_loop3A_294 = tpu.vector_load_idx %arg15[%parallel_loop3A_240, %parallel_loop3A_290] : memref<200x128xf32, #tpu.memory_space<vmem>>[vector<16xi32>, vector<16xi32>], vector<16xf32>,
        %parallel_loop3A_295 = tpu.vector_load_idx %arg16[%parallel_loop3A_243, %parallel_loop3A_290] : memref<3x128xf32, #tpu.memory_space<vmem>>[vector<16xi32>, vector<16xi32>], vector<16xf32>,
        %parallel_loop3A_296 = arith.addf %parallel_loop3A_294, %parallel_loop3A_295 : vector<16xf32>
        %parallel_loop3A_297 = arith.addf %parallel_loop3A_293, %parallel_loop3A_296 : vector<16xf32>
        %parallel_loop3A_298 = arith.mulf %parallel_loop3A_297, %parallel_loop3A_297 : vector<16xf32>
        %parallel_loop3A_299 = arith.constant 80 : i32
        %parallel_loop3A_300 = vector.broadcast %parallel_loop3A_299 : i32 to vector<16xi32>
        %parallel_loop3A_301 = arith.addi %iota3A, %parallel_loop3A_300 : vector<16xi32>
        %parallel_loop3A_302 = arith.index_cast %parallel_loop3A_220 : i32 to index
        %parallel_loop3A_303 = arith.constant 80 : index
        %parallel_loop3A_304 = tpu.vector_load %arg11[%parallel_loop3A_302, %parallel_loop3A_303] {strides = array<i32>} : memref<64x128xf32, #tpu.memory_space<vmem>>, vector<16xf32>,
        %parallel_loop3A_305 = tpu.vector_load_idx %arg15[%parallel_loop3A_240, %parallel_loop3A_301] : memref<200x128xf32, #tpu.memory_space<vmem>>[vector<16xi32>, vector<16xi32>], vector<16xf32>,
        %parallel_loop3A_306 = tpu.vector_load_idx %arg16[%parallel_loop3A_243, %parallel_loop3A_301] : memref<3x128xf32, #tpu.memory_space<vmem>>[vector<16xi32>, vector<16xi32>], vector<16xf32>,
        %parallel_loop3A_307 = arith.addf %parallel_loop3A_305, %parallel_loop3A_306 : vector<16xf32>
        %parallel_loop3A_308 = arith.addf %parallel_loop3A_304, %parallel_loop3A_307 : vector<16xf32>
        %parallel_loop3A_309 = arith.mulf %parallel_loop3A_308, %parallel_loop3A_308 : vector<16xf32>
        %parallel_loop3A_310 = arith.constant 96 : i32
        %parallel_loop3A_311 = vector.broadcast %parallel_loop3A_310 : i32 to vector<16xi32>
        %parallel_loop3A_312 = arith.addi %iota3A, %parallel_loop3A_311 : vector<16xi32>
        %parallel_loop3A_313 = arith.index_cast %parallel_loop3A_220 : i32 to index
        %parallel_loop3A_314 = arith.constant 96 : index
        %parallel_loop3A_315 = tpu.vector_load %arg11[%parallel_loop3A_313, %parallel_loop3A_314] {strides = array<i32>} : memref<64x128xf32, #tpu.memory_space<vmem>>, vector<16xf32>,
        %parallel_loop3A_316 = tpu.vector_load_idx %arg15[%parallel_loop3A_240, %parallel_loop3A_312] : memref<200x128xf32, #tpu.memory_space<vmem>>[vector<16xi32>, vector<16xi32>], vector<16xf32>,
        %parallel_loop3A_317 = tpu.vector_load_idx %arg16[%parallel_loop3A_243, %parallel_loop3A_312] : memref<3x128xf32, #tpu.memory_space<vmem>>[vector<16xi32>, vector<16xi32>], vector<16xf32>,
        %parallel_loop3A_318 = arith.addf %parallel_loop3A_316, %parallel_loop3A_317 : vector<16xf32>
        %parallel_loop3A_319 = arith.addf %parallel_loop3A_315, %parallel_loop3A_318 : vector<16xf32>
        %parallel_loop3A_320 = arith.mulf %parallel_loop3A_319, %parallel_loop3A_319 : vector<16xf32>
        %parallel_loop3A_321 = arith.constant 112 : i32
        %parallel_loop3A_322 = vector.broadcast %parallel_loop3A_321 : i32 to vector<16xi32>
        %parallel_loop3A_323 = arith.addi %iota3A, %parallel_loop3A_322 : vector<16xi32>
        %parallel_loop3A_324 = arith.index_cast %parallel_loop3A_220 : i32 to index
        %parallel_loop3A_325 = arith.constant 112 : index
        %parallel_loop3A_326 = tpu.vector_load %arg11[%parallel_loop3A_324, %parallel_loop3A_325] {strides = array<i32>} : memref<64x128xf32, #tpu.memory_space<vmem>>, vector<16xf32>,
        %parallel_loop3A_327 = tpu.vector_load_idx %arg15[%parallel_loop3A_240, %parallel_loop3A_323] : memref<200x128xf32, #tpu.memory_space<vmem>>[vector<16xi32>, vector<16xi32>], vector<16xf32>,
        %parallel_loop3A_328 = tpu.vector_load_idx %arg16[%parallel_loop3A_243, %parallel_loop3A_323] : memref<3x128xf32, #tpu.memory_space<vmem>>[vector<16xi32>, vector<16xi32>], vector<16xf32>,
        %parallel_loop3A_329 = arith.addf %parallel_loop3A_327, %parallel_loop3A_328 : vector<16xf32>
        %parallel_loop3A_330 = arith.addf %parallel_loop3A_326, %parallel_loop3A_329 : vector<16xf32>
        %parallel_loop3A_331 = arith.mulf %parallel_loop3A_330, %parallel_loop3A_330 : vector<16xf32>
        %parallel_loop3A_332 = arith.addf %parallel_loop3A_254, %parallel_loop3A_265 : vector<16xf32>
        %parallel_loop3A_333 = arith.addf %parallel_loop3A_276, %parallel_loop3A_287 : vector<16xf32>
        %parallel_loop3A_334 = arith.addf %parallel_loop3A_332, %parallel_loop3A_333 : vector<16xf32>
        %parallel_loop3A_335 = arith.addf %parallel_loop3A_298, %parallel_loop3A_309 : vector<16xf32>
        %parallel_loop3A_336 = arith.addf %parallel_loop3A_320, %parallel_loop3A_331 : vector<16xf32>
        %parallel_loop3A_337 = arith.addf %parallel_loop3A_335, %parallel_loop3A_336 : vector<16xf32>
        %parallel_loop3A_338 = arith.addf %parallel_loop3A_334, %parallel_loop3A_337 : vector<16xf32>
        %parallel_loop3A_339 = arith.constant true
        %parallel_loop3A_340 = vector.broadcast %parallel_loop3A_339 : i1 to vector<16xi1>
        %parallel_loop3A_341 = tpu.scan <sum>, %parallel_loop3A_338 masked %parallel_loop3A_340 : vector<16xf32>, vector<16xi1> -> vector<16xf32>
        %parallel_loop3A_342 = vector.extract %parallel_loop3A_341[15] : f32 from vector<16xf32>
        %parallel_loop3A_343 = vector.broadcast %parallel_loop3A_342 : f32 to vector<16xf32>
        %parallel_loop3A_344 = arith.constant 7.812500e-03 : f32
        %parallel_loop3A_345 = vector.broadcast %parallel_loop3A_344 : f32 to vector<16xf32>
        %parallel_loop3A_346 = arith.mulf %parallel_loop3A_343, %parallel_loop3A_345 : vector<16xf32>
        %parallel_loop3A_347 = arith.constant 9.99999996E-13 : f32
        %parallel_loop3A_348 = vector.broadcast %parallel_loop3A_347 : f32 to vector<16xf32>
        %parallel_loop3A_349 = arith.addf %parallel_loop3A_346, %parallel_loop3A_348 : vector<16xf32>
        %parallel_loop3A_350 = tpu.bitcast %parallel_loop3A_349 : vector<16xf32> -> vector<16xi32>
        %parallel_loop3A_351 = arith.constant 1 : i32
        %parallel_loop3A_352 = vector.broadcast %parallel_loop3A_351 : i32 to vector<16xi32>
        %parallel_loop3A_353 = arith.shrui %parallel_loop3A_350, %parallel_loop3A_352 : vector<16xi32>
        %parallel_loop3A_354 = arith.subi %broadcast_in_dim3A_66, %parallel_loop3A_353 : vector<16xi32>
        %parallel_loop3A_355 = tpu.bitcast %parallel_loop3A_354 : vector<16xi32> -> vector<16xf32>
        %parallel_loop3A_356 = arith.constant 5.000000e-01 : f32
        %parallel_loop3A_357 = vector.broadcast %parallel_loop3A_356 : f32 to vector<16xf32>
        %parallel_loop3A_358 = arith.mulf %parallel_loop3A_349, %parallel_loop3A_357 : vector<16xf32>
        %parallel_loop3A_359 = arith.mulf %parallel_loop3A_358, %parallel_loop3A_355 : vector<16xf32>
        %parallel_loop3A_360 = arith.mulf %parallel_loop3A_359, %parallel_loop3A_355 : vector<16xf32>
        %parallel_loop3A_361 = arith.constant 1.500000e+00 : f32
        %parallel_loop3A_362 = vector.broadcast %parallel_loop3A_361 : f32 to vector<16xf32>
        %parallel_loop3A_363 = arith.subf %parallel_loop3A_362, %parallel_loop3A_360 : vector<16xf32>
        %parallel_loop3A_364 = arith.mulf %parallel_loop3A_355, %parallel_loop3A_363 : vector<16xf32>
        %parallel_loop3A_365 = arith.mulf %parallel_loop3A_358, %parallel_loop3A_364 : vector<16xf32>
        %parallel_loop3A_366 = arith.mulf %parallel_loop3A_365, %parallel_loop3A_364 : vector<16xf32>
        %parallel_loop3A_367 = arith.constant 1.500000e+00 : f32
        %parallel_loop3A_368 = vector.broadcast %parallel_loop3A_367 : f32 to vector<16xf32>
        %parallel_loop3A_369 = arith.subf %parallel_loop3A_368, %parallel_loop3A_366 : vector<16xf32>
        %parallel_loop3A_370 = arith.mulf %parallel_loop3A_364, %parallel_loop3A_369 : vector<16xf32>
        %parallel_loop3A_371 = arith.mulf %parallel_loop3A_358, %parallel_loop3A_370 : vector<16xf32>
        %parallel_loop3A_372 = arith.mulf %parallel_loop3A_371, %parallel_loop3A_370 : vector<16xf32>
        %parallel_loop3A_373 = arith.constant 1.500000e+00 : f32
        %parallel_loop3A_374 = vector.broadcast %parallel_loop3A_373 : f32 to vector<16xf32>
        %parallel_loop3A_375 = arith.subf %parallel_loop3A_374, %parallel_loop3A_372 : vector<16xf32>
        %parallel_loop3A_376 = arith.mulf %parallel_loop3A_370, %parallel_loop3A_375 : vector<16xf32>
        %parallel_loop3A_377 = arith.mulf %parallel_loop3A_253, %parallel_loop3A_376 : vector<16xf32>
        %parallel_loop3A_378 = arith.mulf %parallel_loop3A_377, %get3A_5 : vector<16xf32>
        %parallel_loop3A_379 = arith.addf %parallel_loop3A_378, %get3A_37 : vector<16xf32>
        %parallel_loop3A_380 = arith.index_cast %parallel_loop3A_220 : i32 to index
        %parallel_loop3A_381 = arith.constant 0 : index
        %parallel_loop3A_382 = tpu.vector_load %arg11[%parallel_loop3A_380, %parallel_loop3A_381] {strides = array<i32>} : memref<64x128xf32, #tpu.memory_space<vmem>>, vector<16xf32>,
        tpu.vector_store %arg11[%parallel_loop3A_380, %parallel_loop3A_381], %parallel_loop3A_379 {strides = array<i32>} : memref<64x128xf32, #tpu.memory_space<vmem>>, vector<16xf32>,
        %parallel_loop3A_383 = arith.mulf %parallel_loop3A_264, %parallel_loop3A_376 : vector<16xf32>
        %parallel_loop3A_384 = arith.mulf %parallel_loop3A_383, %get3A_9 : vector<16xf32>
        %parallel_loop3A_385 = arith.addf %parallel_loop3A_384, %get3A_41 : vector<16xf32>
        %parallel_loop3A_386 = arith.index_cast %parallel_loop3A_220 : i32 to index
        %parallel_loop3A_387 = arith.constant 16 : index
        %parallel_loop3A_388 = tpu.vector_load %arg11[%parallel_loop3A_386, %parallel_loop3A_387] {strides = array<i32>} : memref<64x128xf32, #tpu.memory_space<vmem>>, vector<16xf32>,
        tpu.vector_store %arg11[%parallel_loop3A_386, %parallel_loop3A_387], %parallel_loop3A_385 {strides = array<i32>} : memref<64x128xf32, #tpu.memory_space<vmem>>, vector<16xf32>,
        %parallel_loop3A_389 = arith.mulf %parallel_loop3A_275, %parallel_loop3A_376 : vector<16xf32>
        %parallel_loop3A_390 = arith.mulf %parallel_loop3A_389, %get3A_13 : vector<16xf32>
        %parallel_loop3A_391 = arith.addf %parallel_loop3A_390, %get3A_45 : vector<16xf32>
        %parallel_loop3A_392 = arith.index_cast %parallel_loop3A_220 : i32 to index
        %parallel_loop3A_393 = arith.constant 32 : index
        %parallel_loop3A_394 = tpu.vector_load %arg11[%parallel_loop3A_392, %parallel_loop3A_393] {strides = array<i32>} : memref<64x128xf32, #tpu.memory_space<vmem>>, vector<16xf32>,
        tpu.vector_store %arg11[%parallel_loop3A_392, %parallel_loop3A_393], %parallel_loop3A_391 {strides = array<i32>} : memref<64x128xf32, #tpu.memory_space<vmem>>, vector<16xf32>,
        %parallel_loop3A_395 = arith.mulf %parallel_loop3A_286, %parallel_loop3A_376 : vector<16xf32>
        %parallel_loop3A_396 = arith.mulf %parallel_loop3A_395, %get3A_17 : vector<16xf32>
        %parallel_loop3A_397 = arith.addf %parallel_loop3A_396, %get3A_49 : vector<16xf32>
        %parallel_loop3A_398 = arith.index_cast %parallel_loop3A_220 : i32 to index
        %parallel_loop3A_399 = arith.constant 48 : index
        %parallel_loop3A_400 = tpu.vector_load %arg11[%parallel_loop3A_398, %parallel_loop3A_399] {strides = array<i32>} : memref<64x128xf32, #tpu.memory_space<vmem>>, vector<16xf32>,
        tpu.vector_store %arg11[%parallel_loop3A_398, %parallel_loop3A_399], %parallel_loop3A_397 {strides = array<i32>} : memref<64x128xf32, #tpu.memory_space<vmem>>, vector<16xf32>,
        %parallel_loop3A_401 = arith.mulf %parallel_loop3A_297, %parallel_loop3A_376 : vector<16xf32>
        %parallel_loop3A_402 = arith.mulf %parallel_loop3A_401, %get3A_21 : vector<16xf32>
        %parallel_loop3A_403 = arith.addf %parallel_loop3A_402, %get3A_53 : vector<16xf32>
        %parallel_loop3A_404 = arith.index_cast %parallel_loop3A_220 : i32 to index
        %parallel_loop3A_405 = arith.constant 64 : index
        %parallel_loop3A_406 = tpu.vector_load %arg11[%parallel_loop3A_404, %parallel_loop3A_405] {strides = array<i32>} : memref<64x128xf32, #tpu.memory_space<vmem>>, vector<16xf32>,
        tpu.vector_store %arg11[%parallel_loop3A_404, %parallel_loop3A_405], %parallel_loop3A_403 {strides = array<i32>} : memref<64x128xf32, #tpu.memory_space<vmem>>, vector<16xf32>,
        %parallel_loop3A_407 = arith.mulf %parallel_loop3A_308, %parallel_loop3A_376 : vector<16xf32>
        %parallel_loop3A_408 = arith.mulf %parallel_loop3A_407, %get3A_25 : vector<16xf32>
        %parallel_loop3A_409 = arith.addf %parallel_loop3A_408, %get3A_57 : vector<16xf32>
        %parallel_loop3A_410 = arith.index_cast %parallel_loop3A_220 : i32 to index
        %parallel_loop3A_411 = arith.constant 80 : index
        %parallel_loop3A_412 = tpu.vector_load %arg11[%parallel_loop3A_410, %parallel_loop3A_411] {strides = array<i32>} : memref<64x128xf32, #tpu.memory_space<vmem>>, vector<16xf32>,
        tpu.vector_store %arg11[%parallel_loop3A_410, %parallel_loop3A_411], %parallel_loop3A_409 {strides = array<i32>} : memref<64x128xf32, #tpu.memory_space<vmem>>, vector<16xf32>,
        %parallel_loop3A_413 = arith.mulf %parallel_loop3A_319, %parallel_loop3A_376 : vector<16xf32>
        %parallel_loop3A_414 = arith.mulf %parallel_loop3A_413, %get3A_29 : vector<16xf32>
        %parallel_loop3A_415 = arith.addf %parallel_loop3A_414, %get3A_61 : vector<16xf32>
        %parallel_loop3A_416 = arith.index_cast %parallel_loop3A_220 : i32 to index
        %parallel_loop3A_417 = arith.constant 96 : index
        %parallel_loop3A_418 = tpu.vector_load %arg11[%parallel_loop3A_416, %parallel_loop3A_417] {strides = array<i32>} : memref<64x128xf32, #tpu.memory_space<vmem>>, vector<16xf32>,
        tpu.vector_store %arg11[%parallel_loop3A_416, %parallel_loop3A_417], %parallel_loop3A_415 {strides = array<i32>} : memref<64x128xf32, #tpu.memory_space<vmem>>, vector<16xf32>,
        %parallel_loop3A_419 = arith.mulf %parallel_loop3A_330, %parallel_loop3A_376 : vector<16xf32>
        %parallel_loop3A_420 = arith.mulf %parallel_loop3A_419, %get3A_33 : vector<16xf32>
        %parallel_loop3A_421 = arith.addf %parallel_loop3A_420, %get3A_65 : vector<16xf32>
        %parallel_loop3A_422 = arith.index_cast %parallel_loop3A_220 : i32 to index
        %parallel_loop3A_423 = arith.constant 112 : index
        %parallel_loop3A_424 = tpu.vector_load %arg11[%parallel_loop3A_422, %parallel_loop3A_423] {strides = array<i32>} : memref<64x128xf32, #tpu.memory_space<vmem>>, vector<16xf32>,
        tpu.vector_store %arg11[%parallel_loop3A_422, %parallel_loop3A_423], %parallel_loop3A_421 {strides = array<i32>} : memref<64x128xf32, #tpu.memory_space<vmem>>, vector<16xf32>,
      } {sc.loop_unroll_factor = 4 : i64, sc.parallel_access}
      %mul3A_117 = arith.constant 64 : i32
      %mul3A_118 = arith.muli %add3A_100, %mul3A_117 : i32
      %add3A_119 = arith.addi %mul3A_2, %mul3A_118 : i32
      %dma_start3A_120 = arith.constant 0 : i32
      %dma_start3A_121 = tpu.memref_slice %arg8[%add3A_119, %dma_start3A_120] : memref<204800x128xf32, #tpu.memory_space<hbm>> -> memref<64x128xf32, #tpu.memory_space<hbm>>
      %dma_start3A_122 = arith.constant 0 : i32
      %dma_start3A_123 = tpu.memref_slice %arg8[%add3A_119, %dma_start3A_122] : memref<204800x128xf32, #tpu.memory_space<hbm>> -> memref<64x128xf32, #tpu.memory_space<hbm>>
      tpu.enqueue_dma source(%arg11 : memref<64x128xf32, #tpu.memory_space<vmem>>) target(%dma_start3A_123 : memref<64x128xf32, #tpu.memory_space<hbm>>) target_semaphore(%arg22 : memref<!tpu.dma_semaphore, #tpu.memory_space<semaphore_mem>>)
      %mul3A_124 = arith.constant 4 : i32
      %mul3A_125 = arith.muli %scan3A_96, %mul3A_124 : i32
      %add3A_126 = arith.constant 1 : i32
      %add3A_127 = arith.addi %mul3A_125, %add3A_126 : i32
      %ge3A_128 = arith.constant 2 : i32
      %ge3A_129 = arith.cmpi sge, %add3A_127, %ge3A_128 : i32
      %convert_element_type3A_130 = arith.extui %ge3A_129 : i1 to i32
      %cond3A_131 = arith.constant 0 : i32
      %cond3A_132 = arith.cmpi ne, %convert_element_type3A_130, %cond3A_131 : i32
      scf.if %cond3A_132 {
        %sub3A = arith.constant 2 : i32
        %sub3A_220 = arith.subi %add3A_127, %sub3A : i32
        %mul3A_221 = arith.constant 64 : i32
        %mul3A_222 = arith.muli %sub3A_220, %mul3A_221 : i32
        %add3A_223 = arith.addi %mul3A_2, %mul3A_222 : i32
        %dma_wait3A_224 = arith.constant 0 : i32
        %dma_wait3A_225 = tpu.memref_slice %arg8[%add3A_223, %dma_wait3A_224] : memref<204800x128xf32, #tpu.memory_space<hbm>> -> memref<64x128xf32, #tpu.memory_space<hbm>>
        %dma_wait3A_226 = arith.constant 0 : i32
        %dma_wait3A_227 = tpu.memref_slice %arg8[%add3A_223, %dma_wait3A_226] : memref<204800x128xf32, #tpu.memory_space<hbm>> -> memref<64x128xf32, #tpu.memory_space<hbm>>
        tpu.wait_dma2 semaphore(%arg25 : memref<!tpu.dma_semaphore, #tpu.memory_space<semaphore_mem>>) src(%arg14 : memref<64x128xf32, #tpu.memory_space<vmem>>) dst(%dma_wait3A_227 : memref<64x128xf32, #tpu.memory_space<hbm>>)
      } else {
      }
      %add3A_133 = arith.constant 2 : i32
      %add3A_134 = arith.addi %add3A_127, %add3A_133 : i32
      %lt3A_135 = arith.constant 100 : i32
      %lt3A_136 = arith.cmpi slt, %add3A_134, %lt3A_135 : i32
      %convert_element_type3A_137 = arith.extui %lt3A_136 : i1 to i32
      %cond3A_138 = arith.constant 0 : i32
      %cond3A_139 = arith.cmpi ne, %convert_element_type3A_137, %cond3A_138 : i32
      scf.if %cond3A_139 {
        %add3A_220 = arith.constant 2 : i32
        %add3A_221 = arith.addi %add3A_127, %add3A_220 : i32
        %dma_start3A_222 = arith.constant 0 : i32
        %dma_start3A_223 = tpu.memref_slice %arg9[%add3A_221, %dma_start3A_222] : memref<100x64xi32, #tpu.memory_space<vmem>> -> memref<1x64xi32, #tpu.memory_space<vmem>>
        %dma_start3A_224 = tpu.memref_squeeze %dma_start3A_223 : memref<1x64xi32, #tpu.memory_space<vmem>> -> memref<64xi32, #tpu.memory_space<vmem>>
        %dma_start3A_225 = arith.constant 0 : i32
        %dma_start3A_226 = arith.constant 0 : i32
        %dma_start3A_227 = tpu.memref_slice %arg2[%dma_start3A_225, %dma_start3A_226] : memref<100000x128xf32, #tpu.memory_space<hbm>> -> memref<100000x128xf32, #tpu.memory_space<hbm>>
        tpu.enqueue_indirect_dma source(%dma_start3A_227 : memref<100000x128xf32, #tpu.memory_space<hbm>>) target(%arg14 : memref<64x128xf32, #tpu.memory_space<vmem>>) offsets(%dma_start3A_224 : memref<64xi32, #tpu.memory_space<vmem>>) semaphore(%arg21 : memref<!tpu.dma_semaphore, #tpu.memory_space<semaphore_mem>>)
      } else {
      }
      %dma_wait3A_140 = arith.constant 0 : i32
      %dma_wait3A_141 = tpu.memref_slice %arg9[%add3A_127, %dma_wait3A_140] : memref<100x64xi32, #tpu.memory_space<vmem>> -> memref<1x64xi32, #tpu.memory_space<vmem>>
      %dma_wait3A_142 = tpu.memref_squeeze %dma_wait3A_141 : memref<1x64xi32, #tpu.memory_space<vmem>> -> memref<64xi32, #tpu.memory_space<vmem>>
      %dma_wait3A_143 = arith.constant 0 : i32
      %dma_wait3A_144 = arith.constant 0 : i32
      %dma_wait3A_145 = tpu.memref_slice %arg2[%dma_wait3A_143, %dma_wait3A_144] : memref<100000x128xf32, #tpu.memory_space<hbm>> -> memref<100000x128xf32, #tpu.memory_space<hbm>>
      tpu.wait_indirect_dma semaphore(%arg19 : memref<!tpu.dma_semaphore, #tpu.memory_space<semaphore_mem>>) src(%dma_wait3A_145 : memref<100000x128xf32, #tpu.memory_space<hbm>>) dst(%arg12 : memref<64x128xf32, #tpu.memory_space<vmem>>)
      %parallel_loop3A_146 = arith.constant 0 : i32
      %parallel_loop3A_147 = arith.constant 64 : i32
      %parallel_loop3A_148 = arith.constant 1 : i32
      scf.for %parallel_loop3A_220 = %parallel_loop3A_146 to %parallel_loop3A_147 step %parallel_loop3A_148  : i32 {
        %parallel_loop3A_221 = arith.constant 16 : i32
        %parallel_loop3A_222 = arith.remsi %parallel_loop3A_220, %parallel_loop3A_221 : i32
        %parallel_loop3A_223 = arith.subi %parallel_loop3A_220, %parallel_loop3A_222 : i32
        %parallel_loop3A_224 = arith.index_cast %add3A_127 : i32 to index
        %parallel_loop3A_225 = arith.index_cast %parallel_loop3A_223 : i32 to index
        %parallel_loop3A_226 = tpu.vector_load %arg10[%parallel_loop3A_224, %parallel_loop3A_225] {strides = array<i32>} : memref<100x64xi32, #tpu.memory_space<vmem>>, vector<16xi32>,
        %parallel_loop3A_227 = vector.broadcast %parallel_loop3A_222 : i32 to vector<16xi32>
        %parallel_loop3A_228 = arith.constant 0 : i32
        %parallel_loop3A_229 = vector.broadcast %parallel_loop3A_228 : i32 to vector<16xi32>
        %parallel_loop3A_230 = arith.cmpi slt, %parallel_loop3A_227, %parallel_loop3A_229 : vector<16xi32>
        %parallel_loop3A_231 = arith.constant 16 : i32
        %parallel_loop3A_232 = vector.broadcast %parallel_loop3A_231 : i32 to vector<16xi32>
        %parallel_loop3A_233 = arith.addi %parallel_loop3A_227, %parallel_loop3A_232 : vector<16xi32>
        %parallel_loop3A_234 = arith.select %parallel_loop3A_230, %parallel_loop3A_233, %parallel_loop3A_227 : vector<16xi1>, vector<16xi32>
        %parallel_loop3A_235 = vector.shape_cast %parallel_loop3A_234 : vector<16xi32> to vector<16x1xi32>
        %parallel_loop3A_236 = vector.shape_cast %parallel_loop3A_235 : vector<16x1xi32> to vector<16xi32>
        %parallel_loop3A_237 = tpu.dynamic_gather %parallel_loop3A_226[%parallel_loop3A_236] in [0] : vector<16xi32>, vector<16xi32> -> vector<16xi32>
        %parallel_loop3A_238 = arith.constant 255 : i32
        %parallel_loop3A_239 = vector.broadcast %parallel_loop3A_238 : i32 to vector<16xi32>
        %parallel_loop3A_240 = arith.andi %parallel_loop3A_237, %parallel_loop3A_239 : vector<16xi32>
        %parallel_loop3A_241 = arith.constant 8 : i32
        %parallel_loop3A_242 = vector.broadcast %parallel_loop3A_241 : i32 to vector<16xi32>
        %parallel_loop3A_243 = arith.shrui %parallel_loop3A_237, %parallel_loop3A_242 : vector<16xi32>
        %parallel_loop3A_244 = arith.constant 0 : i32
        %parallel_loop3A_245 = vector.broadcast %parallel_loop3A_244 : i32 to vector<16xi32>
        %parallel_loop3A_246 = arith.addi %iota3A, %parallel_loop3A_245 : vector<16xi32>
        %parallel_loop3A_247 = arith.index_cast %parallel_loop3A_220 : i32 to index
        %parallel_loop3A_248 = arith.constant 0 : index
        %parallel_loop3A_249 = tpu.vector_load %arg12[%parallel_loop3A_247, %parallel_loop3A_248] {strides = array<i32>} : memref<64x128xf32, #tpu.memory_space<vmem>>, vector<16xf32>,
        %parallel_loop3A_250 = tpu.vector_load_idx %arg15[%parallel_loop3A_240, %parallel_loop3A_246] : memref<200x128xf32, #tpu.memory_space<vmem>>[vector<16xi32>, vector<16xi32>], vector<16xf32>,
        %parallel_loop3A_251 = tpu.vector_load_idx %arg16[%parallel_loop3A_243, %parallel_loop3A_246] : memref<3x128xf32, #tpu.memory_space<vmem>>[vector<16xi32>, vector<16xi32>], vector<16xf32>,
        %parallel_loop3A_252 = arith.addf %parallel_loop3A_250, %parallel_loop3A_251 : vector<16xf32>
        %parallel_loop3A_253 = arith.addf %parallel_loop3A_249, %parallel_loop3A_252 : vector<16xf32>
        %parallel_loop3A_254 = arith.mulf %parallel_loop3A_253, %parallel_loop3A_253 : vector<16xf32>
        %parallel_loop3A_255 = arith.constant 16 : i32
        %parallel_loop3A_256 = vector.broadcast %parallel_loop3A_255 : i32 to vector<16xi32>
        %parallel_loop3A_257 = arith.addi %iota3A, %parallel_loop3A_256 : vector<16xi32>
        %parallel_loop3A_258 = arith.index_cast %parallel_loop3A_220 : i32 to index
        %parallel_loop3A_259 = arith.constant 16 : index
        %parallel_loop3A_260 = tpu.vector_load %arg12[%parallel_loop3A_258, %parallel_loop3A_259] {strides = array<i32>} : memref<64x128xf32, #tpu.memory_space<vmem>>, vector<16xf32>,
        %parallel_loop3A_261 = tpu.vector_load_idx %arg15[%parallel_loop3A_240, %parallel_loop3A_257] : memref<200x128xf32, #tpu.memory_space<vmem>>[vector<16xi32>, vector<16xi32>], vector<16xf32>,
        %parallel_loop3A_262 = tpu.vector_load_idx %arg16[%parallel_loop3A_243, %parallel_loop3A_257] : memref<3x128xf32, #tpu.memory_space<vmem>>[vector<16xi32>, vector<16xi32>], vector<16xf32>,
        %parallel_loop3A_263 = arith.addf %parallel_loop3A_261, %parallel_loop3A_262 : vector<16xf32>
        %parallel_loop3A_264 = arith.addf %parallel_loop3A_260, %parallel_loop3A_263 : vector<16xf32>
        %parallel_loop3A_265 = arith.mulf %parallel_loop3A_264, %parallel_loop3A_264 : vector<16xf32>
        %parallel_loop3A_266 = arith.constant 32 : i32
        %parallel_loop3A_267 = vector.broadcast %parallel_loop3A_266 : i32 to vector<16xi32>
        %parallel_loop3A_268 = arith.addi %iota3A, %parallel_loop3A_267 : vector<16xi32>
        %parallel_loop3A_269 = arith.index_cast %parallel_loop3A_220 : i32 to index
        %parallel_loop3A_270 = arith.constant 32 : index
        %parallel_loop3A_271 = tpu.vector_load %arg12[%parallel_loop3A_269, %parallel_loop3A_270] {strides = array<i32>} : memref<64x128xf32, #tpu.memory_space<vmem>>, vector<16xf32>,
        %parallel_loop3A_272 = tpu.vector_load_idx %arg15[%parallel_loop3A_240, %parallel_loop3A_268] : memref<200x128xf32, #tpu.memory_space<vmem>>[vector<16xi32>, vector<16xi32>], vector<16xf32>,
        %parallel_loop3A_273 = tpu.vector_load_idx %arg16[%parallel_loop3A_243, %parallel_loop3A_268] : memref<3x128xf32, #tpu.memory_space<vmem>>[vector<16xi32>, vector<16xi32>], vector<16xf32>,
        %parallel_loop3A_274 = arith.addf %parallel_loop3A_272, %parallel_loop3A_273 : vector<16xf32>
        %parallel_loop3A_275 = arith.addf %parallel_loop3A_271, %parallel_loop3A_274 : vector<16xf32>
        %parallel_loop3A_276 = arith.mulf %parallel_loop3A_275, %parallel_loop3A_275 : vector<16xf32>
        %parallel_loop3A_277 = arith.constant 48 : i32
        %parallel_loop3A_278 = vector.broadcast %parallel_loop3A_277 : i32 to vector<16xi32>
        %parallel_loop3A_279 = arith.addi %iota3A, %parallel_loop3A_278 : vector<16xi32>
        %parallel_loop3A_280 = arith.index_cast %parallel_loop3A_220 : i32 to index
        %parallel_loop3A_281 = arith.constant 48 : index
        %parallel_loop3A_282 = tpu.vector_load %arg12[%parallel_loop3A_280, %parallel_loop3A_281] {strides = array<i32>} : memref<64x128xf32, #tpu.memory_space<vmem>>, vector<16xf32>,
        %parallel_loop3A_283 = tpu.vector_load_idx %arg15[%parallel_loop3A_240, %parallel_loop3A_279] : memref<200x128xf32, #tpu.memory_space<vmem>>[vector<16xi32>, vector<16xi32>], vector<16xf32>,
        %parallel_loop3A_284 = tpu.vector_load_idx %arg16[%parallel_loop3A_243, %parallel_loop3A_279] : memref<3x128xf32, #tpu.memory_space<vmem>>[vector<16xi32>, vector<16xi32>], vector<16xf32>,
        %parallel_loop3A_285 = arith.addf %parallel_loop3A_283, %parallel_loop3A_284 : vector<16xf32>
        %parallel_loop3A_286 = arith.addf %parallel_loop3A_282, %parallel_loop3A_285 : vector<16xf32>
        %parallel_loop3A_287 = arith.mulf %parallel_loop3A_286, %parallel_loop3A_286 : vector<16xf32>
        %parallel_loop3A_288 = arith.constant 64 : i32
        %parallel_loop3A_289 = vector.broadcast %parallel_loop3A_288 : i32 to vector<16xi32>
        %parallel_loop3A_290 = arith.addi %iota3A, %parallel_loop3A_289 : vector<16xi32>
        %parallel_loop3A_291 = arith.index_cast %parallel_loop3A_220 : i32 to index
        %parallel_loop3A_292 = arith.constant 64 : index
        %parallel_loop3A_293 = tpu.vector_load %arg12[%parallel_loop3A_291, %parallel_loop3A_292] {strides = array<i32>} : memref<64x128xf32, #tpu.memory_space<vmem>>, vector<16xf32>,
        %parallel_loop3A_294 = tpu.vector_load_idx %arg15[%parallel_loop3A_240, %parallel_loop3A_290] : memref<200x128xf32, #tpu.memory_space<vmem>>[vector<16xi32>, vector<16xi32>], vector<16xf32>,
        %parallel_loop3A_295 = tpu.vector_load_idx %arg16[%parallel_loop3A_243, %parallel_loop3A_290] : memref<3x128xf32, #tpu.memory_space<vmem>>[vector<16xi32>, vector<16xi32>], vector<16xf32>,
        %parallel_loop3A_296 = arith.addf %parallel_loop3A_294, %parallel_loop3A_295 : vector<16xf32>
        %parallel_loop3A_297 = arith.addf %parallel_loop3A_293, %parallel_loop3A_296 : vector<16xf32>
        %parallel_loop3A_298 = arith.mulf %parallel_loop3A_297, %parallel_loop3A_297 : vector<16xf32>
        %parallel_loop3A_299 = arith.constant 80 : i32
        %parallel_loop3A_300 = vector.broadcast %parallel_loop3A_299 : i32 to vector<16xi32>
        %parallel_loop3A_301 = arith.addi %iota3A, %parallel_loop3A_300 : vector<16xi32>
        %parallel_loop3A_302 = arith.index_cast %parallel_loop3A_220 : i32 to index
        %parallel_loop3A_303 = arith.constant 80 : index
        %parallel_loop3A_304 = tpu.vector_load %arg12[%parallel_loop3A_302, %parallel_loop3A_303] {strides = array<i32>} : memref<64x128xf32, #tpu.memory_space<vmem>>, vector<16xf32>,
        %parallel_loop3A_305 = tpu.vector_load_idx %arg15[%parallel_loop3A_240, %parallel_loop3A_301] : memref<200x128xf32, #tpu.memory_space<vmem>>[vector<16xi32>, vector<16xi32>], vector<16xf32>,
        %parallel_loop3A_306 = tpu.vector_load_idx %arg16[%parallel_loop3A_243, %parallel_loop3A_301] : memref<3x128xf32, #tpu.memory_space<vmem>>[vector<16xi32>, vector<16xi32>], vector<16xf32>,
        %parallel_loop3A_307 = arith.addf %parallel_loop3A_305, %parallel_loop3A_306 : vector<16xf32>
        %parallel_loop3A_308 = arith.addf %parallel_loop3A_304, %parallel_loop3A_307 : vector<16xf32>
        %parallel_loop3A_309 = arith.mulf %parallel_loop3A_308, %parallel_loop3A_308 : vector<16xf32>
        %parallel_loop3A_310 = arith.constant 96 : i32
        %parallel_loop3A_311 = vector.broadcast %parallel_loop3A_310 : i32 to vector<16xi32>
        %parallel_loop3A_312 = arith.addi %iota3A, %parallel_loop3A_311 : vector<16xi32>
        %parallel_loop3A_313 = arith.index_cast %parallel_loop3A_220 : i32 to index
        %parallel_loop3A_314 = arith.constant 96 : index
        %parallel_loop3A_315 = tpu.vector_load %arg12[%parallel_loop3A_313, %parallel_loop3A_314] {strides = array<i32>} : memref<64x128xf32, #tpu.memory_space<vmem>>, vector<16xf32>,
        %parallel_loop3A_316 = tpu.vector_load_idx %arg15[%parallel_loop3A_240, %parallel_loop3A_312] : memref<200x128xf32, #tpu.memory_space<vmem>>[vector<16xi32>, vector<16xi32>], vector<16xf32>,
        %parallel_loop3A_317 = tpu.vector_load_idx %arg16[%parallel_loop3A_243, %parallel_loop3A_312] : memref<3x128xf32, #tpu.memory_space<vmem>>[vector<16xi32>, vector<16xi32>], vector<16xf32>,
        %parallel_loop3A_318 = arith.addf %parallel_loop3A_316, %parallel_loop3A_317 : vector<16xf32>
        %parallel_loop3A_319 = arith.addf %parallel_loop3A_315, %parallel_loop3A_318 : vector<16xf32>
        %parallel_loop3A_320 = arith.mulf %parallel_loop3A_319, %parallel_loop3A_319 : vector<16xf32>
        %parallel_loop3A_321 = arith.constant 112 : i32
        %parallel_loop3A_322 = vector.broadcast %parallel_loop3A_321 : i32 to vector<16xi32>
        %parallel_loop3A_323 = arith.addi %iota3A, %parallel_loop3A_322 : vector<16xi32>
        %parallel_loop3A_324 = arith.index_cast %parallel_loop3A_220 : i32 to index
        %parallel_loop3A_325 = arith.constant 112 : index
        %parallel_loop3A_326 = tpu.vector_load %arg12[%parallel_loop3A_324, %parallel_loop3A_325] {strides = array<i32>} : memref<64x128xf32, #tpu.memory_space<vmem>>, vector<16xf32>,
        %parallel_loop3A_327 = tpu.vector_load_idx %arg15[%parallel_loop3A_240, %parallel_loop3A_323] : memref<200x128xf32, #tpu.memory_space<vmem>>[vector<16xi32>, vector<16xi32>], vector<16xf32>,
        %parallel_loop3A_328 = tpu.vector_load_idx %arg16[%parallel_loop3A_243, %parallel_loop3A_323] : memref<3x128xf32, #tpu.memory_space<vmem>>[vector<16xi32>, vector<16xi32>], vector<16xf32>,
        %parallel_loop3A_329 = arith.addf %parallel_loop3A_327, %parallel_loop3A_328 : vector<16xf32>
        %parallel_loop3A_330 = arith.addf %parallel_loop3A_326, %parallel_loop3A_329 : vector<16xf32>
        %parallel_loop3A_331 = arith.mulf %parallel_loop3A_330, %parallel_loop3A_330 : vector<16xf32>
        %parallel_loop3A_332 = arith.addf %parallel_loop3A_254, %parallel_loop3A_265 : vector<16xf32>
        %parallel_loop3A_333 = arith.addf %parallel_loop3A_276, %parallel_loop3A_287 : vector<16xf32>
        %parallel_loop3A_334 = arith.addf %parallel_loop3A_332, %parallel_loop3A_333 : vector<16xf32>
        %parallel_loop3A_335 = arith.addf %parallel_loop3A_298, %parallel_loop3A_309 : vector<16xf32>
        %parallel_loop3A_336 = arith.addf %parallel_loop3A_320, %parallel_loop3A_331 : vector<16xf32>
        %parallel_loop3A_337 = arith.addf %parallel_loop3A_335, %parallel_loop3A_336 : vector<16xf32>
        %parallel_loop3A_338 = arith.addf %parallel_loop3A_334, %parallel_loop3A_337 : vector<16xf32>
        %parallel_loop3A_339 = arith.constant true
        %parallel_loop3A_340 = vector.broadcast %parallel_loop3A_339 : i1 to vector<16xi1>
        %parallel_loop3A_341 = tpu.scan <sum>, %parallel_loop3A_338 masked %parallel_loop3A_340 : vector<16xf32>, vector<16xi1> -> vector<16xf32>
        %parallel_loop3A_342 = vector.extract %parallel_loop3A_341[15] : f32 from vector<16xf32>
        %parallel_loop3A_343 = vector.broadcast %parallel_loop3A_342 : f32 to vector<16xf32>
        %parallel_loop3A_344 = arith.constant 7.812500e-03 : f32
        %parallel_loop3A_345 = vector.broadcast %parallel_loop3A_344 : f32 to vector<16xf32>
        %parallel_loop3A_346 = arith.mulf %parallel_loop3A_343, %parallel_loop3A_345 : vector<16xf32>
        %parallel_loop3A_347 = arith.constant 9.99999996E-13 : f32
        %parallel_loop3A_348 = vector.broadcast %parallel_loop3A_347 : f32 to vector<16xf32>
        %parallel_loop3A_349 = arith.addf %parallel_loop3A_346, %parallel_loop3A_348 : vector<16xf32>
        %parallel_loop3A_350 = tpu.bitcast %parallel_loop3A_349 : vector<16xf32> -> vector<16xi32>
        %parallel_loop3A_351 = arith.constant 1 : i32
        %parallel_loop3A_352 = vector.broadcast %parallel_loop3A_351 : i32 to vector<16xi32>
        %parallel_loop3A_353 = arith.shrui %parallel_loop3A_350, %parallel_loop3A_352 : vector<16xi32>
        %parallel_loop3A_354 = arith.subi %broadcast_in_dim3A_66, %parallel_loop3A_353 : vector<16xi32>
        %parallel_loop3A_355 = tpu.bitcast %parallel_loop3A_354 : vector<16xi32> -> vector<16xf32>
        %parallel_loop3A_356 = arith.constant 5.000000e-01 : f32
        %parallel_loop3A_357 = vector.broadcast %parallel_loop3A_356 : f32 to vector<16xf32>
        %parallel_loop3A_358 = arith.mulf %parallel_loop3A_349, %parallel_loop3A_357 : vector<16xf32>
        %parallel_loop3A_359 = arith.mulf %parallel_loop3A_358, %parallel_loop3A_355 : vector<16xf32>
        %parallel_loop3A_360 = arith.mulf %parallel_loop3A_359, %parallel_loop3A_355 : vector<16xf32>
        %parallel_loop3A_361 = arith.constant 1.500000e+00 : f32
        %parallel_loop3A_362 = vector.broadcast %parallel_loop3A_361 : f32 to vector<16xf32>
        %parallel_loop3A_363 = arith.subf %parallel_loop3A_362, %parallel_loop3A_360 : vector<16xf32>
        %parallel_loop3A_364 = arith.mulf %parallel_loop3A_355, %parallel_loop3A_363 : vector<16xf32>
        %parallel_loop3A_365 = arith.mulf %parallel_loop3A_358, %parallel_loop3A_364 : vector<16xf32>
        %parallel_loop3A_366 = arith.mulf %parallel_loop3A_365, %parallel_loop3A_364 : vector<16xf32>
        %parallel_loop3A_367 = arith.constant 1.500000e+00 : f32
        %parallel_loop3A_368 = vector.broadcast %parallel_loop3A_367 : f32 to vector<16xf32>
        %parallel_loop3A_369 = arith.subf %parallel_loop3A_368, %parallel_loop3A_366 : vector<16xf32>
        %parallel_loop3A_370 = arith.mulf %parallel_loop3A_364, %parallel_loop3A_369 : vector<16xf32>
        %parallel_loop3A_371 = arith.mulf %parallel_loop3A_358, %parallel_loop3A_370 : vector<16xf32>
        %parallel_loop3A_372 = arith.mulf %parallel_loop3A_371, %parallel_loop3A_370 : vector<16xf32>
        %parallel_loop3A_373 = arith.constant 1.500000e+00 : f32
        %parallel_loop3A_374 = vector.broadcast %parallel_loop3A_373 : f32 to vector<16xf32>
        %parallel_loop3A_375 = arith.subf %parallel_loop3A_374, %parallel_loop3A_372 : vector<16xf32>
        %parallel_loop3A_376 = arith.mulf %parallel_loop3A_370, %parallel_loop3A_375 : vector<16xf32>
        %parallel_loop3A_377 = arith.mulf %parallel_loop3A_253, %parallel_loop3A_376 : vector<16xf32>
        %parallel_loop3A_378 = arith.mulf %parallel_loop3A_377, %get3A_5 : vector<16xf32>
        %parallel_loop3A_379 = arith.addf %parallel_loop3A_378, %get3A_37 : vector<16xf32>
        %parallel_loop3A_380 = arith.index_cast %parallel_loop3A_220 : i32 to index
        %parallel_loop3A_381 = arith.constant 0 : index
        %parallel_loop3A_382 = tpu.vector_load %arg12[%parallel_loop3A_380, %parallel_loop3A_381] {strides = array<i32>} : memref<64x128xf32, #tpu.memory_space<vmem>>, vector<16xf32>,
        tpu.vector_store %arg12[%parallel_loop3A_380, %parallel_loop3A_381], %parallel_loop3A_379 {strides = array<i32>} : memref<64x128xf32, #tpu.memory_space<vmem>>, vector<16xf32>,
        %parallel_loop3A_383 = arith.mulf %parallel_loop3A_264, %parallel_loop3A_376 : vector<16xf32>
        %parallel_loop3A_384 = arith.mulf %parallel_loop3A_383, %get3A_9 : vector<16xf32>
        %parallel_loop3A_385 = arith.addf %parallel_loop3A_384, %get3A_41 : vector<16xf32>
        %parallel_loop3A_386 = arith.index_cast %parallel_loop3A_220 : i32 to index
        %parallel_loop3A_387 = arith.constant 16 : index
        %parallel_loop3A_388 = tpu.vector_load %arg12[%parallel_loop3A_386, %parallel_loop3A_387] {strides = array<i32>} : memref<64x128xf32, #tpu.memory_space<vmem>>, vector<16xf32>,
        tpu.vector_store %arg12[%parallel_loop3A_386, %parallel_loop3A_387], %parallel_loop3A_385 {strides = array<i32>} : memref<64x128xf32, #tpu.memory_space<vmem>>, vector<16xf32>,
        %parallel_loop3A_389 = arith.mulf %parallel_loop3A_275, %parallel_loop3A_376 : vector<16xf32>
        %parallel_loop3A_390 = arith.mulf %parallel_loop3A_389, %get3A_13 : vector<16xf32>
        %parallel_loop3A_391 = arith.addf %parallel_loop3A_390, %get3A_45 : vector<16xf32>
        %parallel_loop3A_392 = arith.index_cast %parallel_loop3A_220 : i32 to index
        %parallel_loop3A_393 = arith.constant 32 : index
        %parallel_loop3A_394 = tpu.vector_load %arg12[%parallel_loop3A_392, %parallel_loop3A_393] {strides = array<i32>} : memref<64x128xf32, #tpu.memory_space<vmem>>, vector<16xf32>,
        tpu.vector_store %arg12[%parallel_loop3A_392, %parallel_loop3A_393], %parallel_loop3A_391 {strides = array<i32>} : memref<64x128xf32, #tpu.memory_space<vmem>>, vector<16xf32>,
        %parallel_loop3A_395 = arith.mulf %parallel_loop3A_286, %parallel_loop3A_376 : vector<16xf32>
        %parallel_loop3A_396 = arith.mulf %parallel_loop3A_395, %get3A_17 : vector<16xf32>
        %parallel_loop3A_397 = arith.addf %parallel_loop3A_396, %get3A_49 : vector<16xf32>
        %parallel_loop3A_398 = arith.index_cast %parallel_loop3A_220 : i32 to index
        %parallel_loop3A_399 = arith.constant 48 : index
        %parallel_loop3A_400 = tpu.vector_load %arg12[%parallel_loop3A_398, %parallel_loop3A_399] {strides = array<i32>} : memref<64x128xf32, #tpu.memory_space<vmem>>, vector<16xf32>,
        tpu.vector_store %arg12[%parallel_loop3A_398, %parallel_loop3A_399], %parallel_loop3A_397 {strides = array<i32>} : memref<64x128xf32, #tpu.memory_space<vmem>>, vector<16xf32>,
        %parallel_loop3A_401 = arith.mulf %parallel_loop3A_297, %parallel_loop3A_376 : vector<16xf32>
        %parallel_loop3A_402 = arith.mulf %parallel_loop3A_401, %get3A_21 : vector<16xf32>
        %parallel_loop3A_403 = arith.addf %parallel_loop3A_402, %get3A_53 : vector<16xf32>
        %parallel_loop3A_404 = arith.index_cast %parallel_loop3A_220 : i32 to index
        %parallel_loop3A_405 = arith.constant 64 : index
        %parallel_loop3A_406 = tpu.vector_load %arg12[%parallel_loop3A_404, %parallel_loop3A_405] {strides = array<i32>} : memref<64x128xf32, #tpu.memory_space<vmem>>, vector<16xf32>,
        tpu.vector_store %arg12[%parallel_loop3A_404, %parallel_loop3A_405], %parallel_loop3A_403 {strides = array<i32>} : memref<64x128xf32, #tpu.memory_space<vmem>>, vector<16xf32>,
        %parallel_loop3A_407 = arith.mulf %parallel_loop3A_308, %parallel_loop3A_376 : vector<16xf32>
        %parallel_loop3A_408 = arith.mulf %parallel_loop3A_407, %get3A_25 : vector<16xf32>
        %parallel_loop3A_409 = arith.addf %parallel_loop3A_408, %get3A_57 : vector<16xf32>
        %parallel_loop3A_410 = arith.index_cast %parallel_loop3A_220 : i32 to index
        %parallel_loop3A_411 = arith.constant 80 : index
        %parallel_loop3A_412 = tpu.vector_load %arg12[%parallel_loop3A_410, %parallel_loop3A_411] {strides = array<i32>} : memref<64x128xf32, #tpu.memory_space<vmem>>, vector<16xf32>,
        tpu.vector_store %arg12[%parallel_loop3A_410, %parallel_loop3A_411], %parallel_loop3A_409 {strides = array<i32>} : memref<64x128xf32, #tpu.memory_space<vmem>>, vector<16xf32>,
        %parallel_loop3A_413 = arith.mulf %parallel_loop3A_319, %parallel_loop3A_376 : vector<16xf32>
        %parallel_loop3A_414 = arith.mulf %parallel_loop3A_413, %get3A_29 : vector<16xf32>
        %parallel_loop3A_415 = arith.addf %parallel_loop3A_414, %get3A_61 : vector<16xf32>
        %parallel_loop3A_416 = arith.index_cast %parallel_loop3A_220 : i32 to index
        %parallel_loop3A_417 = arith.constant 96 : index
        %parallel_loop3A_418 = tpu.vector_load %arg12[%parallel_loop3A_416, %parallel_loop3A_417] {strides = array<i32>} : memref<64x128xf32, #tpu.memory_space<vmem>>, vector<16xf32>,
        tpu.vector_store %arg12[%parallel_loop3A_416, %parallel_loop3A_417], %parallel_loop3A_415 {strides = array<i32>} : memref<64x128xf32, #tpu.memory_space<vmem>>, vector<16xf32>,
        %parallel_loop3A_419 = arith.mulf %parallel_loop3A_330, %parallel_loop3A_376 : vector<16xf32>
        %parallel_loop3A_420 = arith.mulf %parallel_loop3A_419, %get3A_33 : vector<16xf32>
        %parallel_loop3A_421 = arith.addf %parallel_loop3A_420, %get3A_65 : vector<16xf32>
        %parallel_loop3A_422 = arith.index_cast %parallel_loop3A_220 : i32 to index
        %parallel_loop3A_423 = arith.constant 112 : index
        %parallel_loop3A_424 = tpu.vector_load %arg12[%parallel_loop3A_422, %parallel_loop3A_423] {strides = array<i32>} : memref<64x128xf32, #tpu.memory_space<vmem>>, vector<16xf32>,
        tpu.vector_store %arg12[%parallel_loop3A_422, %parallel_loop3A_423], %parallel_loop3A_421 {strides = array<i32>} : memref<64x128xf32, #tpu.memory_space<vmem>>, vector<16xf32>,
      } {sc.loop_unroll_factor = 4 : i64, sc.parallel_access}
      %mul3A_149 = arith.constant 64 : i32
      %mul3A_150 = arith.muli %add3A_127, %mul3A_149 : i32
      %add3A_151 = arith.addi %mul3A_2, %mul3A_150 : i32
      %dma_start3A_152 = arith.constant 0 : i32
      %dma_start3A_153 = tpu.memref_slice %arg8[%add3A_151, %dma_start3A_152] : memref<204800x128xf32, #tpu.memory_space<hbm>> -> memref<64x128xf32, #tpu.memory_space<hbm>>
      %dma_start3A_154 = arith.constant 0 : i32
      %dma_start3A_155 = tpu.memref_slice %arg8[%add3A_151, %dma_start3A_154] : memref<204800x128xf32, #tpu.memory_space<hbm>> -> memref<64x128xf32, #tpu.memory_space<hbm>>
      tpu.enqueue_dma source(%arg12 : memref<64x128xf32, #tpu.memory_space<vmem>>) target(%dma_start3A_155 : memref<64x128xf32, #tpu.memory_space<hbm>>) target_semaphore(%arg23 : memref<!tpu.dma_semaphore, #tpu.memory_space<semaphore_mem>>)
      %mul3A_156 = arith.constant 4 : i32
      %mul3A_157 = arith.muli %scan3A_96, %mul3A_156 : i32
      %add3A_158 = arith.constant 2 : i32
      %add3A_159 = arith.addi %mul3A_157, %add3A_158 : i32
      %ge3A_160 = arith.constant 2 : i32
      %ge3A_161 = arith.cmpi sge, %add3A_159, %ge3A_160 : i32
      %convert_element_type3A_162 = arith.extui %ge3A_161 : i1 to i32
      %cond3A_163 = arith.constant 0 : i32
      %cond3A_164 = arith.cmpi ne, %convert_element_type3A_162, %cond3A_163 : i32
      scf.if %cond3A_164 {
        %sub3A = arith.constant 2 : i32
        %sub3A_220 = arith.subi %add3A_159, %sub3A : i32
        %mul3A_221 = arith.constant 64 : i32
        %mul3A_222 = arith.muli %sub3A_220, %mul3A_221 : i32
        %add3A_223 = arith.addi %mul3A_2, %mul3A_222 : i32
        %dma_wait3A_224 = arith.constant 0 : i32
        %dma_wait3A_225 = tpu.memref_slice %arg8[%add3A_223, %dma_wait3A_224] : memref<204800x128xf32, #tpu.memory_space<hbm>> -> memref<64x128xf32, #tpu.memory_space<hbm>>
        %dma_wait3A_226 = arith.constant 0 : i32
        %dma_wait3A_227 = tpu.memref_slice %arg8[%add3A_223, %dma_wait3A_226] : memref<204800x128xf32, #tpu.memory_space<hbm>> -> memref<64x128xf32, #tpu.memory_space<hbm>>
        tpu.wait_dma2 semaphore(%arg22 : memref<!tpu.dma_semaphore, #tpu.memory_space<semaphore_mem>>) src(%arg11 : memref<64x128xf32, #tpu.memory_space<vmem>>) dst(%dma_wait3A_227 : memref<64x128xf32, #tpu.memory_space<hbm>>)
      } else {
      }
      %add3A_165 = arith.constant 2 : i32
      %add3A_166 = arith.addi %add3A_159, %add3A_165 : i32
      %lt3A_167 = arith.constant 100 : i32
      %lt3A_168 = arith.cmpi slt, %add3A_166, %lt3A_167 : i32
      %convert_element_type3A_169 = arith.extui %lt3A_168 : i1 to i32
      %cond3A_170 = arith.constant 0 : i32
      %cond3A_171 = arith.cmpi ne, %convert_element_type3A_169, %cond3A_170 : i32
      scf.if %cond3A_171 {
        %add3A_220 = arith.constant 2 : i32
        %add3A_221 = arith.addi %add3A_159, %add3A_220 : i32
        %dma_start3A_222 = arith.constant 0 : i32
        %dma_start3A_223 = tpu.memref_slice %arg9[%add3A_221, %dma_start3A_222] : memref<100x64xi32, #tpu.memory_space<vmem>> -> memref<1x64xi32, #tpu.memory_space<vmem>>
        %dma_start3A_224 = tpu.memref_squeeze %dma_start3A_223 : memref<1x64xi32, #tpu.memory_space<vmem>> -> memref<64xi32, #tpu.memory_space<vmem>>
        %dma_start3A_225 = arith.constant 0 : i32
        %dma_start3A_226 = arith.constant 0 : i32
        %dma_start3A_227 = tpu.memref_slice %arg2[%dma_start3A_225, %dma_start3A_226] : memref<100000x128xf32, #tpu.memory_space<hbm>> -> memref<100000x128xf32, #tpu.memory_space<hbm>>
        tpu.enqueue_indirect_dma source(%dma_start3A_227 : memref<100000x128xf32, #tpu.memory_space<hbm>>) target(%arg11 : memref<64x128xf32, #tpu.memory_space<vmem>>) offsets(%dma_start3A_224 : memref<64xi32, #tpu.memory_space<vmem>>) semaphore(%arg18 : memref<!tpu.dma_semaphore, #tpu.memory_space<semaphore_mem>>)
      } else {
      }
      %dma_wait3A_172 = arith.constant 0 : i32
      %dma_wait3A_173 = tpu.memref_slice %arg9[%add3A_159, %dma_wait3A_172] : memref<100x64xi32, #tpu.memory_space<vmem>> -> memref<1x64xi32, #tpu.memory_space<vmem>>
      %dma_wait3A_174 = tpu.memref_squeeze %dma_wait3A_173 : memref<1x64xi32, #tpu.memory_space<vmem>> -> memref<64xi32, #tpu.memory_space<vmem>>
      %dma_wait3A_175 = arith.constant 0 : i32
      %dma_wait3A_176 = arith.constant 0 : i32
      %dma_wait3A_177 = tpu.memref_slice %arg2[%dma_wait3A_175, %dma_wait3A_176] : memref<100000x128xf32, #tpu.memory_space<hbm>> -> memref<100000x128xf32, #tpu.memory_space<hbm>>
      tpu.wait_indirect_dma semaphore(%arg20 : memref<!tpu.dma_semaphore, #tpu.memory_space<semaphore_mem>>) src(%dma_wait3A_177 : memref<100000x128xf32, #tpu.memory_space<hbm>>) dst(%arg13 : memref<64x128xf32, #tpu.memory_space<vmem>>)
      %parallel_loop3A_178 = arith.constant 0 : i32
      %parallel_loop3A_179 = arith.constant 64 : i32
      %parallel_loop3A_180 = arith.constant 1 : i32
      scf.for %parallel_loop3A_220 = %parallel_loop3A_178 to %parallel_loop3A_179 step %parallel_loop3A_180  : i32 {
        %parallel_loop3A_221 = arith.constant 16 : i32
        %parallel_loop3A_222 = arith.remsi %parallel_loop3A_220, %parallel_loop3A_221 : i32
        %parallel_loop3A_223 = arith.subi %parallel_loop3A_220, %parallel_loop3A_222 : i32
        %parallel_loop3A_224 = arith.index_cast %add3A_159 : i32 to index
        %parallel_loop3A_225 = arith.index_cast %parallel_loop3A_223 : i32 to index
        %parallel_loop3A_226 = tpu.vector_load %arg10[%parallel_loop3A_224, %parallel_loop3A_225] {strides = array<i32>} : memref<100x64xi32, #tpu.memory_space<vmem>>, vector<16xi32>,
        %parallel_loop3A_227 = vector.broadcast %parallel_loop3A_222 : i32 to vector<16xi32>
        %parallel_loop3A_228 = arith.constant 0 : i32
        %parallel_loop3A_229 = vector.broadcast %parallel_loop3A_228 : i32 to vector<16xi32>
        %parallel_loop3A_230 = arith.cmpi slt, %parallel_loop3A_227, %parallel_loop3A_229 : vector<16xi32>
        %parallel_loop3A_231 = arith.constant 16 : i32
        %parallel_loop3A_232 = vector.broadcast %parallel_loop3A_231 : i32 to vector<16xi32>
        %parallel_loop3A_233 = arith.addi %parallel_loop3A_227, %parallel_loop3A_232 : vector<16xi32>
        %parallel_loop3A_234 = arith.select %parallel_loop3A_230, %parallel_loop3A_233, %parallel_loop3A_227 : vector<16xi1>, vector<16xi32>
        %parallel_loop3A_235 = vector.shape_cast %parallel_loop3A_234 : vector<16xi32> to vector<16x1xi32>
        %parallel_loop3A_236 = vector.shape_cast %parallel_loop3A_235 : vector<16x1xi32> to vector<16xi32>
        %parallel_loop3A_237 = tpu.dynamic_gather %parallel_loop3A_226[%parallel_loop3A_236] in [0] : vector<16xi32>, vector<16xi32> -> vector<16xi32>
        %parallel_loop3A_238 = arith.constant 255 : i32
        %parallel_loop3A_239 = vector.broadcast %parallel_loop3A_238 : i32 to vector<16xi32>
        %parallel_loop3A_240 = arith.andi %parallel_loop3A_237, %parallel_loop3A_239 : vector<16xi32>
        %parallel_loop3A_241 = arith.constant 8 : i32
        %parallel_loop3A_242 = vector.broadcast %parallel_loop3A_241 : i32 to vector<16xi32>
        %parallel_loop3A_243 = arith.shrui %parallel_loop3A_237, %parallel_loop3A_242 : vector<16xi32>
        %parallel_loop3A_244 = arith.constant 0 : i32
        %parallel_loop3A_245 = vector.broadcast %parallel_loop3A_244 : i32 to vector<16xi32>
        %parallel_loop3A_246 = arith.addi %iota3A, %parallel_loop3A_245 : vector<16xi32>
        %parallel_loop3A_247 = arith.index_cast %parallel_loop3A_220 : i32 to index
        %parallel_loop3A_248 = arith.constant 0 : index
        %parallel_loop3A_249 = tpu.vector_load %arg13[%parallel_loop3A_247, %parallel_loop3A_248] {strides = array<i32>} : memref<64x128xf32, #tpu.memory_space<vmem>>, vector<16xf32>,
        %parallel_loop3A_250 = tpu.vector_load_idx %arg15[%parallel_loop3A_240, %parallel_loop3A_246] : memref<200x128xf32, #tpu.memory_space<vmem>>[vector<16xi32>, vector<16xi32>], vector<16xf32>,
        %parallel_loop3A_251 = tpu.vector_load_idx %arg16[%parallel_loop3A_243, %parallel_loop3A_246] : memref<3x128xf32, #tpu.memory_space<vmem>>[vector<16xi32>, vector<16xi32>], vector<16xf32>,
        %parallel_loop3A_252 = arith.addf %parallel_loop3A_250, %parallel_loop3A_251 : vector<16xf32>
        %parallel_loop3A_253 = arith.addf %parallel_loop3A_249, %parallel_loop3A_252 : vector<16xf32>
        %parallel_loop3A_254 = arith.mulf %parallel_loop3A_253, %parallel_loop3A_253 : vector<16xf32>
        %parallel_loop3A_255 = arith.constant 16 : i32
        %parallel_loop3A_256 = vector.broadcast %parallel_loop3A_255 : i32 to vector<16xi32>
        %parallel_loop3A_257 = arith.addi %iota3A, %parallel_loop3A_256 : vector<16xi32>
        %parallel_loop3A_258 = arith.index_cast %parallel_loop3A_220 : i32 to index
        %parallel_loop3A_259 = arith.constant 16 : index
        %parallel_loop3A_260 = tpu.vector_load %arg13[%parallel_loop3A_258, %parallel_loop3A_259] {strides = array<i32>} : memref<64x128xf32, #tpu.memory_space<vmem>>, vector<16xf32>,
        %parallel_loop3A_261 = tpu.vector_load_idx %arg15[%parallel_loop3A_240, %parallel_loop3A_257] : memref<200x128xf32, #tpu.memory_space<vmem>>[vector<16xi32>, vector<16xi32>], vector<16xf32>,
        %parallel_loop3A_262 = tpu.vector_load_idx %arg16[%parallel_loop3A_243, %parallel_loop3A_257] : memref<3x128xf32, #tpu.memory_space<vmem>>[vector<16xi32>, vector<16xi32>], vector<16xf32>,
        %parallel_loop3A_263 = arith.addf %parallel_loop3A_261, %parallel_loop3A_262 : vector<16xf32>
        %parallel_loop3A_264 = arith.addf %parallel_loop3A_260, %parallel_loop3A_263 : vector<16xf32>
        %parallel_loop3A_265 = arith.mulf %parallel_loop3A_264, %parallel_loop3A_264 : vector<16xf32>
        %parallel_loop3A_266 = arith.constant 32 : i32
        %parallel_loop3A_267 = vector.broadcast %parallel_loop3A_266 : i32 to vector<16xi32>
        %parallel_loop3A_268 = arith.addi %iota3A, %parallel_loop3A_267 : vector<16xi32>
        %parallel_loop3A_269 = arith.index_cast %parallel_loop3A_220 : i32 to index
        %parallel_loop3A_270 = arith.constant 32 : index
        %parallel_loop3A_271 = tpu.vector_load %arg13[%parallel_loop3A_269, %parallel_loop3A_270] {strides = array<i32>} : memref<64x128xf32, #tpu.memory_space<vmem>>, vector<16xf32>,
        %parallel_loop3A_272 = tpu.vector_load_idx %arg15[%parallel_loop3A_240, %parallel_loop3A_268] : memref<200x128xf32, #tpu.memory_space<vmem>>[vector<16xi32>, vector<16xi32>], vector<16xf32>,
        %parallel_loop3A_273 = tpu.vector_load_idx %arg16[%parallel_loop3A_243, %parallel_loop3A_268] : memref<3x128xf32, #tpu.memory_space<vmem>>[vector<16xi32>, vector<16xi32>], vector<16xf32>,
        %parallel_loop3A_274 = arith.addf %parallel_loop3A_272, %parallel_loop3A_273 : vector<16xf32>
        %parallel_loop3A_275 = arith.addf %parallel_loop3A_271, %parallel_loop3A_274 : vector<16xf32>
        %parallel_loop3A_276 = arith.mulf %parallel_loop3A_275, %parallel_loop3A_275 : vector<16xf32>
        %parallel_loop3A_277 = arith.constant 48 : i32
        %parallel_loop3A_278 = vector.broadcast %parallel_loop3A_277 : i32 to vector<16xi32>
        %parallel_loop3A_279 = arith.addi %iota3A, %parallel_loop3A_278 : vector<16xi32>
        %parallel_loop3A_280 = arith.index_cast %parallel_loop3A_220 : i32 to index
        %parallel_loop3A_281 = arith.constant 48 : index
        %parallel_loop3A_282 = tpu.vector_load %arg13[%parallel_loop3A_280, %parallel_loop3A_281] {strides = array<i32>} : memref<64x128xf32, #tpu.memory_space<vmem>>, vector<16xf32>,
        %parallel_loop3A_283 = tpu.vector_load_idx %arg15[%parallel_loop3A_240, %parallel_loop3A_279] : memref<200x128xf32, #tpu.memory_space<vmem>>[vector<16xi32>, vector<16xi32>], vector<16xf32>,
        %parallel_loop3A_284 = tpu.vector_load_idx %arg16[%parallel_loop3A_243, %parallel_loop3A_279] : memref<3x128xf32, #tpu.memory_space<vmem>>[vector<16xi32>, vector<16xi32>], vector<16xf32>,
        %parallel_loop3A_285 = arith.addf %parallel_loop3A_283, %parallel_loop3A_284 : vector<16xf32>
        %parallel_loop3A_286 = arith.addf %parallel_loop3A_282, %parallel_loop3A_285 : vector<16xf32>
        %parallel_loop3A_287 = arith.mulf %parallel_loop3A_286, %parallel_loop3A_286 : vector<16xf32>
        %parallel_loop3A_288 = arith.constant 64 : i32
        %parallel_loop3A_289 = vector.broadcast %parallel_loop3A_288 : i32 to vector<16xi32>
        %parallel_loop3A_290 = arith.addi %iota3A, %parallel_loop3A_289 : vector<16xi32>
        %parallel_loop3A_291 = arith.index_cast %parallel_loop3A_220 : i32 to index
        %parallel_loop3A_292 = arith.constant 64 : index
        %parallel_loop3A_293 = tpu.vector_load %arg13[%parallel_loop3A_291, %parallel_loop3A_292] {strides = array<i32>} : memref<64x128xf32, #tpu.memory_space<vmem>>, vector<16xf32>,
        %parallel_loop3A_294 = tpu.vector_load_idx %arg15[%parallel_loop3A_240, %parallel_loop3A_290] : memref<200x128xf32, #tpu.memory_space<vmem>>[vector<16xi32>, vector<16xi32>], vector<16xf32>,
        %parallel_loop3A_295 = tpu.vector_load_idx %arg16[%parallel_loop3A_243, %parallel_loop3A_290] : memref<3x128xf32, #tpu.memory_space<vmem>>[vector<16xi32>, vector<16xi32>], vector<16xf32>,
        %parallel_loop3A_296 = arith.addf %parallel_loop3A_294, %parallel_loop3A_295 : vector<16xf32>
        %parallel_loop3A_297 = arith.addf %parallel_loop3A_293, %parallel_loop3A_296 : vector<16xf32>
        %parallel_loop3A_298 = arith.mulf %parallel_loop3A_297, %parallel_loop3A_297 : vector<16xf32>
        %parallel_loop3A_299 = arith.constant 80 : i32
        %parallel_loop3A_300 = vector.broadcast %parallel_loop3A_299 : i32 to vector<16xi32>
        %parallel_loop3A_301 = arith.addi %iota3A, %parallel_loop3A_300 : vector<16xi32>
        %parallel_loop3A_302 = arith.index_cast %parallel_loop3A_220 : i32 to index
        %parallel_loop3A_303 = arith.constant 80 : index
        %parallel_loop3A_304 = tpu.vector_load %arg13[%parallel_loop3A_302, %parallel_loop3A_303] {strides = array<i32>} : memref<64x128xf32, #tpu.memory_space<vmem>>, vector<16xf32>,
        %parallel_loop3A_305 = tpu.vector_load_idx %arg15[%parallel_loop3A_240, %parallel_loop3A_301] : memref<200x128xf32, #tpu.memory_space<vmem>>[vector<16xi32>, vector<16xi32>], vector<16xf32>,
        %parallel_loop3A_306 = tpu.vector_load_idx %arg16[%parallel_loop3A_243, %parallel_loop3A_301] : memref<3x128xf32, #tpu.memory_space<vmem>>[vector<16xi32>, vector<16xi32>], vector<16xf32>,
        %parallel_loop3A_307 = arith.addf %parallel_loop3A_305, %parallel_loop3A_306 : vector<16xf32>
        %parallel_loop3A_308 = arith.addf %parallel_loop3A_304, %parallel_loop3A_307 : vector<16xf32>
        %parallel_loop3A_309 = arith.mulf %parallel_loop3A_308, %parallel_loop3A_308 : vector<16xf32>
        %parallel_loop3A_310 = arith.constant 96 : i32
        %parallel_loop3A_311 = vector.broadcast %parallel_loop3A_310 : i32 to vector<16xi32>
        %parallel_loop3A_312 = arith.addi %iota3A, %parallel_loop3A_311 : vector<16xi32>
        %parallel_loop3A_313 = arith.index_cast %parallel_loop3A_220 : i32 to index
        %parallel_loop3A_314 = arith.constant 96 : index
        %parallel_loop3A_315 = tpu.vector_load %arg13[%parallel_loop3A_313, %parallel_loop3A_314] {strides = array<i32>} : memref<64x128xf32, #tpu.memory_space<vmem>>, vector<16xf32>,
        %parallel_loop3A_316 = tpu.vector_load_idx %arg15[%parallel_loop3A_240, %parallel_loop3A_312] : memref<200x128xf32, #tpu.memory_space<vmem>>[vector<16xi32>, vector<16xi32>], vector<16xf32>,
        %parallel_loop3A_317 = tpu.vector_load_idx %arg16[%parallel_loop3A_243, %parallel_loop3A_312] : memref<3x128xf32, #tpu.memory_space<vmem>>[vector<16xi32>, vector<16xi32>], vector<16xf32>,
        %parallel_loop3A_318 = arith.addf %parallel_loop3A_316, %parallel_loop3A_317 : vector<16xf32>
        %parallel_loop3A_319 = arith.addf %parallel_loop3A_315, %parallel_loop3A_318 : vector<16xf32>
        %parallel_loop3A_320 = arith.mulf %parallel_loop3A_319, %parallel_loop3A_319 : vector<16xf32>
        %parallel_loop3A_321 = arith.constant 112 : i32
        %parallel_loop3A_322 = vector.broadcast %parallel_loop3A_321 : i32 to vector<16xi32>
        %parallel_loop3A_323 = arith.addi %iota3A, %parallel_loop3A_322 : vector<16xi32>
        %parallel_loop3A_324 = arith.index_cast %parallel_loop3A_220 : i32 to index
        %parallel_loop3A_325 = arith.constant 112 : index
        %parallel_loop3A_326 = tpu.vector_load %arg13[%parallel_loop3A_324, %parallel_loop3A_325] {strides = array<i32>} : memref<64x128xf32, #tpu.memory_space<vmem>>, vector<16xf32>,
        %parallel_loop3A_327 = tpu.vector_load_idx %arg15[%parallel_loop3A_240, %parallel_loop3A_323] : memref<200x128xf32, #tpu.memory_space<vmem>>[vector<16xi32>, vector<16xi32>], vector<16xf32>,
        %parallel_loop3A_328 = tpu.vector_load_idx %arg16[%parallel_loop3A_243, %parallel_loop3A_323] : memref<3x128xf32, #tpu.memory_space<vmem>>[vector<16xi32>, vector<16xi32>], vector<16xf32>,
        %parallel_loop3A_329 = arith.addf %parallel_loop3A_327, %parallel_loop3A_328 : vector<16xf32>
        %parallel_loop3A_330 = arith.addf %parallel_loop3A_326, %parallel_loop3A_329 : vector<16xf32>
        %parallel_loop3A_331 = arith.mulf %parallel_loop3A_330, %parallel_loop3A_330 : vector<16xf32>
        %parallel_loop3A_332 = arith.addf %parallel_loop3A_254, %parallel_loop3A_265 : vector<16xf32>
        %parallel_loop3A_333 = arith.addf %parallel_loop3A_276, %parallel_loop3A_287 : vector<16xf32>
        %parallel_loop3A_334 = arith.addf %parallel_loop3A_332, %parallel_loop3A_333 : vector<16xf32>
        %parallel_loop3A_335 = arith.addf %parallel_loop3A_298, %parallel_loop3A_309 : vector<16xf32>
        %parallel_loop3A_336 = arith.addf %parallel_loop3A_320, %parallel_loop3A_331 : vector<16xf32>
        %parallel_loop3A_337 = arith.addf %parallel_loop3A_335, %parallel_loop3A_336 : vector<16xf32>
        %parallel_loop3A_338 = arith.addf %parallel_loop3A_334, %parallel_loop3A_337 : vector<16xf32>
        %parallel_loop3A_339 = arith.constant true
        %parallel_loop3A_340 = vector.broadcast %parallel_loop3A_339 : i1 to vector<16xi1>
        %parallel_loop3A_341 = tpu.scan <sum>, %parallel_loop3A_338 masked %parallel_loop3A_340 : vector<16xf32>, vector<16xi1> -> vector<16xf32>
        %parallel_loop3A_342 = vector.extract %parallel_loop3A_341[15] : f32 from vector<16xf32>
        %parallel_loop3A_343 = vector.broadcast %parallel_loop3A_342 : f32 to vector<16xf32>
        %parallel_loop3A_344 = arith.constant 7.812500e-03 : f32
        %parallel_loop3A_345 = vector.broadcast %parallel_loop3A_344 : f32 to vector<16xf32>
        %parallel_loop3A_346 = arith.mulf %parallel_loop3A_343, %parallel_loop3A_345 : vector<16xf32>
        %parallel_loop3A_347 = arith.constant 9.99999996E-13 : f32
        %parallel_loop3A_348 = vector.broadcast %parallel_loop3A_347 : f32 to vector<16xf32>
        %parallel_loop3A_349 = arith.addf %parallel_loop3A_346, %parallel_loop3A_348 : vector<16xf32>
        %parallel_loop3A_350 = tpu.bitcast %parallel_loop3A_349 : vector<16xf32> -> vector<16xi32>
        %parallel_loop3A_351 = arith.constant 1 : i32
        %parallel_loop3A_352 = vector.broadcast %parallel_loop3A_351 : i32 to vector<16xi32>
        %parallel_loop3A_353 = arith.shrui %parallel_loop3A_350, %parallel_loop3A_352 : vector<16xi32>
        %parallel_loop3A_354 = arith.subi %broadcast_in_dim3A_66, %parallel_loop3A_353 : vector<16xi32>
        %parallel_loop3A_355 = tpu.bitcast %parallel_loop3A_354 : vector<16xi32> -> vector<16xf32>
        %parallel_loop3A_356 = arith.constant 5.000000e-01 : f32
        %parallel_loop3A_357 = vector.broadcast %parallel_loop3A_356 : f32 to vector<16xf32>
        %parallel_loop3A_358 = arith.mulf %parallel_loop3A_349, %parallel_loop3A_357 : vector<16xf32>
        %parallel_loop3A_359 = arith.mulf %parallel_loop3A_358, %parallel_loop3A_355 : vector<16xf32>
        %parallel_loop3A_360 = arith.mulf %parallel_loop3A_359, %parallel_loop3A_355 : vector<16xf32>
        %parallel_loop3A_361 = arith.constant 1.500000e+00 : f32
        %parallel_loop3A_362 = vector.broadcast %parallel_loop3A_361 : f32 to vector<16xf32>
        %parallel_loop3A_363 = arith.subf %parallel_loop3A_362, %parallel_loop3A_360 : vector<16xf32>
        %parallel_loop3A_364 = arith.mulf %parallel_loop3A_355, %parallel_loop3A_363 : vector<16xf32>
        %parallel_loop3A_365 = arith.mulf %parallel_loop3A_358, %parallel_loop3A_364 : vector<16xf32>
        %parallel_loop3A_366 = arith.mulf %parallel_loop3A_365, %parallel_loop3A_364 : vector<16xf32>
        %parallel_loop3A_367 = arith.constant 1.500000e+00 : f32
        %parallel_loop3A_368 = vector.broadcast %parallel_loop3A_367 : f32 to vector<16xf32>
        %parallel_loop3A_369 = arith.subf %parallel_loop3A_368, %parallel_loop3A_366 : vector<16xf32>
        %parallel_loop3A_370 = arith.mulf %parallel_loop3A_364, %parallel_loop3A_369 : vector<16xf32>
        %parallel_loop3A_371 = arith.mulf %parallel_loop3A_358, %parallel_loop3A_370 : vector<16xf32>
        %parallel_loop3A_372 = arith.mulf %parallel_loop3A_371, %parallel_loop3A_370 : vector<16xf32>
        %parallel_loop3A_373 = arith.constant 1.500000e+00 : f32
        %parallel_loop3A_374 = vector.broadcast %parallel_loop3A_373 : f32 to vector<16xf32>
        %parallel_loop3A_375 = arith.subf %parallel_loop3A_374, %parallel_loop3A_372 : vector<16xf32>
        %parallel_loop3A_376 = arith.mulf %parallel_loop3A_370, %parallel_loop3A_375 : vector<16xf32>
        %parallel_loop3A_377 = arith.mulf %parallel_loop3A_253, %parallel_loop3A_376 : vector<16xf32>
        %parallel_loop3A_378 = arith.mulf %parallel_loop3A_377, %get3A_5 : vector<16xf32>
        %parallel_loop3A_379 = arith.addf %parallel_loop3A_378, %get3A_37 : vector<16xf32>
        %parallel_loop3A_380 = arith.index_cast %parallel_loop3A_220 : i32 to index
        %parallel_loop3A_381 = arith.constant 0 : index
        %parallel_loop3A_382 = tpu.vector_load %arg13[%parallel_loop3A_380, %parallel_loop3A_381] {strides = array<i32>} : memref<64x128xf32, #tpu.memory_space<vmem>>, vector<16xf32>,
        tpu.vector_store %arg13[%parallel_loop3A_380, %parallel_loop3A_381], %parallel_loop3A_379 {strides = array<i32>} : memref<64x128xf32, #tpu.memory_space<vmem>>, vector<16xf32>,
        %parallel_loop3A_383 = arith.mulf %parallel_loop3A_264, %parallel_loop3A_376 : vector<16xf32>
        %parallel_loop3A_384 = arith.mulf %parallel_loop3A_383, %get3A_9 : vector<16xf32>
        %parallel_loop3A_385 = arith.addf %parallel_loop3A_384, %get3A_41 : vector<16xf32>
        %parallel_loop3A_386 = arith.index_cast %parallel_loop3A_220 : i32 to index
        %parallel_loop3A_387 = arith.constant 16 : index
        %parallel_loop3A_388 = tpu.vector_load %arg13[%parallel_loop3A_386, %parallel_loop3A_387] {strides = array<i32>} : memref<64x128xf32, #tpu.memory_space<vmem>>, vector<16xf32>,
        tpu.vector_store %arg13[%parallel_loop3A_386, %parallel_loop3A_387], %parallel_loop3A_385 {strides = array<i32>} : memref<64x128xf32, #tpu.memory_space<vmem>>, vector<16xf32>,
        %parallel_loop3A_389 = arith.mulf %parallel_loop3A_275, %parallel_loop3A_376 : vector<16xf32>
        %parallel_loop3A_390 = arith.mulf %parallel_loop3A_389, %get3A_13 : vector<16xf32>
        %parallel_loop3A_391 = arith.addf %parallel_loop3A_390, %get3A_45 : vector<16xf32>
        %parallel_loop3A_392 = arith.index_cast %parallel_loop3A_220 : i32 to index
        %parallel_loop3A_393 = arith.constant 32 : index
        %parallel_loop3A_394 = tpu.vector_load %arg13[%parallel_loop3A_392, %parallel_loop3A_393] {strides = array<i32>} : memref<64x128xf32, #tpu.memory_space<vmem>>, vector<16xf32>,
        tpu.vector_store %arg13[%parallel_loop3A_392, %parallel_loop3A_393], %parallel_loop3A_391 {strides = array<i32>} : memref<64x128xf32, #tpu.memory_space<vmem>>, vector<16xf32>,
        %parallel_loop3A_395 = arith.mulf %parallel_loop3A_286, %parallel_loop3A_376 : vector<16xf32>
        %parallel_loop3A_396 = arith.mulf %parallel_loop3A_395, %get3A_17 : vector<16xf32>
        %parallel_loop3A_397 = arith.addf %parallel_loop3A_396, %get3A_49 : vector<16xf32>
        %parallel_loop3A_398 = arith.index_cast %parallel_loop3A_220 : i32 to index
        %parallel_loop3A_399 = arith.constant 48 : index
        %parallel_loop3A_400 = tpu.vector_load %arg13[%parallel_loop3A_398, %parallel_loop3A_399] {strides = array<i32>} : memref<64x128xf32, #tpu.memory_space<vmem>>, vector<16xf32>,
        tpu.vector_store %arg13[%parallel_loop3A_398, %parallel_loop3A_399], %parallel_loop3A_397 {strides = array<i32>} : memref<64x128xf32, #tpu.memory_space<vmem>>, vector<16xf32>,
        %parallel_loop3A_401 = arith.mulf %parallel_loop3A_297, %parallel_loop3A_376 : vector<16xf32>
        %parallel_loop3A_402 = arith.mulf %parallel_loop3A_401, %get3A_21 : vector<16xf32>
        %parallel_loop3A_403 = arith.addf %parallel_loop3A_402, %get3A_53 : vector<16xf32>
        %parallel_loop3A_404 = arith.index_cast %parallel_loop3A_220 : i32 to index
        %parallel_loop3A_405 = arith.constant 64 : index
        %parallel_loop3A_406 = tpu.vector_load %arg13[%parallel_loop3A_404, %parallel_loop3A_405] {strides = array<i32>} : memref<64x128xf32, #tpu.memory_space<vmem>>, vector<16xf32>,
        tpu.vector_store %arg13[%parallel_loop3A_404, %parallel_loop3A_405], %parallel_loop3A_403 {strides = array<i32>} : memref<64x128xf32, #tpu.memory_space<vmem>>, vector<16xf32>,
        %parallel_loop3A_407 = arith.mulf %parallel_loop3A_308, %parallel_loop3A_376 : vector<16xf32>
        %parallel_loop3A_408 = arith.mulf %parallel_loop3A_407, %get3A_25 : vector<16xf32>
        %parallel_loop3A_409 = arith.addf %parallel_loop3A_408, %get3A_57 : vector<16xf32>
        %parallel_loop3A_410 = arith.index_cast %parallel_loop3A_220 : i32 to index
        %parallel_loop3A_411 = arith.constant 80 : index
        %parallel_loop3A_412 = tpu.vector_load %arg13[%parallel_loop3A_410, %parallel_loop3A_411] {strides = array<i32>} : memref<64x128xf32, #tpu.memory_space<vmem>>, vector<16xf32>,
        tpu.vector_store %arg13[%parallel_loop3A_410, %parallel_loop3A_411], %parallel_loop3A_409 {strides = array<i32>} : memref<64x128xf32, #tpu.memory_space<vmem>>, vector<16xf32>,
        %parallel_loop3A_413 = arith.mulf %parallel_loop3A_319, %parallel_loop3A_376 : vector<16xf32>
        %parallel_loop3A_414 = arith.mulf %parallel_loop3A_413, %get3A_29 : vector<16xf32>
        %parallel_loop3A_415 = arith.addf %parallel_loop3A_414, %get3A_61 : vector<16xf32>
        %parallel_loop3A_416 = arith.index_cast %parallel_loop3A_220 : i32 to index
        %parallel_loop3A_417 = arith.constant 96 : index
        %parallel_loop3A_418 = tpu.vector_load %arg13[%parallel_loop3A_416, %parallel_loop3A_417] {strides = array<i32>} : memref<64x128xf32, #tpu.memory_space<vmem>>, vector<16xf32>,
        tpu.vector_store %arg13[%parallel_loop3A_416, %parallel_loop3A_417], %parallel_loop3A_415 {strides = array<i32>} : memref<64x128xf32, #tpu.memory_space<vmem>>, vector<16xf32>,
        %parallel_loop3A_419 = arith.mulf %parallel_loop3A_330, %parallel_loop3A_376 : vector<16xf32>
        %parallel_loop3A_420 = arith.mulf %parallel_loop3A_419, %get3A_33 : vector<16xf32>
        %parallel_loop3A_421 = arith.addf %parallel_loop3A_420, %get3A_65 : vector<16xf32>
        %parallel_loop3A_422 = arith.index_cast %parallel_loop3A_220 : i32 to index
        %parallel_loop3A_423 = arith.constant 112 : index
        %parallel_loop3A_424 = tpu.vector_load %arg13[%parallel_loop3A_422, %parallel_loop3A_423] {strides = array<i32>} : memref<64x128xf32, #tpu.memory_space<vmem>>, vector<16xf32>,
        tpu.vector_store %arg13[%parallel_loop3A_422, %parallel_loop3A_423], %parallel_loop3A_421 {strides = array<i32>} : memref<64x128xf32, #tpu.memory_space<vmem>>, vector<16xf32>,
      } {sc.loop_unroll_factor = 4 : i64, sc.parallel_access}
      %mul3A_181 = arith.constant 64 : i32
      %mul3A_182 = arith.muli %add3A_159, %mul3A_181 : i32
      %add3A_183 = arith.addi %mul3A_2, %mul3A_182 : i32
      %dma_start3A_184 = arith.constant 0 : i32
      %dma_start3A_185 = tpu.memref_slice %arg8[%add3A_183, %dma_start3A_184] : memref<204800x128xf32, #tpu.memory_space<hbm>> -> memref<64x128xf32, #tpu.memory_space<hbm>>
      %dma_start3A_186 = arith.constant 0 : i32
      %dma_start3A_187 = tpu.memref_slice %arg8[%add3A_183, %dma_start3A_186] : memref<204800x128xf32, #tpu.memory_space<hbm>> -> memref<64x128xf32, #tpu.memory_space<hbm>>
      tpu.enqueue_dma source(%arg13 : memref<64x128xf32, #tpu.memory_space<vmem>>) target(%dma_start3A_187 : memref<64x128xf32, #tpu.memory_space<hbm>>) target_semaphore(%arg24 : memref<!tpu.dma_semaphore, #tpu.memory_space<semaphore_mem>>)
      %mul3A_188 = arith.constant 4 : i32
      %mul3A_189 = arith.muli %scan3A_96, %mul3A_188 : i32
      %add3A_190 = arith.constant 3 : i32
      %add3A_191 = arith.addi %mul3A_189, %add3A_190 : i32
      %ge3A_192 = arith.constant 2 : i32
      %ge3A_193 = arith.cmpi sge, %add3A_191, %ge3A_192 : i32
      %convert_element_type3A_194 = arith.extui %ge3A_193 : i1 to i32
      %cond3A_195 = arith.constant 0 : i32
      %cond3A_196 = arith.cmpi ne, %convert_element_type3A_194, %cond3A_195 : i32
      scf.if %cond3A_196 {
        %sub3A = arith.constant 2 : i32
        %sub3A_220 = arith.subi %add3A_191, %sub3A : i32
        %mul3A_221 = arith.constant 64 : i32
        %mul3A_222 = arith.muli %sub3A_220, %mul3A_221 : i32
        %add3A_223 = arith.addi %mul3A_2, %mul3A_222 : i32
        %dma_wait3A_224 = arith.constant 0 : i32
        %dma_wait3A_225 = tpu.memref_slice %arg8[%add3A_223, %dma_wait3A_224] : memref<204800x128xf32, #tpu.memory_space<hbm>> -> memref<64x128xf32, #tpu.memory_space<hbm>>
        %dma_wait3A_226 = arith.constant 0 : i32
        %dma_wait3A_227 = tpu.memref_slice %arg8[%add3A_223, %dma_wait3A_226] : memref<204800x128xf32, #tpu.memory_space<hbm>> -> memref<64x128xf32, #tpu.memory_space<hbm>>
        tpu.wait_dma2 semaphore(%arg23 : memref<!tpu.dma_semaphore, #tpu.memory_space<semaphore_mem>>) src(%arg12 : memref<64x128xf32, #tpu.memory_space<vmem>>) dst(%dma_wait3A_227 : memref<64x128xf32, #tpu.memory_space<hbm>>)
      } else {
      }
      %add3A_197 = arith.constant 2 : i32
      %add3A_198 = arith.addi %add3A_191, %add3A_197 : i32
      %lt3A_199 = arith.constant 100 : i32
      %lt3A_200 = arith.cmpi slt, %add3A_198, %lt3A_199 : i32
      %convert_element_type3A_201 = arith.extui %lt3A_200 : i1 to i32
      %cond3A_202 = arith.constant 0 : i32
      %cond3A_203 = arith.cmpi ne, %convert_element_type3A_201, %cond3A_202 : i32
      scf.if %cond3A_203 {
        %add3A_220 = arith.constant 2 : i32
        %add3A_221 = arith.addi %add3A_191, %add3A_220 : i32
        %dma_start3A_222 = arith.constant 0 : i32
        %dma_start3A_223 = tpu.memref_slice %arg9[%add3A_221, %dma_start3A_222] : memref<100x64xi32, #tpu.memory_space<vmem>> -> memref<1x64xi32, #tpu.memory_space<vmem>>
        %dma_start3A_224 = tpu.memref_squeeze %dma_start3A_223 : memref<1x64xi32, #tpu.memory_space<vmem>> -> memref<64xi32, #tpu.memory_space<vmem>>
        %dma_start3A_225 = arith.constant 0 : i32
        %dma_start3A_226 = arith.constant 0 : i32
        %dma_start3A_227 = tpu.memref_slice %arg2[%dma_start3A_225, %dma_start3A_226] : memref<100000x128xf32, #tpu.memory_space<hbm>> -> memref<100000x128xf32, #tpu.memory_space<hbm>>
        tpu.enqueue_indirect_dma source(%dma_start3A_227 : memref<100000x128xf32, #tpu.memory_space<hbm>>) target(%arg12 : memref<64x128xf32, #tpu.memory_space<vmem>>) offsets(%dma_start3A_224 : memref<64xi32, #tpu.memory_space<vmem>>) semaphore(%arg19 : memref<!tpu.dma_semaphore, #tpu.memory_space<semaphore_mem>>)
      } else {
      }
      %dma_wait3A_204 = arith.constant 0 : i32
      %dma_wait3A_205 = tpu.memref_slice %arg9[%add3A_191, %dma_wait3A_204] : memref<100x64xi32, #tpu.memory_space<vmem>> -> memref<1x64xi32, #tpu.memory_space<vmem>>
      %dma_wait3A_206 = tpu.memref_squeeze %dma_wait3A_205 : memref<1x64xi32, #tpu.memory_space<vmem>> -> memref<64xi32, #tpu.memory_space<vmem>>
      %dma_wait3A_207 = arith.constant 0 : i32
      %dma_wait3A_208 = arith.constant 0 : i32
      %dma_wait3A_209 = tpu.memref_slice %arg2[%dma_wait3A_207, %dma_wait3A_208] : memref<100000x128xf32, #tpu.memory_space<hbm>> -> memref<100000x128xf32, #tpu.memory_space<hbm>>
      tpu.wait_indirect_dma semaphore(%arg21 : memref<!tpu.dma_semaphore, #tpu.memory_space<semaphore_mem>>) src(%dma_wait3A_209 : memref<100000x128xf32, #tpu.memory_space<hbm>>) dst(%arg14 : memref<64x128xf32, #tpu.memory_space<vmem>>)
      %parallel_loop3A_210 = arith.constant 0 : i32
      %parallel_loop3A_211 = arith.constant 64 : i32
      %parallel_loop3A_212 = arith.constant 1 : i32
      scf.for %parallel_loop3A_220 = %parallel_loop3A_210 to %parallel_loop3A_211 step %parallel_loop3A_212  : i32 {
        %parallel_loop3A_221 = arith.constant 16 : i32
        %parallel_loop3A_222 = arith.remsi %parallel_loop3A_220, %parallel_loop3A_221 : i32
        %parallel_loop3A_223 = arith.subi %parallel_loop3A_220, %parallel_loop3A_222 : i32
        %parallel_loop3A_224 = arith.index_cast %add3A_191 : i32 to index
        %parallel_loop3A_225 = arith.index_cast %parallel_loop3A_223 : i32 to index
        %parallel_loop3A_226 = tpu.vector_load %arg10[%parallel_loop3A_224, %parallel_loop3A_225] {strides = array<i32>} : memref<100x64xi32, #tpu.memory_space<vmem>>, vector<16xi32>,
        %parallel_loop3A_227 = vector.broadcast %parallel_loop3A_222 : i32 to vector<16xi32>
        %parallel_loop3A_228 = arith.constant 0 : i32
        %parallel_loop3A_229 = vector.broadcast %parallel_loop3A_228 : i32 to vector<16xi32>
        %parallel_loop3A_230 = arith.cmpi slt, %parallel_loop3A_227, %parallel_loop3A_229 : vector<16xi32>
        %parallel_loop3A_231 = arith.constant 16 : i32
        %parallel_loop3A_232 = vector.broadcast %parallel_loop3A_231 : i32 to vector<16xi32>
        %parallel_loop3A_233 = arith.addi %parallel_loop3A_227, %parallel_loop3A_232 : vector<16xi32>
        %parallel_loop3A_234 = arith.select %parallel_loop3A_230, %parallel_loop3A_233, %parallel_loop3A_227 : vector<16xi1>, vector<16xi32>
        %parallel_loop3A_235 = vector.shape_cast %parallel_loop3A_234 : vector<16xi32> to vector<16x1xi32>
        %parallel_loop3A_236 = vector.shape_cast %parallel_loop3A_235 : vector<16x1xi32> to vector<16xi32>
        %parallel_loop3A_237 = tpu.dynamic_gather %parallel_loop3A_226[%parallel_loop3A_236] in [0] : vector<16xi32>, vector<16xi32> -> vector<16xi32>
        %parallel_loop3A_238 = arith.constant 255 : i32
        %parallel_loop3A_239 = vector.broadcast %parallel_loop3A_238 : i32 to vector<16xi32>
        %parallel_loop3A_240 = arith.andi %parallel_loop3A_237, %parallel_loop3A_239 : vector<16xi32>
        %parallel_loop3A_241 = arith.constant 8 : i32
        %parallel_loop3A_242 = vector.broadcast %parallel_loop3A_241 : i32 to vector<16xi32>
        %parallel_loop3A_243 = arith.shrui %parallel_loop3A_237, %parallel_loop3A_242 : vector<16xi32>
        %parallel_loop3A_244 = arith.constant 0 : i32
        %parallel_loop3A_245 = vector.broadcast %parallel_loop3A_244 : i32 to vector<16xi32>
        %parallel_loop3A_246 = arith.addi %iota3A, %parallel_loop3A_245 : vector<16xi32>
        %parallel_loop3A_247 = arith.index_cast %parallel_loop3A_220 : i32 to index
        %parallel_loop3A_248 = arith.constant 0 : index
        %parallel_loop3A_249 = tpu.vector_load %arg14[%parallel_loop3A_247, %parallel_loop3A_248] {strides = array<i32>} : memref<64x128xf32, #tpu.memory_space<vmem>>, vector<16xf32>,
        %parallel_loop3A_250 = tpu.vector_load_idx %arg15[%parallel_loop3A_240, %parallel_loop3A_246] : memref<200x128xf32, #tpu.memory_space<vmem>>[vector<16xi32>, vector<16xi32>], vector<16xf32>,
        %parallel_loop3A_251 = tpu.vector_load_idx %arg16[%parallel_loop3A_243, %parallel_loop3A_246] : memref<3x128xf32, #tpu.memory_space<vmem>>[vector<16xi32>, vector<16xi32>], vector<16xf32>,
        %parallel_loop3A_252 = arith.addf %parallel_loop3A_250, %parallel_loop3A_251 : vector<16xf32>
        %parallel_loop3A_253 = arith.addf %parallel_loop3A_249, %parallel_loop3A_252 : vector<16xf32>
        %parallel_loop3A_254 = arith.mulf %parallel_loop3A_253, %parallel_loop3A_253 : vector<16xf32>
        %parallel_loop3A_255 = arith.constant 16 : i32
        %parallel_loop3A_256 = vector.broadcast %parallel_loop3A_255 : i32 to vector<16xi32>
        %parallel_loop3A_257 = arith.addi %iota3A, %parallel_loop3A_256 : vector<16xi32>
        %parallel_loop3A_258 = arith.index_cast %parallel_loop3A_220 : i32 to index
        %parallel_loop3A_259 = arith.constant 16 : index
        %parallel_loop3A_260 = tpu.vector_load %arg14[%parallel_loop3A_258, %parallel_loop3A_259] {strides = array<i32>} : memref<64x128xf32, #tpu.memory_space<vmem>>, vector<16xf32>,
        %parallel_loop3A_261 = tpu.vector_load_idx %arg15[%parallel_loop3A_240, %parallel_loop3A_257] : memref<200x128xf32, #tpu.memory_space<vmem>>[vector<16xi32>, vector<16xi32>], vector<16xf32>,
        %parallel_loop3A_262 = tpu.vector_load_idx %arg16[%parallel_loop3A_243, %parallel_loop3A_257] : memref<3x128xf32, #tpu.memory_space<vmem>>[vector<16xi32>, vector<16xi32>], vector<16xf32>,
        %parallel_loop3A_263 = arith.addf %parallel_loop3A_261, %parallel_loop3A_262 : vector<16xf32>
        %parallel_loop3A_264 = arith.addf %parallel_loop3A_260, %parallel_loop3A_263 : vector<16xf32>
        %parallel_loop3A_265 = arith.mulf %parallel_loop3A_264, %parallel_loop3A_264 : vector<16xf32>
        %parallel_loop3A_266 = arith.constant 32 : i32
        %parallel_loop3A_267 = vector.broadcast %parallel_loop3A_266 : i32 to vector<16xi32>
        %parallel_loop3A_268 = arith.addi %iota3A, %parallel_loop3A_267 : vector<16xi32>
        %parallel_loop3A_269 = arith.index_cast %parallel_loop3A_220 : i32 to index
        %parallel_loop3A_270 = arith.constant 32 : index
        %parallel_loop3A_271 = tpu.vector_load %arg14[%parallel_loop3A_269, %parallel_loop3A_270] {strides = array<i32>} : memref<64x128xf32, #tpu.memory_space<vmem>>, vector<16xf32>,
        %parallel_loop3A_272 = tpu.vector_load_idx %arg15[%parallel_loop3A_240, %parallel_loop3A_268] : memref<200x128xf32, #tpu.memory_space<vmem>>[vector<16xi32>, vector<16xi32>], vector<16xf32>,
        %parallel_loop3A_273 = tpu.vector_load_idx %arg16[%parallel_loop3A_243, %parallel_loop3A_268] : memref<3x128xf32, #tpu.memory_space<vmem>>[vector<16xi32>, vector<16xi32>], vector<16xf32>,
        %parallel_loop3A_274 = arith.addf %parallel_loop3A_272, %parallel_loop3A_273 : vector<16xf32>
        %parallel_loop3A_275 = arith.addf %parallel_loop3A_271, %parallel_loop3A_274 : vector<16xf32>
        %parallel_loop3A_276 = arith.mulf %parallel_loop3A_275, %parallel_loop3A_275 : vector<16xf32>
        %parallel_loop3A_277 = arith.constant 48 : i32
        %parallel_loop3A_278 = vector.broadcast %parallel_loop3A_277 : i32 to vector<16xi32>
        %parallel_loop3A_279 = arith.addi %iota3A, %parallel_loop3A_278 : vector<16xi32>
        %parallel_loop3A_280 = arith.index_cast %parallel_loop3A_220 : i32 to index
        %parallel_loop3A_281 = arith.constant 48 : index
        %parallel_loop3A_282 = tpu.vector_load %arg14[%parallel_loop3A_280, %parallel_loop3A_281] {strides = array<i32>} : memref<64x128xf32, #tpu.memory_space<vmem>>, vector<16xf32>,
        %parallel_loop3A_283 = tpu.vector_load_idx %arg15[%parallel_loop3A_240, %parallel_loop3A_279] : memref<200x128xf32, #tpu.memory_space<vmem>>[vector<16xi32>, vector<16xi32>], vector<16xf32>,
        %parallel_loop3A_284 = tpu.vector_load_idx %arg16[%parallel_loop3A_243, %parallel_loop3A_279] : memref<3x128xf32, #tpu.memory_space<vmem>>[vector<16xi32>, vector<16xi32>], vector<16xf32>,
        %parallel_loop3A_285 = arith.addf %parallel_loop3A_283, %parallel_loop3A_284 : vector<16xf32>
        %parallel_loop3A_286 = arith.addf %parallel_loop3A_282, %parallel_loop3A_285 : vector<16xf32>
        %parallel_loop3A_287 = arith.mulf %parallel_loop3A_286, %parallel_loop3A_286 : vector<16xf32>
        %parallel_loop3A_288 = arith.constant 64 : i32
        %parallel_loop3A_289 = vector.broadcast %parallel_loop3A_288 : i32 to vector<16xi32>
        %parallel_loop3A_290 = arith.addi %iota3A, %parallel_loop3A_289 : vector<16xi32>
        %parallel_loop3A_291 = arith.index_cast %parallel_loop3A_220 : i32 to index
        %parallel_loop3A_292 = arith.constant 64 : index
        %parallel_loop3A_293 = tpu.vector_load %arg14[%parallel_loop3A_291, %parallel_loop3A_292] {strides = array<i32>} : memref<64x128xf32, #tpu.memory_space<vmem>>, vector<16xf32>,
        %parallel_loop3A_294 = tpu.vector_load_idx %arg15[%parallel_loop3A_240, %parallel_loop3A_290] : memref<200x128xf32, #tpu.memory_space<vmem>>[vector<16xi32>, vector<16xi32>], vector<16xf32>,
        %parallel_loop3A_295 = tpu.vector_load_idx %arg16[%parallel_loop3A_243, %parallel_loop3A_290] : memref<3x128xf32, #tpu.memory_space<vmem>>[vector<16xi32>, vector<16xi32>], vector<16xf32>,
        %parallel_loop3A_296 = arith.addf %parallel_loop3A_294, %parallel_loop3A_295 : vector<16xf32>
        %parallel_loop3A_297 = arith.addf %parallel_loop3A_293, %parallel_loop3A_296 : vector<16xf32>
        %parallel_loop3A_298 = arith.mulf %parallel_loop3A_297, %parallel_loop3A_297 : vector<16xf32>
        %parallel_loop3A_299 = arith.constant 80 : i32
        %parallel_loop3A_300 = vector.broadcast %parallel_loop3A_299 : i32 to vector<16xi32>
        %parallel_loop3A_301 = arith.addi %iota3A, %parallel_loop3A_300 : vector<16xi32>
        %parallel_loop3A_302 = arith.index_cast %parallel_loop3A_220 : i32 to index
        %parallel_loop3A_303 = arith.constant 80 : index
        %parallel_loop3A_304 = tpu.vector_load %arg14[%parallel_loop3A_302, %parallel_loop3A_303] {strides = array<i32>} : memref<64x128xf32, #tpu.memory_space<vmem>>, vector<16xf32>,
        %parallel_loop3A_305 = tpu.vector_load_idx %arg15[%parallel_loop3A_240, %parallel_loop3A_301] : memref<200x128xf32, #tpu.memory_space<vmem>>[vector<16xi32>, vector<16xi32>], vector<16xf32>,
        %parallel_loop3A_306 = tpu.vector_load_idx %arg16[%parallel_loop3A_243, %parallel_loop3A_301] : memref<3x128xf32, #tpu.memory_space<vmem>>[vector<16xi32>, vector<16xi32>], vector<16xf32>,
        %parallel_loop3A_307 = arith.addf %parallel_loop3A_305, %parallel_loop3A_306 : vector<16xf32>
        %parallel_loop3A_308 = arith.addf %parallel_loop3A_304, %parallel_loop3A_307 : vector<16xf32>
        %parallel_loop3A_309 = arith.mulf %parallel_loop3A_308, %parallel_loop3A_308 : vector<16xf32>
        %parallel_loop3A_310 = arith.constant 96 : i32
        %parallel_loop3A_311 = vector.broadcast %parallel_loop3A_310 : i32 to vector<16xi32>
        %parallel_loop3A_312 = arith.addi %iota3A, %parallel_loop3A_311 : vector<16xi32>
        %parallel_loop3A_313 = arith.index_cast %parallel_loop3A_220 : i32 to index
        %parallel_loop3A_314 = arith.constant 96 : index
        %parallel_loop3A_315 = tpu.vector_load %arg14[%parallel_loop3A_313, %parallel_loop3A_314] {strides = array<i32>} : memref<64x128xf32, #tpu.memory_space<vmem>>, vector<16xf32>,
        %parallel_loop3A_316 = tpu.vector_load_idx %arg15[%parallel_loop3A_240, %parallel_loop3A_312] : memref<200x128xf32, #tpu.memory_space<vmem>>[vector<16xi32>, vector<16xi32>], vector<16xf32>,
        %parallel_loop3A_317 = tpu.vector_load_idx %arg16[%parallel_loop3A_243, %parallel_loop3A_312] : memref<3x128xf32, #tpu.memory_space<vmem>>[vector<16xi32>, vector<16xi32>], vector<16xf32>,
        %parallel_loop3A_318 = arith.addf %parallel_loop3A_316, %parallel_loop3A_317 : vector<16xf32>
        %parallel_loop3A_319 = arith.addf %parallel_loop3A_315, %parallel_loop3A_318 : vector<16xf32>
        %parallel_loop3A_320 = arith.mulf %parallel_loop3A_319, %parallel_loop3A_319 : vector<16xf32>
        %parallel_loop3A_321 = arith.constant 112 : i32
        %parallel_loop3A_322 = vector.broadcast %parallel_loop3A_321 : i32 to vector<16xi32>
        %parallel_loop3A_323 = arith.addi %iota3A, %parallel_loop3A_322 : vector<16xi32>
        %parallel_loop3A_324 = arith.index_cast %parallel_loop3A_220 : i32 to index
        %parallel_loop3A_325 = arith.constant 112 : index
        %parallel_loop3A_326 = tpu.vector_load %arg14[%parallel_loop3A_324, %parallel_loop3A_325] {strides = array<i32>} : memref<64x128xf32, #tpu.memory_space<vmem>>, vector<16xf32>,
        %parallel_loop3A_327 = tpu.vector_load_idx %arg15[%parallel_loop3A_240, %parallel_loop3A_323] : memref<200x128xf32, #tpu.memory_space<vmem>>[vector<16xi32>, vector<16xi32>], vector<16xf32>,
        %parallel_loop3A_328 = tpu.vector_load_idx %arg16[%parallel_loop3A_243, %parallel_loop3A_323] : memref<3x128xf32, #tpu.memory_space<vmem>>[vector<16xi32>, vector<16xi32>], vector<16xf32>,
        %parallel_loop3A_329 = arith.addf %parallel_loop3A_327, %parallel_loop3A_328 : vector<16xf32>
        %parallel_loop3A_330 = arith.addf %parallel_loop3A_326, %parallel_loop3A_329 : vector<16xf32>
        %parallel_loop3A_331 = arith.mulf %parallel_loop3A_330, %parallel_loop3A_330 : vector<16xf32>
        %parallel_loop3A_332 = arith.addf %parallel_loop3A_254, %parallel_loop3A_265 : vector<16xf32>
        %parallel_loop3A_333 = arith.addf %parallel_loop3A_276, %parallel_loop3A_287 : vector<16xf32>
        %parallel_loop3A_334 = arith.addf %parallel_loop3A_332, %parallel_loop3A_333 : vector<16xf32>
        %parallel_loop3A_335 = arith.addf %parallel_loop3A_298, %parallel_loop3A_309 : vector<16xf32>
        %parallel_loop3A_336 = arith.addf %parallel_loop3A_320, %parallel_loop3A_331 : vector<16xf32>
        %parallel_loop3A_337 = arith.addf %parallel_loop3A_335, %parallel_loop3A_336 : vector<16xf32>
        %parallel_loop3A_338 = arith.addf %parallel_loop3A_334, %parallel_loop3A_337 : vector<16xf32>
        %parallel_loop3A_339 = arith.constant true
        %parallel_loop3A_340 = vector.broadcast %parallel_loop3A_339 : i1 to vector<16xi1>
        %parallel_loop3A_341 = tpu.scan <sum>, %parallel_loop3A_338 masked %parallel_loop3A_340 : vector<16xf32>, vector<16xi1> -> vector<16xf32>
        %parallel_loop3A_342 = vector.extract %parallel_loop3A_341[15] : f32 from vector<16xf32>
        %parallel_loop3A_343 = vector.broadcast %parallel_loop3A_342 : f32 to vector<16xf32>
        %parallel_loop3A_344 = arith.constant 7.812500e-03 : f32
        %parallel_loop3A_345 = vector.broadcast %parallel_loop3A_344 : f32 to vector<16xf32>
        %parallel_loop3A_346 = arith.mulf %parallel_loop3A_343, %parallel_loop3A_345 : vector<16xf32>
        %parallel_loop3A_347 = arith.constant 9.99999996E-13 : f32
        %parallel_loop3A_348 = vector.broadcast %parallel_loop3A_347 : f32 to vector<16xf32>
        %parallel_loop3A_349 = arith.addf %parallel_loop3A_346, %parallel_loop3A_348 : vector<16xf32>
        %parallel_loop3A_350 = tpu.bitcast %parallel_loop3A_349 : vector<16xf32> -> vector<16xi32>
        %parallel_loop3A_351 = arith.constant 1 : i32
        %parallel_loop3A_352 = vector.broadcast %parallel_loop3A_351 : i32 to vector<16xi32>
        %parallel_loop3A_353 = arith.shrui %parallel_loop3A_350, %parallel_loop3A_352 : vector<16xi32>
        %parallel_loop3A_354 = arith.subi %broadcast_in_dim3A_66, %parallel_loop3A_353 : vector<16xi32>
        %parallel_loop3A_355 = tpu.bitcast %parallel_loop3A_354 : vector<16xi32> -> vector<16xf32>
        %parallel_loop3A_356 = arith.constant 5.000000e-01 : f32
        %parallel_loop3A_357 = vector.broadcast %parallel_loop3A_356 : f32 to vector<16xf32>
        %parallel_loop3A_358 = arith.mulf %parallel_loop3A_349, %parallel_loop3A_357 : vector<16xf32>
        %parallel_loop3A_359 = arith.mulf %parallel_loop3A_358, %parallel_loop3A_355 : vector<16xf32>
        %parallel_loop3A_360 = arith.mulf %parallel_loop3A_359, %parallel_loop3A_355 : vector<16xf32>
        %parallel_loop3A_361 = arith.constant 1.500000e+00 : f32
        %parallel_loop3A_362 = vector.broadcast %parallel_loop3A_361 : f32 to vector<16xf32>
        %parallel_loop3A_363 = arith.subf %parallel_loop3A_362, %parallel_loop3A_360 : vector<16xf32>
        %parallel_loop3A_364 = arith.mulf %parallel_loop3A_355, %parallel_loop3A_363 : vector<16xf32>
        %parallel_loop3A_365 = arith.mulf %parallel_loop3A_358, %parallel_loop3A_364 : vector<16xf32>
        %parallel_loop3A_366 = arith.mulf %parallel_loop3A_365, %parallel_loop3A_364 : vector<16xf32>
        %parallel_loop3A_367 = arith.constant 1.500000e+00 : f32
        %parallel_loop3A_368 = vector.broadcast %parallel_loop3A_367 : f32 to vector<16xf32>
        %parallel_loop3A_369 = arith.subf %parallel_loop3A_368, %parallel_loop3A_366 : vector<16xf32>
        %parallel_loop3A_370 = arith.mulf %parallel_loop3A_364, %parallel_loop3A_369 : vector<16xf32>
        %parallel_loop3A_371 = arith.mulf %parallel_loop3A_358, %parallel_loop3A_370 : vector<16xf32>
        %parallel_loop3A_372 = arith.mulf %parallel_loop3A_371, %parallel_loop3A_370 : vector<16xf32>
        %parallel_loop3A_373 = arith.constant 1.500000e+00 : f32
        %parallel_loop3A_374 = vector.broadcast %parallel_loop3A_373 : f32 to vector<16xf32>
        %parallel_loop3A_375 = arith.subf %parallel_loop3A_374, %parallel_loop3A_372 : vector<16xf32>
        %parallel_loop3A_376 = arith.mulf %parallel_loop3A_370, %parallel_loop3A_375 : vector<16xf32>
        %parallel_loop3A_377 = arith.mulf %parallel_loop3A_253, %parallel_loop3A_376 : vector<16xf32>
        %parallel_loop3A_378 = arith.mulf %parallel_loop3A_377, %get3A_5 : vector<16xf32>
        %parallel_loop3A_379 = arith.addf %parallel_loop3A_378, %get3A_37 : vector<16xf32>
        %parallel_loop3A_380 = arith.index_cast %parallel_loop3A_220 : i32 to index
        %parallel_loop3A_381 = arith.constant 0 : index
        %parallel_loop3A_382 = tpu.vector_load %arg14[%parallel_loop3A_380, %parallel_loop3A_381] {strides = array<i32>} : memref<64x128xf32, #tpu.memory_space<vmem>>, vector<16xf32>,
        tpu.vector_store %arg14[%parallel_loop3A_380, %parallel_loop3A_381], %parallel_loop3A_379 {strides = array<i32>} : memref<64x128xf32, #tpu.memory_space<vmem>>, vector<16xf32>,
        %parallel_loop3A_383 = arith.mulf %parallel_loop3A_264, %parallel_loop3A_376 : vector<16xf32>
        %parallel_loop3A_384 = arith.mulf %parallel_loop3A_383, %get3A_9 : vector<16xf32>
        %parallel_loop3A_385 = arith.addf %parallel_loop3A_384, %get3A_41 : vector<16xf32>
        %parallel_loop3A_386 = arith.index_cast %parallel_loop3A_220 : i32 to index
        %parallel_loop3A_387 = arith.constant 16 : index
        %parallel_loop3A_388 = tpu.vector_load %arg14[%parallel_loop3A_386, %parallel_loop3A_387] {strides = array<i32>} : memref<64x128xf32, #tpu.memory_space<vmem>>, vector<16xf32>,
        tpu.vector_store %arg14[%parallel_loop3A_386, %parallel_loop3A_387], %parallel_loop3A_385 {strides = array<i32>} : memref<64x128xf32, #tpu.memory_space<vmem>>, vector<16xf32>,
        %parallel_loop3A_389 = arith.mulf %parallel_loop3A_275, %parallel_loop3A_376 : vector<16xf32>
        %parallel_loop3A_390 = arith.mulf %parallel_loop3A_389, %get3A_13 : vector<16xf32>
        %parallel_loop3A_391 = arith.addf %parallel_loop3A_390, %get3A_45 : vector<16xf32>
        %parallel_loop3A_392 = arith.index_cast %parallel_loop3A_220 : i32 to index
        %parallel_loop3A_393 = arith.constant 32 : index
        %parallel_loop3A_394 = tpu.vector_load %arg14[%parallel_loop3A_392, %parallel_loop3A_393] {strides = array<i32>} : memref<64x128xf32, #tpu.memory_space<vmem>>, vector<16xf32>,
        tpu.vector_store %arg14[%parallel_loop3A_392, %parallel_loop3A_393], %parallel_loop3A_391 {strides = array<i32>} : memref<64x128xf32, #tpu.memory_space<vmem>>, vector<16xf32>,
        %parallel_loop3A_395 = arith.mulf %parallel_loop3A_286, %parallel_loop3A_376 : vector<16xf32>
        %parallel_loop3A_396 = arith.mulf %parallel_loop3A_395, %get3A_17 : vector<16xf32>
        %parallel_loop3A_397 = arith.addf %parallel_loop3A_396, %get3A_49 : vector<16xf32>
        %parallel_loop3A_398 = arith.index_cast %parallel_loop3A_220 : i32 to index
        %parallel_loop3A_399 = arith.constant 48 : index
        %parallel_loop3A_400 = tpu.vector_load %arg14[%parallel_loop3A_398, %parallel_loop3A_399] {strides = array<i32>} : memref<64x128xf32, #tpu.memory_space<vmem>>, vector<16xf32>,
        tpu.vector_store %arg14[%parallel_loop3A_398, %parallel_loop3A_399], %parallel_loop3A_397 {strides = array<i32>} : memref<64x128xf32, #tpu.memory_space<vmem>>, vector<16xf32>,
        %parallel_loop3A_401 = arith.mulf %parallel_loop3A_297, %parallel_loop3A_376 : vector<16xf32>
        %parallel_loop3A_402 = arith.mulf %parallel_loop3A_401, %get3A_21 : vector<16xf32>
        %parallel_loop3A_403 = arith.addf %parallel_loop3A_402, %get3A_53 : vector<16xf32>
        %parallel_loop3A_404 = arith.index_cast %parallel_loop3A_220 : i32 to index
        %parallel_loop3A_405 = arith.constant 64 : index
        %parallel_loop3A_406 = tpu.vector_load %arg14[%parallel_loop3A_404, %parallel_loop3A_405] {strides = array<i32>} : memref<64x128xf32, #tpu.memory_space<vmem>>, vector<16xf32>,
        tpu.vector_store %arg14[%parallel_loop3A_404, %parallel_loop3A_405], %parallel_loop3A_403 {strides = array<i32>} : memref<64x128xf32, #tpu.memory_space<vmem>>, vector<16xf32>,
        %parallel_loop3A_407 = arith.mulf %parallel_loop3A_308, %parallel_loop3A_376 : vector<16xf32>
        %parallel_loop3A_408 = arith.mulf %parallel_loop3A_407, %get3A_25 : vector<16xf32>
        %parallel_loop3A_409 = arith.addf %parallel_loop3A_408, %get3A_57 : vector<16xf32>
        %parallel_loop3A_410 = arith.index_cast %parallel_loop3A_220 : i32 to index
        %parallel_loop3A_411 = arith.constant 80 : index
        %parallel_loop3A_412 = tpu.vector_load %arg14[%parallel_loop3A_410, %parallel_loop3A_411] {strides = array<i32>} : memref<64x128xf32, #tpu.memory_space<vmem>>, vector<16xf32>,
        tpu.vector_store %arg14[%parallel_loop3A_410, %parallel_loop3A_411], %parallel_loop3A_409 {strides = array<i32>} : memref<64x128xf32, #tpu.memory_space<vmem>>, vector<16xf32>,
        %parallel_loop3A_413 = arith.mulf %parallel_loop3A_319, %parallel_loop3A_376 : vector<16xf32>
        %parallel_loop3A_414 = arith.mulf %parallel_loop3A_413, %get3A_29 : vector<16xf32>
        %parallel_loop3A_415 = arith.addf %parallel_loop3A_414, %get3A_61 : vector<16xf32>
        %parallel_loop3A_416 = arith.index_cast %parallel_loop3A_220 : i32 to index
        %parallel_loop3A_417 = arith.constant 96 : index
        %parallel_loop3A_418 = tpu.vector_load %arg14[%parallel_loop3A_416, %parallel_loop3A_417] {strides = array<i32>} : memref<64x128xf32, #tpu.memory_space<vmem>>, vector<16xf32>,
        tpu.vector_store %arg14[%parallel_loop3A_416, %parallel_loop3A_417], %parallel_loop3A_415 {strides = array<i32>} : memref<64x128xf32, #tpu.memory_space<vmem>>, vector<16xf32>,
        %parallel_loop3A_419 = arith.mulf %parallel_loop3A_330, %parallel_loop3A_376 : vector<16xf32>
        %parallel_loop3A_420 = arith.mulf %parallel_loop3A_419, %get3A_33 : vector<16xf32>
        %parallel_loop3A_421 = arith.addf %parallel_loop3A_420, %get3A_65 : vector<16xf32>
        %parallel_loop3A_422 = arith.index_cast %parallel_loop3A_220 : i32 to index
        %parallel_loop3A_423 = arith.constant 112 : index
        %parallel_loop3A_424 = tpu.vector_load %arg14[%parallel_loop3A_422, %parallel_loop3A_423] {strides = array<i32>} : memref<64x128xf32, #tpu.memory_space<vmem>>, vector<16xf32>,
        tpu.vector_store %arg14[%parallel_loop3A_422, %parallel_loop3A_423], %parallel_loop3A_421 {strides = array<i32>} : memref<64x128xf32, #tpu.memory_space<vmem>>, vector<16xf32>,
      } {sc.loop_unroll_factor = 4 : i64, sc.parallel_access}
      %mul3A_213 = arith.constant 64 : i32
      %mul3A_214 = arith.muli %add3A_191, %mul3A_213 : i32
      %add3A_215 = arith.addi %mul3A_2, %mul3A_214 : i32
      %dma_start3A_216 = arith.constant 0 : i32
      %dma_start3A_217 = tpu.memref_slice %arg8[%add3A_215, %dma_start3A_216] : memref<204800x128xf32, #tpu.memory_space<hbm>> -> memref<64x128xf32, #tpu.memory_space<hbm>>
      %dma_start3A_218 = arith.constant 0 : i32
      %dma_start3A_219 = tpu.memref_slice %arg8[%add3A_215, %dma_start3A_218] : memref<204800x128xf32, #tpu.memory_space<hbm>> -> memref<64x128xf32, #tpu.memory_space<hbm>>
      tpu.enqueue_dma source(%arg14 : memref<64x128xf32, #tpu.memory_space<vmem>>) target(%dma_start3A_219 : memref<64x128xf32, #tpu.memory_space<hbm>>) target_semaphore(%arg25 : memref<!tpu.dma_semaphore, #tpu.memory_space<semaphore_mem>>)
    }
    %scan3A_84 = arith.constant 25 : i32
    %add3A_85 = arith.constant 6272 : i32
    %add3A_86 = arith.addi %mul3A_2, %add3A_85 : i32
    %dma_wait3A = arith.constant 0 : i32
    %dma_wait3A_87 = tpu.memref_slice %arg8[%add3A_86, %dma_wait3A] : memref<204800x128xf32, #tpu.memory_space<hbm>> -> memref<64x128xf32, #tpu.memory_space<hbm>>
    %dma_wait3A_88 = arith.constant 0 : i32
    %dma_wait3A_89 = tpu.memref_slice %arg8[%add3A_86, %dma_wait3A_88] : memref<204800x128xf32, #tpu.memory_space<hbm>> -> memref<64x128xf32, #tpu.memory_space<hbm>>
    tpu.wait_dma2 semaphore(%arg24 : memref<!tpu.dma_semaphore, #tpu.memory_space<semaphore_mem>>) src(%arg13 : memref<64x128xf32, #tpu.memory_space<vmem>>) dst(%dma_wait3A_89 : memref<64x128xf32, #tpu.memory_space<hbm>>)
    %add3A_90 = arith.constant 6336 : i32
    %add3A_91 = arith.addi %mul3A_2, %add3A_90 : i32
    %dma_wait3A_92 = arith.constant 0 : i32
    %dma_wait3A_93 = tpu.memref_slice %arg8[%add3A_91, %dma_wait3A_92] : memref<204800x128xf32, #tpu.memory_space<hbm>> -> memref<64x128xf32, #tpu.memory_space<hbm>>
    %dma_wait3A_94 = arith.constant 0 : i32
    %dma_wait3A_95 = tpu.memref_slice %arg8[%add3A_91, %dma_wait3A_94] : memref<204800x128xf32, #tpu.memory_space<hbm>> -> memref<64x128xf32, #tpu.memory_space<hbm>>
    tpu.wait_dma2 semaphore(%arg25 : memref<!tpu.dma_semaphore, #tpu.memory_space<semaphore_mem>>) src(%arg14 : memref<64x128xf32, #tpu.memory_space<vmem>>) dst(%dma_wait3A_95 : memref<64x128xf32, #tpu.memory_space<hbm>>)
    return
  }
}

module attributes {stable_mosaic.version = 14 : i64} {
  func.func @_ctab_body(%arg0: memref<200x128xf32, #tpu.memory_space<vmem>>, %arg1: memref<3x128xf32, #tpu.memory_space<vmem>>, %arg2: memref<200x128xf32, #tpu.memory_space<vmem>>, %arg3: memref<3x128xf32, #tpu.memory_space<vmem>>) attributes {dimension_semantics = [], scalar_prefetch = 0 : i64, scratch_operands = 0 : i64, tpu.core_type = #tpu.core_type<tc>} {
    %get3A = arith.constant 0 : index
    %get3A_0 = arith.constant 0 : index
    %get3A_1 = vector.load %arg0[%get3A, %get3A_0] : memref<200x128xf32, #tpu.memory_space<vmem>>, vector<200x128xf32>
    %get3A_2 = arith.constant 0 : index
    %get3A_3 = arith.constant 0 : index
    %get3A_4 = vector.load %arg0[%get3A_2, %get3A_3] : memref<200x128xf32, #tpu.memory_space<vmem>>, vector<200x128xf32>
    %reduce_sum3A = arith.constant dense<0.000000e+00> : vector<200xf32>
    %reduce_sum3A_5 = vector.multi_reduction <add>, %get3A_4, %reduce_sum3A [1] : vector<200x128xf32> to vector<200xf32>
    %broadcast_in_dim3A = vector.shape_cast %reduce_sum3A_5 : vector<200xf32> to vector<200x1xf32>
    %div3A = arith.constant 1.280000e+02 : f32
    %div3A_6 = vector.broadcast %div3A : f32 to vector<200x1xf32>
    %div3A_7 = arith.divf %broadcast_in_dim3A, %div3A_6 : vector<200x1xf32>
    %sub3A = vector.broadcast %div3A_7 : vector<200x1xf32> to vector<200x128xf32>
    %sub3A_8 = arith.subf %get3A_1, %sub3A : vector<200x128xf32>
    %swap3A = arith.constant 0 : index
    %swap3A_9 = arith.constant 0 : index
    %swap3A_10 = vector.load %arg2[%swap3A, %swap3A_9] : memref<200x128xf32, #tpu.memory_space<vmem>>, vector<200x128xf32>
    tpu.vector_store %arg2[%swap3A, %swap3A_9], %sub3A_8 {strides = array<i32>} : memref<200x128xf32, #tpu.memory_space<vmem>>, vector<200x128xf32>,
    %get3A_11 = arith.constant 0 : index
    %get3A_12 = arith.constant 0 : index
    %get3A_13 = vector.load %arg1[%get3A_11, %get3A_12] : memref<3x128xf32, #tpu.memory_space<vmem>>, vector<3x128xf32>
    %get3A_14 = arith.constant 0 : index
    %get3A_15 = arith.constant 0 : index
    %get3A_16 = vector.load %arg1[%get3A_14, %get3A_15] : memref<3x128xf32, #tpu.memory_space<vmem>>, vector<3x128xf32>
    %reduce_sum3A_17 = arith.constant dense<0.000000e+00> : vector<3xf32>
    %reduce_sum3A_18 = vector.multi_reduction <add>, %get3A_16, %reduce_sum3A_17 [1] : vector<3x128xf32> to vector<3xf32>
    %broadcast_in_dim3A_19 = vector.shape_cast %reduce_sum3A_18 : vector<3xf32> to vector<3x1xf32>
    %div3A_20 = arith.constant 1.280000e+02 : f32
    %div3A_21 = vector.broadcast %div3A_20 : f32 to vector<3x1xf32>
    %div3A_22 = arith.divf %broadcast_in_dim3A_19, %div3A_21 : vector<3x1xf32>
    %sub3A_23 = vector.broadcast %div3A_22 : vector<3x1xf32> to vector<3x128xf32>
    %sub3A_24 = arith.subf %get3A_13, %sub3A_23 : vector<3x128xf32>
    %swap3A_25 = arith.constant 0 : index
    %swap3A_26 = arith.constant 0 : index
    %swap3A_27 = vector.load %arg3[%swap3A_25, %swap3A_26] : memref<3x128xf32, #tpu.memory_space<vmem>>, vector<3x128xf32>
    tpu.vector_store %arg3[%swap3A_25, %swap3A_26], %sub3A_24 {strides = array<i32>} : memref<3x128xf32, #tpu.memory_space<vmem>>, vector<3x128xf32>,
    return
  }
}

module attributes {stable_mosaic.version = 14 : i64} {
  func.func @_proj_body(%arg0: i32, %arg1: memref<2000x128xf32, #tpu.memory_space<vmem>>, %arg2: memref<128x128xf32, #tpu.memory_space<vmem>>, %arg3: memref<2000x128xf32, #tpu.memory_space<vmem>>) attributes {dimension_semantics = [#tpu.dimension_semantics<arbitrary>], iteration_bounds = array<i64: 50>, scalar_prefetch = 0 : i64, scratch_operands = 0 : i64, tpu.core_type = #tpu.core_type<tc>, window_params = [{transform_indices = @transform_0, window_bounds = array<i64: 2000, 128>}, {pipeline_mode = #tpu.pipeline_mode<synchronous>, transform_indices = @transform_1, window_bounds = array<i64: 128, 128>}, {transform_indices = @transform_2, window_bounds = array<i64: 2000, 128>}]} {
    %get3A = arith.constant 0 : index
    %get3A_0 = arith.constant 0 : index
    %get3A_1 = vector.load %arg1[%get3A, %get3A_0] : memref<2000x128xf32, #tpu.memory_space<vmem>>, vector<2000x128xf32>
    %get3A_2 = arith.constant 0 : index
    %get3A_3 = arith.constant 0 : index
    %get3A_4 = vector.load %arg2[%get3A_2, %get3A_3] : memref<128x128xf32, #tpu.memory_space<vmem>>, vector<128x128xf32>
    %dot_general3A = arith.constant dense<0.000000e+00> : vector<2000x128xf32>
    %dot_general3A_5 = tpu.matmul %get3A_1, %get3A_4, %dot_general3A {dimension_numbers = #tpu.dot_dimension_numbers<[1], [1], [0], [0], [0, 0, 1, 0], [], []>, precision = #tpu.contract_precision<fp32>, transpose_lhs_hint = false} : vector<2000x128xf32>, vector<128x128xf32>, vector<2000x128xf32> -> vector<2000x128xf32>
    %reduce_sum3A = arith.constant dense<0.000000e+00> : vector<2000xf32>
    %reduce_sum3A_6 = vector.multi_reduction <add>, %dot_general3A_5, %reduce_sum3A [1] : vector<2000x128xf32> to vector<2000xf32>
    %broadcast_in_dim3A = vector.shape_cast %reduce_sum3A_6 : vector<2000xf32> to vector<2000x1xf32>
    %div3A = arith.constant 1.280000e+02 : f32
    %div3A_7 = vector.broadcast %div3A : f32 to vector<2000x1xf32>
    %div3A_8 = arith.divf %broadcast_in_dim3A, %div3A_7 : vector<2000x1xf32>
    %sub3A = vector.broadcast %div3A_8 : vector<2000x1xf32> to vector<2000x128xf32>
    %sub3A_9 = arith.subf %dot_general3A_5, %sub3A : vector<2000x128xf32>
    %swap3A = arith.constant 0 : index
    %swap3A_10 = arith.constant 0 : index
    %swap3A_11 = vector.load %arg3[%swap3A, %swap3A_10] : memref<2000x128xf32, #tpu.memory_space<vmem>>, vector<2000x128xf32>
    tpu.vector_store %arg3[%swap3A, %swap3A_10], %sub3A_9 {strides = array<i32>} : memref<2000x128xf32, #tpu.memory_space<vmem>>, vector<2000x128xf32>,
    return
  }
  func.func @transform_0(%arg0: i32) -> (i32, i32) {
    %c0_i32 = arith.constant 0 : i32
    %c0_i32_0 = arith.constant 0 : i32
    return %arg0, %c0_i32 : i32, i32
  }
  func.func @transform_1(%arg0: i32) -> (i32, i32) {
    %c0_i32 = arith.constant 0 : i32
    %c0_i32_0 = arith.constant 0 : i32
    %c0_i32_1 = arith.constant 0 : i32
    return %c0_i32, %c0_i32_0 : i32, i32
  }
  func.func @transform_2(%arg0: i32) -> (i32, i32) {
    %c0_i32 = arith.constant 0 : i32
    %c0_i32_0 = arith.constant 0 : i32
    return %arg0, %c0_i32 : i32, i32
  }
}

</mosaic_0001>

<sc_bundles>
// kernel: kernel.5.cloned.1.call-start
scs
__scs_entry_jumppad:
0x0: {  	(pc) =	sbr.rel $0x88, $3  }
0x1: {  	(tag) =	ssettag $0x0;
	lr =	simm.s32 $0x1  }
0x2: {  	[smem:$0x3F99] =	sst lr;
	_ =	strace $0xD0000000  }
0x3: {  	_ = 	snop  }
0x4: {  	_ = 	snop  }
0x5: {  	_ = 	snop  }
0x6: {  	_ = 	snop  }
0x7: {  	_ = 	snop  }
__scs_overlays_trampoline_lowered:
0x8: {  	[smem:$0x3FA8] =	sst s0  }
0x9: {  	[smem:$0x3FA9] =	sst s1  }
0xa: {  	[smem:$0x3FAA] =	sst s2  }
0xb: {  	[smem:$0x3FAB] =	sst s3  }
0xc: {  	[smem:$0x3FAC] =	sst s4  }
0xd: {  	[smem:$0x3FAD] =	sst s5  }
0xe: {  	[smem:$0x3FAE] =	sst s6  }
0xf: {  	[smem:$0x3FAF] =	sst s7  }
0x10: {  	[smem:$0x3FB0] =	sst s8  }
0x11: {  	[smem:$0x3FB1] =	sst s9;
	s0 =	simm.s32 @!p0 $0x0  }
0x12: {  	s1 =	sld [smem:$0x3F97];
	s0 =	simm.s32 @p0 $0x1  }
0x13: {  	[smem:$0x3FB2] =	sst s0;
	s0 =	simm.s32 @!p1 $0x0  }
0x14: {  	s2 =	sld [smem:$0x3F96];
	s0 =	simm.s32 @p1 $0x1  }
0x15: {  	[smem:$0x3FB3] =	sst s0;
	s0 =	simm.s32 @!p2 $0x0  }
0x16: {  	s3 =	sld [smem:$0x3FDB];
	s0 =	simm.s32 @p2 $0x1  }
0x17: {  	s4 =	simm.s32 $0x1BF5;
	[smem:$0x3FB5] =	sst s0  }
0x18: {  	s0 =	sld [smem:$0x3F98];
	_ =	swait.ge [sflag:s4], $0x0  }
0x19: {  	s7 =	sld [smem:$0x3F99]  }
0x1a: {  	s8 =	sadd.s32 $0xFFFFE003, lr  }
0x1b: {  	s9 =	sadd.s32 $0xFFFFFEF7, lr;
	s5 =	simm.s32 $0xFFFFFFFF;
	p2 =	slt.u32 s8, $0xFFFFF086  }
0x1c: {  	p1 =	slt.u32 s9, $0xF7A;
	s5 =	simm.s32 @!p2 $0x0  }
0x1d: {  	s5 =	simm.s32 @p1 $0x1;
	p0 =	seq.s32 s7, s2  }
0x1e: {  	s7 =	smul.u32 @!p0 $0xF7A, s2;
	p2 =	seq.s32 @!p0 s5, $0x0  }
0x1f: {  	s9 =	smul.u32 $0xF7A, s1;
	s8 =	simm.s32 @!p0 $0x1BF5;
	p2 =	por !p2, p0  }
0x20: {  	[sflag:s8] =	ssyncset.s32 @!p0 $0xFFFFF086;
	s6 =	sadd.s32 @!p0 s3, s7;
	s7 =	simm.s32 @!p0 $0x108  }
0x21: {  	s3 =	sadd.s32 s3, s9;
	s6 =	sadd.s32 @!p0 $0x88, s6;
	s7 =	simm.s32 @p2 $0x1082  }
0x22: {  	[simem:s7], [sflag:s8] =	dma.local @!p0 [hbm:s6], $0xF7A  }
0x23: {  	s9 =	sor.u32 $0xD0000000, s2;
	s6 =	simm.s32 $0x108;
	_ =	swait.ge @!p0 [sflag:s8], $0x0  }
0x24: {  	s3 =	sadd.s32 $0x88, s3;
	s6 =	simm.s32 @!p1 $0x1082;
	[sflag:s4] =	ssyncset.s32 $0xFFFFF086  }
0x25: {  	[simem:s6], [sflag:s4] =	dma.local [hbm:s3], $0xF7A  }
0x26: {  	[smem:$0x3F99] =	sst s1;
	(tag) =	ssettag s2;
	_ =	strace s9  }
0x27: {  	s1 =	sld [smem:$0x3FA9]  }
0x28: {  	s2 =	sld [smem:$0x3FAA]  }
0x29: {  	s4 =	sld [smem:$0x3FAC]  }
0x2a: {  	p0 =	seq.s32 s5, $0x0;
	s5 =	sld [smem:$0x3FAD]  }
0x2b: {  	s6 =	sld [smem:$0x3FAE]  }
0x2c: {  	s7 =	sld [smem:$0x3FAF]  }
0x2d: {  	s3 =	simm.s32 $0x108;
	s8 =	sld [smem:$0x3FB0]  }
0x2e: {  	s3 =	simm.s32 @!p0 $0x1082;
	s9 =	sld [smem:$0x3FB1]  }
0x2f: {  	lr =	sadd.s32 s0, s3;
	s0 =	sld [smem:$0x3FA8]  }
0x30: {  	s3 =	sld [smem:$0x3FAB]  }
0x31: {  	[smem:$0x3FB4] =	sst s10  }
0x32: {  	s10 =	sld [smem:$0x3FB2];
	_ =	sdelay $0x3  }
0x33: {  	p0 =	seq.s32 s10, $0x1;
	s10 =	sld [smem:$0x3FB4];
	_ =	sdelay $0x3  }
0x34: {  	[smem:$0x3FB4] =	sst s10  }
0x35: {  	s10 =	sld [smem:$0x3FB3];
	_ =	sdelay $0x3  }
0x36: {  	p1 =	seq.s32 s10, $0x1;
	s10 =	sld [smem:$0x3FB4];
	_ =	sdelay $0x3  }
0x37: {  	[smem:$0x3FB4] =	sst s10  }
0x38: {  	s10 =	sld [smem:$0x3FB5]  }
0x39: {  	_ = 	snop;
	(pc) =	sbr.ind lr, $3  }
0x3a: {  	_ = 	snop  }
0x3b: {  	_ = 	snop  }
0x3c: {  	p2 =	seq.s32 s10, $0x1;
	s10 =	sld [smem:$0x3FB4]  }
0x3d: {  	_ =	shalt  }
0x3e: {  	_ =	shalt  }
0x3f: {  	_ =	shalt  }
0x40: {  	_ =	shalt  }
0x41: {  	_ =	shalt  }
0x42: {  	_ =	shalt  }
0x43: {  	_ =	shalt  }
0x44: {  	_ =	shalt  }
0x45: {  	_ =	shalt  }
0x46: {  	_ =	shalt  }
0x47: {  	_ =	shalt  }
0x48: {  	_ =	shalt  }
0x49: {  	_ =	shalt  }
0x4a: {  	_ =	shalt  }
0x4b: {  	_ =	shalt  }
0x4c: {  	_ =	shalt  }
0x4d: {  	_ =	shalt  }
0x4e: {  	_ =	shalt  }
0x4f: {  	_ =	shalt  }
0x50: {  	_ =	shalt  }
0x51: {  	_ =	shalt  }
0x52: {  	_ =	shalt  }
0x53: {  	_ =	shalt  }
0x54: {  	_ =	shalt  }
0x55: {  	_ =	shalt  }
0x56: {  	_ =	shalt  }
0x57: {  	_ =	shalt  }
0x58: {  	_ =	shalt  }
0x59: {  	_ =	shalt  }
0x5a: {  	_ =	shalt  }
0x5b: {  	_ =	shalt  }
0x5c: {  	_ =	shalt  }
0x5d: {  	_ =	shalt  }
0x5e: {  	_ =	shalt  }
0x5f: {  	_ =	shalt  }
0x60: {  	_ =	shalt  }
0x61: {  	_ =	shalt  }
0x62: {  	_ =	shalt  }
0x63: {  	_ =	shalt  }
0x64: {  	_ =	shalt  }
0x65: {  	_ =	shalt  }
0x66: {  	_ =	shalt  }
0x67: {  	_ =	shalt  }
0x68: {  	_ =	shalt  }
0x69: {  	_ =	shalt  }
0x6a: {  	_ =	shalt  }
0x6b: {  	_ =	shalt  }
0x6c: {  	_ =	shalt  }
0x6d: {  	_ =	shalt  }
0x6e: {  	_ =	shalt  }
0x6f: {  	_ =	shalt  }
0x70: {  	_ =	shalt  }
0x71: {  	_ =	shalt  }
0x72: {  	_ =	shalt  }
0x73: {  	_ =	shalt  }
0x74: {  	_ =	shalt  }
0x75: {  	_ =	shalt  }
0x76: {  	_ =	shalt  }
0x77: {  	_ =	shalt  }
0x78: {  	_ =	shalt  }
0x79: {  	_ =	shalt  }
0x7a: {  	_ =	shalt  }
0x7b: {  	_ =	shalt  }
0x7c: {  	_ =	shalt  }
0x7d: {  	_ =	shalt  }
0x7e: {  	_ =	shalt  }
0x7f: {  	_ =	shalt  }
0x80: {  	_ =	shalt  }
0x81: {  	_ =	shalt  }
0x82: {  	_ =	shalt  }
0x83: {  	_ =	shalt  }
0x84: {  	_ =	shalt  }
0x85: {  	_ =	shalt  }
0x86: {  	_ =	shalt  }
0x87: {  	_ =	shalt  }
.Lfunc_end0:
.L_simem_size_0:
called_computation_lowered:
.L_overlay_start_0:
0x88: {  	s2 =	sld [smem:$0x3FD9]  }
0x89: {  	s3 =	sld [smem:$0x3FFE];
	_ =	sdelay $0x1  }
0x8a: {  	s1 =	srdreg.scid  }
0x8b: {  	s0 =	sand.u32 $0x1, s1  }
0x8c: {  	s17 =	sshll.u32 s0, $0xA;
	s2 =	sadd.s32 s3, s2  }
0x8d: {  	s2 =	sadd.s32 s2, s17  }
0x8e: {  	[smem:$0x3FC0] =	sst s2  }
0x8f: {  	_ = 	snop  }
0x90: {  	s2 =	sld [smem:$0x3FD0];
	(tm) =	ssettm $0x1  }
0x91: {  	s18 =	sld [smem:$0x3FFB];
	_ =	sdelay $0x3  }
0x92: {  	_ =	strace s18  }
0x93: {  	s3 =	sld [smem:$0x3FFC];
	_ =	sdelay $0x3  }
0x94: {  	_ =	strace s3  }
0x95: {  	s3 =	sld [smem:$0x3FFD];
	_ =	sdelay $0x3  }
0x96: {  	_ =	strace s3  }
0x97: {  	_ =	strace $0x8FFFFFFF  }
0x98: {  	s19 =	sld [smem:$0x3FDB];
	_ =	sdelay $0x1  }
0x99: {  	s4 =	simm.s32 $_scs_section_size  }
0x9a: {  	s5 =	simm.s32 $_size__tile_overlayer_lowered;
	s6 =	simm.s32 $_tile_overlayer_lowered  }
0x9b: {  	s22 =	simm.s32 $0x1BFF;
	s21 =	sshll.u32 s6, $0x1;
	s3 =	sadd.s32 s4, s19  }
0x9c: {  	s7 =	simm.s32 $0x0;
	s20 =	sshll.u32 s5, $0x1;
	s5 =	sadd.s32 s21, s3  }
0x9d: {  	[timem:s7], [sflag:s22] =	dma.local [hbm:s5], s20  }
0x9e: {  	_ =	swait.ge [sflag:s22], s20  }
0x9f: {  	s4 =	ssub.s32 $0x0, s20;
	[sflag:s22] =	ssyncset.done $0x0  }
0xa0: {  	[sflag:s22] =	ssyncadd.s32 s4;
	_ =	sdelay $0x1  }
0xa1: {  	s23 =	simm.s32 $0x1B8B  }
0xa2: {  	_ =	swait.ge [sflag:s23], $0x1  }
0xa3: {  	[sflag:s23] =	ssyncset.done $0x0  }
0xa4: {  	s25 =	simm.s32 $0x1B8E;
	s24 =	sld [smem:$0x3FFE];
	[sflag:s23] =	ssyncadd.s32 $0xFFFFFFFF  }
0xa5: {  	s26 =	simm.s32 $execute0_lowered;
	[smem:$0x3FD2] =	sst s25  }
0xa6: {  	s5 =	sshll.u32 s26, $0x1;
	_ =	strace $0x80000046;
	[dreg:$0x1] =	wrdreg $0xFFFFFFFF  }
0xa7: {  	s28 =	simm.s32 $_size_execute0_lowered;
	s3 =	sadd.s32 s3, s5;
	[dreg:$0x0] =	wrdreg $0x0  }
0xa8: {  	s5 =	sshll.u32 s28, $0x1;
	[dreg:$0x2] =	wrdreg s3  }
0xa9: {  	[dreg:$0x3] =	wrdreg s5  }
0xaa: {  	[dreg:$0x4] =	wrdreg $0xC0  }
0xab: {  	_ =	task [dreg:s7], $0x5FFFF  }
0xac: {  	[dreg:$0x1] =	wrdreg $0xFFFFFFFF  }
0xad: {  	[dreg:$0x0] =	wrdreg $0x60  }
0xae: {  	[dreg:$0x2] =	wrdreg s24  }
0xaf: {  	[dreg:$0x3] =	wrdreg s2  }
0xb0: {  	[dreg:$0x4] =	wrdreg $0x9  }
0xb1: {  	_ =	task.clear_ibuf [dreg:s7], $0x5FFFF;
	_ =	strace $0x90000046  }
0xb2: {  	s29 =	simm.s32 $0x9;
	_ =	strace $0x80000048  }
0xb3: {  	_ =	swait.ge [sflag:s29], $0x1  }
0xb4: {  	[sflag:s29] =	ssyncadd.s32 $0xFFFFFFFF  }
0xb5: {  	_ =	strace $0x90000048  }
0xb6: {  	_ =	sfence  }
0xb7: {  	s30 =	sld [smem:$0x0];
	_ =	sdelay $0x2  }
0xb8: {  	s31 =	sshll.u32 s1, $0xD;
	s1 =	sshrl.u32 s1, $0x2  }
0xb9: {  	s3 =	sand.u32 $0x4000, s31;
	s1 =	sadd.s32 s1, s30  }
0xba: {  	s0 =	sor.u32 s3, s0;
	s1 =	sshll.u32 s1, $0x11  }
0xbb: {  	s0 =	sor.u32 s1, s0  }
0xbc: {  	s0 =	sadd.s32 $0x8F2B, s0  }
0xbd: {  	[sflag:s0] =	ssyncadd.remote.s32 $0x1  }
0xbe: {  	_ =	sfence.sel $0xFFFF  }
0xbf: {  	[dreg:$0x0] =	wrdreg $0xFFFFFFFF;
	(pc) =	sbr.abs _section_cstart, $3  }
0xc0: {  	[dreg:$0x1] =	wrdreg $0xFFFFFFFF  }
0xc1: {  	_ =	task.clear_ibuf [dreg:s7], $0x2FFFF;
	_ =	strace $0x9FFFFFFF  }
0xc2: {  	(tm) =	ssettm $0x7FFFFFFF  }
0xc3: {  	_ =	shalt  }
tec
execute0_lowered:
.L_overlay_start_1:
0x0: {  	(tag) =	ssettag $0x1  }
0x1: {  	s0 =	rddreg [dreg:$0x0]  }
0x2: {  	s2 =	rddreg [dreg:$0x1];
	s3 =	simm.s32 $0x0  }
0x3: {  	s1 =	srdreg.scid;
	s4 =	stileid.u32;
	s12 =	simm.s32 $0x9  }
0x4: {  	s14 =	simm.s32 $0xE800;
	s15 =	simm.s32 $0x14C00;
	s17 =	simm.s32 $0x40  }
0x5: {  	s18 =	simm.s32 $0x6800;
	s20 =	simm.s32 $0x8800;
	s21 =	simm.s32 $0xA800  }
0x6: {  	s22 =	simm.s32 $0x1;
	s28 =	simm.s32 $0x6;
	s29 =	simm.s32 $0x4  }
0x7: {  	s31 =	simm.s32 $0x8;
	[smem:$0x7FF] =	sst s3;
	s1 =	sand.u32 $0x1, s1  }
0x8: {  	s4 =	sshll.u32 s4, $0x1;
	s7 =	sadd.s32 $0x1B200, s0;
	s23 =	sadd.s32 $0x1C000, s0  }
0x9: {  	_ =	strace $0x80000047;
	s5 =	sor.u32 s1, s4;
	s4 =	sadd.s32 $0x1C200, s0  }
0xa: {  	s1 =	ssub.s32 $0x2, s1;
	[dreg:$0x3] =	wrdreg s7;
	s6 =	smul.u32 $0x680, s5  }
0xb: {  	[dreg:$0x4] =	wrdreg s23;
	s23 =	simm.s32 $0xC800;
	s24 =	sshrl.u32 s1, $0x1  }
0xc: {  	s10 =	smul.u32 $0xC8000, s5;
	s6 =	sadd.s32 s6, s0;
	s0 =	sadd.s32 $0x1B000, s0  }
0xd: {  	v23 =	vlaneseq.u32;
	s25 =	ssub.s32 s1, s24;
	[dreg:$0x5] =	wrdreg s0;
	s26 =	sadd.s32 $0xE000, s6  }
0xe: {  	v1 =	vor.u32 $0x10, v23;
	s24 =	simm.s32 $0x2;
	s30 =	sadd.s32 $0x1000, s6;
	[dreg:$0x6] =	wrdreg s26  }
0xf: {  	v2 =	vor.u32 $0x20, v23;
	v3 =	vor.u32 $0x30, v23;
	v4 =	vor.u32 $0x40, v23;
	s0 =	smax.u32 s25, $0x1;
	s25 =	simm.s32 $0x5;
	[dreg:$0x7] =	wrdreg s30  }
0x10: {  	v5 =	vor.u32 $0x50, v23;
	v6 =	vor.u32 $0x60, v23;
	v7 =	vor.u32 $0x70, v23;
	[dreg:$0x8] =	wrdreg s0;
	s26 =	simm.s32 $0x3;
	s0 =	simm.s32 $0x0  }
.LBB2_1:
0x11: {  	s1 =	rddreg [dreg:$0x6]  }
0x12: {  	[tilespmem:s3], [sflag:$0x9] =	stream.linear.gather [hbm4b:s1+s3], $0x3200, $0x38;
	[tilespmem:$0x14F00] =	vst v63  }
0x13: {  	_ =	swait.ge [sflag:s12], $0x3200  }
0x14: {  	[sflag:s12] =	ssyncset.done $0x0  }
0x15: {  	s5 =	simm.s32 $0x3400;
	s9 =	rddreg [dreg:$0x7];
	[sflag:s12] =	ssyncadd.s32 $0xFFFFCE00  }
0x16: {  	[tilespmem:s5], [sflag:$0x9] =	stream.linear.gather [hbm4b:s9+s3], $0x3200, $0x38;
	[tilespmem:$0x14F00] =	vst v63  }
0x17: {  	_ =	swait.ge [sflag:s12], $0x3200  }
0x18: {  	[sflag:s12] =	ssyncset.done $0x0  }
0x19: {  	s11 =	rddreg [dreg:$0x3];
	[sflag:s12] =	ssyncadd.s32 $0xFFFFCE00  }
0x1a: {  	[tilespmem:s14], [sflag:$0x9] =	stream.linear.gather [hbm4b:s11+s3], $0x6400, $0x38;
	[tilespmem:$0x14F00] =	vst v63  }
0x1b: {  	_ =	swait.ge [sflag:s12], $0x6400  }
0x1c: {  	[sflag:s12] =	ssyncset.done $0x0  }
0x1d: {  	s13 =	rddreg [dreg:$0x4];
	[sflag:s12] =	ssyncadd.s32 $0xFFFF9C00  }
0x1e: {  	[tilespmem:s15], [sflag:$0x9] =	stream.linear.gather [hbm4b:s13+s3], $0x180, $0x38;
	[tilespmem:$0x14F00] =	vst v63  }
0x1f: {  	_ =	swait.ge [sflag:s12], $0x180  }
0x20: {  	[sflag:s12] =	ssyncset.done $0x0  }
0x21: {  	s19 =	simm.s32 $0x14E00;
	s16 =	rddreg [dreg:$0x5];
	[sflag:s12] =	ssyncadd.s32 $0xFFFFFE80  }
0x22: {  	[tilespmem:s19], [sflag:$0x9] =	stream.linear.gather [hbm4b:s16+s3], $0x100, $0x38;
	[tilespmem:$0x14F00] =	vst v63  }
0x23: {  	_ =	swait.ge [sflag:s12], $0x100  }
0x24: {  	[sflag:s12] =	ssyncset.done $0x0  }
0x25: {  	[sflag:s12] =	ssyncadd.s32 $0xFFFFFF00  }
0x26: {  	v28 =	vld [tilespmem:$0x14E00]  }
0x27: {  	v29 =	vld [tilespmem:$0x14E10]  }
0x28: {  	v30 =	vld [tilespmem:$0x14E20]  }
0x29: {  	v31 =	vld [tilespmem:$0x14E30]  }
0x2a: {  	v32 =	vld [tilespmem:$0x14E40]  }
0x2b: {  	v21 =	vld [tilespmem:$0x14E50]  }
0x2c: {  	v22 =	vld [tilespmem:$0x14E60]  }
0x2d: {  	v33 =	vld [tilespmem:$0x14E70]  }
0x2e: {  	v34 =	vld [tilespmem:$0x14E80]  }
0x2f: {  	v35 =	vld [tilespmem:$0x14E90]  }
0x30: {  	v36 =	vld [tilespmem:$0x14EA0]  }
0x31: {  	v44 =	vld [tilespmem:$0x14EB0]  }
0x32: {  	v45 =	vld [tilespmem:$0x14EC0]  }
0x33: {  	v47 =	vld [tilespmem:$0x14ED0]  }
0x34: {  	v17 =	vld [tilespmem:$0x14EE0]  }
0x35: {  	v18 =	vld [tilespmem:$0x14EF0];
	[tilespmem:s18], [sflag:$0x1] =	stream.indirect.gather [hbm4b:s4+s17], $0x80, s3, s17, $0xb8  }
0x36: {  	s30 =	simm.s32 $0x80  }
0x37: {  	[tilespmem:s20], [sflag:$0x2] =	stream.indirect.gather [hbm4b:s4+s17], $0x80, s30, s17, $0xb8;
	[tilespmem:$0x14F00] =	vst v63  }
0x38: {  	[tilespmem:$0x1FF00] =	vst v28  }
0x39: {  	[tilespmem:$0x1FF10] =	vst v29  }
0x3a: {  	[tilespmem:$0x1FF20] =	vst v30  }
0x3b: {  	[tilespmem:$0x1FF30] =	vst v31  }
0x3c: {  	[tilespmem:$0x1FF40] =	vst v32  }
0x3d: {  	[tilespmem:$0x1FF50] =	vst v21  }
0x3e: {  	[tilespmem:$0x1FF60] =	vst v22  }
0x3f: {  	[tilespmem:$0x1FF70] =	vst v33  }
0x40: {  	[tilespmem:$0x1FF80] =	vst v34  }
0x41: {  	[tilespmem:$0x1FF90] =	vst v35  }
0x42: {  	[tilespmem:$0x1FFA0] =	vst v36  }
0x43: {  	[tilespmem:$0x1FFB0] =	vst v44  }
0x44: {  	[tilespmem:$0x1FFC0] =	vst v45  }
0x45: {  	[tilespmem:$0x1FFD0] =	vst v47  }
0x46: {  	[tilespmem:$0x1FFE0] =	vst v17  }
0x47: {  	s1 =	simm.s32 $0x0;
	[tilespmem:$0x1FFF0] =	vst v18  }
.LBB2_2:
0x48: {  	p0 =	seq.s32 s1, $0x0  }
0x49: {  	s5 =	sshll.u32 s1, $0x2;
	s6 =	simm.s32 @!p0 $0x7  }
0x4a: {  	s13 =	sor.u32 $0x2, s5;
	_ =	swait.ge @!p0 [sflag:s6], $0x2000  }
0x4b: {  	s7 =	sshll.u32 s13, $0x9;
	[sflag:s6] =	ssyncset.done @!p0 $0x0  }
0x4c: {  	s19 =	sshrl.u32 s7, $0x2;
	[sflag:s6] =	ssyncadd.s32 @!p0 $0xFFFFE000;
	s6 =	sshll.u32 s1, $0xB  }
0x4d: {  	[tilespmem:s21], [sflag:$0x3] =	stream.indirect.gather [hbm4b:s4+s17], $0x80, s19, s17, $0xb8;
	[tilespmem:$0x14F00] =	vst v63  }
0x4e: {  	s30 =	sshrl.u32 s6, $0x2  }
0x4f: {  	_ =	swait.ge [sflag:s22], $0x2000;
	s8 =	sadd.s32 $0x3400, s30  }
0x50: {  	[sflag:s22] =	ssyncset.done $0x0;
	v0 =	vmov s8  }
0x51: {  	s9 =	simm.s32 $0xFFFFFFFC;
	s7 =	simm.s32 $0x6900;
	[sflag:s22] =	ssyncadd.s32 $0xFFFFE000;
	[tilespmem:$0x1FEF0] =	vst v0  }
.LBB2_3:
0x52: {  	v0 =	vld [tilespmem:$0x1FEF0];
	_ =	sdelay $0x5  }
0x53: {  	s8 =	sadd.s32 $0x4, s9;
	v30 =	vld [tilespmem:s7+$0xFFFFFF00]  }
0x54: {  	v33 =	vld [tilespmem:s7+$0xFFFFFF10];
	s11 =	sand.u32 $0x30, s8  }
0x55: {  	v37 =	vld.idx.msk [tilespmem:v0+s11+$0x0 ss:$0x1], $0xffff  }
0x56: {  	v36 =	vld [tilespmem:s7+$0xFFFFFF20]  }
0x57: {  	v40 =	vld [tilespmem:s7+$0xFFFFFF30]  }
0x58: {  	v43 =	vld [tilespmem:s7+$0xFFFFFF40];
	s16 =	sand.u32 $0xC, s8  }
0x59: {  	v46 =	vld [tilespmem:s7+$0xFFFFFF50];
	v25 =	vmov s16  }
0x5a: {  	v49 =	vld [tilespmem:s7+$0xFFFFFF60];
	v25 =	vperm.xlane v37, v25  }
0x5b: {  	v52 =	vld [tilespmem:s7+$0xFFFFFF70]  }
0x5c: {  	v56 =	vld [tilespmem:s7+$0xFFFFFF80];
	v26 =	vshll.u32 v25, $0x7  }
0x5d: {  	v58 =	vld [tilespmem:s7+$0xFFFFFF90];
	v25 =	vshrl.u32 v25, $0x1;
	v26 =	vand.u32 $0x7F80, v26  }
0x5e: {  	v62 =	vld [tilespmem:s7+$0xFFFFFFA0];
	v25 =	vand.u32 $0x7FFFFF80, v25;
	v27 =	vor.u32 v23, v26  }
0x5f: {  	v24 =	vld [tilespmem:s7+$0xFFFFFFB0];
	v28 =	vor.u32 v23, v25  }
0x60: {  	v10 =	vld [tilespmem:s7+$0xFFFFFFC0];
	v29 =	vor.u32 v1, v26  }
0x61: {  	v12 =	vld [tilespmem:s7+$0xFFFFFFD0];
	v31 =	vor.u32 v1, v25  }
0x62: {  	v21 =	vld [tilespmem:s7+$0x0];
	v32 =	vor.u32 v2, v26  }
0x63: {  	v34 =	vor.u32 v2, v25;
	v27 =	vld.idx.msk [tilespmem:v27+s14+$0x0], $0xffff  }
0x64: {  	v35 =	vor.u32 v3, v26;
	v28 =	vld.idx.msk [tilespmem:v28+s15+$0x0], $0xffff  }
0x65: {  	v38 =	vor.u32 v3, v25;
	v29 =	vld.idx.msk [tilespmem:v29+s14+$0x0], $0xffff  }
0x66: {  	v39 =	vor.u32 v4, v26;
	v31 =	vld.idx.msk [tilespmem:v31+s15+$0x0], $0xffff  }
0x67: {  	s30 =	sadd.s32 $0x5, s9;
	v41 =	vor.u32 v4, v25;
	v32 =	vld.idx.msk [tilespmem:v32+s14+$0x0], $0xffff  }
0x68: {  	s11 =	sand.u32 $0xD, s30;
	v42 =	vor.u32 v5, v26;
	v34 =	vld.idx.msk [tilespmem:v34+s15+$0x0], $0xffff  }
0x69: {  	v48 =	vmov s11;
	v44 =	vor.u32 v5, v25;
	v35 =	vld.idx.msk [tilespmem:v35+s14+$0x0], $0xffff  }
0x6a: {  	v48 =	vperm.xlane v37, v48;
	v45 =	vor.u32 v6, v26;
	v38 =	vld.idx.msk [tilespmem:v38+s15+$0x0], $0xffff  }
0x6b: {  	v47 =	vor.u32 v6, v25;
	v39 =	vld.idx.msk [tilespmem:v39+s14+$0x0], $0xffff  }
0x6c: {  	v50 =	vshll.u32 v48, $0x7;
	v26 =	vor.u32 v7, v26;
	v41 =	vld.idx.msk [tilespmem:v41+s15+$0x0], $0xffff  }
0x6d: {  	v48 =	vshrl.u32 v48, $0x1;
	v50 =	vand.u32 $0x7F80, v50;
	v25 =	vor.u32 v7, v25;
	v42 =	vld.idx.msk [tilespmem:v42+s14+$0x0], $0xffff  }
0x6e: {  	v48 =	vand.u32 $0x7FFFFF80, v48;
	v51 =	vor.u32 v23, v50;
	v44 =	vld.idx.msk [tilespmem:v44+s15+$0x0], $0xffff  }
0x6f: {  	v53 =	vor.u32 v23, v48;
	v45 =	vld.idx.msk [tilespmem:v45+s14+$0x0], $0xffff  }
0x70: {  	v13 =	vor.u32 v1, v50;
	v47 =	vld.idx.msk [tilespmem:v47+s15+$0x0], $0xffff  }
0x71: {  	v14 =	vor.u32 v1, v48;
	v54 =	vld.idx.msk [tilespmem:v26+s14+$0x0], $0xffff  }
0x72: {  	v57 =	vor.u32 v2, v50;
	v55 =	vld.idx.msk [tilespmem:v25+s15+$0x0], $0xffff  }
0x73: {  	v59 =	vor.u32 v2, v48;
	v51 =	vld.idx.msk [tilespmem:v51+s14+$0x0], $0xffff  }
0x74: {  	v15 =	vor.u32 v3, v50;
	v53 =	vld.idx.msk [tilespmem:v53+s15+$0x0], $0xffff  }
0x75: {  	v16 =	vor.u32 v3, v48;
	v60 =	vld.idx.msk [tilespmem:v13+s14+$0x0], $0xffff  }
0x76: {  	v63 =	vor.u32 v4, v50;
	v61 =	vld.idx.msk [tilespmem:v14+s15+$0x0], $0xffff  }
0x77: {  	v0 =	vor.u32 v4, v48;
	v57 =	vld.idx.msk [tilespmem:v57+s14+$0x0], $0xffff  }
0x78: {  	v17 =	vor.u32 v5, v50;
	v59 =	vld.idx.msk [tilespmem:v59+s15+$0x0], $0xffff  }
0x79: {  	v18 =	vor.u32 v5, v48;
	v8 =	vld.idx.msk [tilespmem:v15+s14+$0x0], $0xffff  }
0x7a: {  	s16 =	sadd.s32 $0x6, s9;
	v9 =	vld.idx.msk [tilespmem:v16+s15+$0x0], $0xffff  }
0x7b: {  	s11 =	sand.u32 $0xE, s16;
	v11 =	vor.u32 v6, v50;
	v63 =	vld.idx.msk [tilespmem:v63+s14+$0x0], $0xffff  }
0x7c: {  	v0 =	vld.idx.msk [tilespmem:v0+s15+$0x0], $0xffff;
	v13 =	vor.u32 v6, v48;
	v14 =	vmov s11  }
0x7d: {  	v15 =	vld.idx.msk [tilespmem:v17+s14+$0x0], $0xffff;
	v26 =	vor.u32 v7, v50;
	v14 =	vperm.xlane v37, v14  }
0x7e: {  	v16 =	vld.idx.msk [tilespmem:v18+s15+$0x0], $0xffff;
	v48 =	vor.u32 v7, v48  }
0x7f: {  	v50 =	vld [tilespmem:s7+$0xFFFFFFE0];
	v19 =	vshll.u32 v14, $0x7  }
0x80: {  	v11 =	vld.idx.msk [tilespmem:v11+s14+$0x0], $0xffff;
	v14 =	vshrl.u32 v14, $0x1;
	v17 =	vand.u32 $0x7F80, v19  }
0x81: {  	v14 =	vand.u32 $0x7FFFFF80, v14;
	v25 =	vadd.f32 v28, v27;
	v13 =	vld.idx.msk [tilespmem:v13+s15+$0x0], $0xffff;
	v27 =	vor.u32 v23, v17  }
0x82: {  	v19 =	vor.u32 v23, v14;
	v20 =	vld.idx.msk [tilespmem:v26+s14+$0x0], $0xffff;
	v26 =	vadd.f32 v31, v29;
	v29 =	vadd.f32 v34, v32  }
0x83: {  	v48 =	vld.idx.msk [tilespmem:v48+s15+$0x0], $0xffff;
	v44 =	vadd.f32 v44, v42;
	v8 =	vadd.f32 v9, v8  }
0x84: {  	v18 =	vld [tilespmem:s7+$0xFFFFFFF0];
	v32 =	vor.u32 v1, v14;
	v0 =	vadd.f32 v0, v63;
	v15 =	vadd.f32 v16, v15  }
0x85: {  	v31 =	vor.u32 v1, v17;
	v16 =	vld [tilespmem:s7+$0x60];
	v25 =	vadd.f32 v25, v30;
	v28 =	vadd.f32 v26, v33  }
0x86: {  	v26 =	vadd.f32 v29, v36;
	v29 =	vadd.f32 v41, v39;
	v36 =	vor.u32 v3, v17;
	v22 =	vld.idx.msk [tilespmem:v27+s14+$0x0], $0xffff  }
0x87: {  	v33 =	vor.u32 v2, v17;
	v39 =	vor.u32 v2, v14;
	v27 =	vadd.f32 v38, v35;
	v19 =	vld.idx.msk [tilespmem:v19+s15+$0x0], $0xffff  }
0x88: {  	v34 =	vmul.f32 v25, v25;
	v38 =	vld [tilespmem:s7+$0x10];
	v11 =	vadd.f32 v13, v11;
	v13 =	vadd.f32 v48, v20  }
0x89: {  	v41 =	vmul.f32 v26, v26;
	v42 =	vld.idx.msk [tilespmem:v32+s15+$0x0], $0xffff;
	v30 =	vadd.f32 v27, v40;
	v27 =	vadd.f32 v29, v43  }
0x8a: {  	v35 =	vmul.f32 v28, v28;
	v40 =	vld.idx.msk [tilespmem:v31+s14+$0x0], $0xffff;
	v29 =	vadd.f32 v44, v46;
	v31 =	vadd.f32 v47, v45  }
0x8b: {  	v44 =	vadd.f32 v55, v54;
	v45 =	vor.u32 v3, v14;
	v55 =	vld.idx.msk [tilespmem:v36+s14+$0x0], $0xffff;
	v36 =	vadd.f32 v8, v24  }
0x8c: {  	v20 =	vld [tilespmem:s7+$0x70];
	v24 =	vor.u32 v6, v14;
	v48 =	vadd.f32 v11, v50;
	v43 =	vmul.f32 v30, v30  }
0x8d: {  	v46 =	vld [tilespmem:s7+$0x20];
	v47 =	vmul.f32 v27, v27;
	v32 =	vadd.f32 v31, v49;
	v31 =	vadd.f32 v44, v52  }
0x8e: {  	v54 =	vmul.f32 v29, v29;
	v49 =	vld.idx.msk [tilespmem:v33+s14+$0x0], $0xffff;
	v33 =	vadd.f32 v35, v34;
	v19 =	vadd.f32 v19, v22  }
0x8f: {  	v39 =	vld.idx.msk [tilespmem:v39+s15+$0x0], $0xffff;
	v35 =	vor.u32 v4, v17;
	v34 =	vadd.f32 v43, v41;
	v41 =	vadd.f32 v53, v51  }
0x90: {  	s30 =	sadd.s32 $0x7, s9;
	v8 =	vld [tilespmem:s7+$0x50];
	v43 =	vor.u32 v4, v14;
	v44 =	vmul.f32 v32, v32;
	v52 =	vmul.f32 v31, v31  }
0x91: {  	v50 =	vld [tilespmem:s7+$0x80];
	v53 =	vadd.f32 v61, v60;
	v61 =	vadd.f32 v59, v57;
	v59 =	vmov s30  }
0x92: {  	v60 =	vadd.f32 v34, v33;
	v33 =	vadd.f32 v41, v56;
	v41 =	vld.idx.msk [tilespmem:v45+s15+$0x0], $0xffff;
	v45 =	vor.u32 v5, v17  }
0x93: {  	v51 =	vld [tilespmem:s7+$0x30];
	v47 =	vadd.f32 v54, v47;
	v37 =	vperm.xlane v37, v59;
	v56 =	vor.u32 v5, v14  }
0x94: {  	v59 =	vmul.f32 v36, v36;
	v22 =	vadd.f32 v42, v40;
	v34 =	vadd.f32 v53, v58;
	v53 =	vld [tilespmem:s7+$0x40]  }
0x95: {  	v52 =	vadd.f32 v52, v44;
	v14 =	vor.u32 v7, v14;
	v44 =	vadd.f32 v0, v10;
	v9 =	vld.idx.msk [tilespmem:v35+s14+$0x0], $0xffff  }
0x96: {  	v35 =	vadd.f32 v61, v62;
	v63 =	vshll.u32 v37, $0x7;
	v37 =	vshrl.u32 v37, $0x1;
	v58 =	vld.idx.msk [tilespmem:v43+s15+$0x0], $0xffff  }
0x97: {  	v39 =	vadd.f32 v39, v49;
	v54 =	vmul.f32 v33, v33;
	v43 =	vor.u32 v6, v17;
	v62 =	vld.idx.msk [tilespmem:v45+s14+$0x0], $0xffff  }
0x98: {  	v57 =	vmul.f32 v34, v34;
	v10 =	vand.u32 $0x7F80, v63;
	v61 =	vmul.f32 v35, v35;
	v56 =	vld.idx.msk [tilespmem:v56+s15+$0x0], $0xffff  }
0x99: {  	v17 =	vor.u32 v7, v17;
	v45 =	vadd.f32 v15, v12;
	v12 =	vld.idx.msk [tilespmem:v24+s15+$0x0], $0xffff;
	v15 =	vor.u32 v23, v10  }
0x9a: {  	v24 =	vand.u32 $0x7FFFFF80, v37;
	v11 =	vld.idx.msk [tilespmem:v14+s15+$0x0], $0xffff;
	v14 =	vadd.f32 v57, v54;
	v61 =	vadd.f32 v59, v61  }
0x9b: {  	v49 =	vld [tilespmem:s7+$0xA0];
	v37 =	vor.u32 v23, v24;
	v54 =	vor.u32 v1, v24;
	v63 =	vmul.f32 v45, v45  }
0x9c: {  	v14 =	vadd.f32 v61, v14;
	v0 =	vld.idx.msk [tilespmem:v43+s14+$0x0], $0xffff;
	v43 =	vadd.f32 v52, v47;
	v52 =	vmul.f32 v44, v44  }
0x9d: {  	v61 =	vld [tilespmem:s7+$0x90];
	v47 =	vadd.f32 v13, v18;
	v13 =	vor.u32 v1, v10;
	v9 =	vadd.f32 v58, v9  }
0x9e: {  	v17 =	vld.idx.msk [tilespmem:v17+s14+$0x0], $0xffff;
	v58 =	vor.u32 v4, v24;
	v57 =	vadd.f32 v43, v60;
	v43 =	vmul.f32 v48, v48  }
0x9f: {  	v59 =	vmul.f32 v47, v47;
	v15 =	vld.idx.msk [tilespmem:v15+s14+$0x0], $0xffff;
	v18 =	vadd.f32 v63, v52;
	v40 =	vadd.f32 v56, v62  }
0xa0: {  	v60 =	vor.u32 v2, v10;
	v52 =	vld.idx.msk [tilespmem:v37+s15+$0x0], $0xffff;
	v37 =	vadd.f32 v22, v38;
	v38 =	vadd.f32 v39, v46  }
0xa1: {  	v63 =	vor.u32 v2, v24;
	v56 =	vld [tilespmem:s7+$0xB0];
	v22 =	vadd.f32 v41, v55;
	v46 =	vadd.f32 v9, v53  }
0xa2: {  	v39 =	vor.u32 v3, v24;
	v59 =	vadd.f32 v59, v43;
	v43 =	vadd.f32 v19, v21;
	v19 =	vld.idx.msk [tilespmem:v54+s15+$0x0], $0xffff  }
0xa3: {  	v9 =	vor.u32 v5, v10;
	v21 =	vor.u32 v3, v10;
	(xrf2) =	vadd.scan.msk.f32 $0xffff, v57;
	v13 =	vld.idx.msk [tilespmem:v13+s14+$0x0], $0xffff  }
0xa4: {  	v40 =	vadd.f32 v40, v8;
	v42 =	vadd.f32 v22, v51;
	v51 =	vor.u32 v4, v10;
	v58 =	vld.idx.msk [tilespmem:v58+s15+$0x0], $0xffff  }
0xa5: {  	v55 =	vmul.f32 v37, v37;
	v0 =	vadd.f32 v12, v0;
	v11 =	vadd.f32 v11, v17;
	v57 =	vld.idx.msk [tilespmem:v60+s14+$0x0], $0xffff  }
0xa6: {  	v18 =	vadd.f32 v59, v18;
	v54 =	vmul.f32 v43, v43;
	v17 =	vmul.f32 v40, v40;
	v22 =	vld.idx.msk [tilespmem:v63+s15+$0x0], $0xffff  }
0xa7: {  	v41 =	vadd.f32 v0, v16;
	v8 =	vld.idx.msk [tilespmem:v39+s15+$0x0], $0xffff;
	v39 =	vadd.f32 v11, v20;
	v11 =	vor.u32 v5, v24  }
0xa8: {  	v60 =	vmul.f32 v42, v42;
	v16 =	vmul.f32 v46, v46;
	v12 =	vld.idx.msk [tilespmem:v21+s14+$0x0], $0xffff;
	v21 =	vor.u32 v6, v10  }
0xa9: {  	v62 =	vor.u32 v6, v24;
	v20 =	vld.idx.msk [tilespmem:v51+s14+$0x0], $0xffff;
	v51 =	vmul.f32 v41, v41;
	v53 =	vmul.f32 v39, v39  }
0xaa: {  	v59 =	vmul.f32 v38, v38;
	v0 =	vld [tilespmem:s7+$0xC0];
	v54 =	vadd.f32 v55, v54;
	v14 =	vadd.f32 v18, v14  }
0xab: {  	v9 =	vld.idx.msk [tilespmem:v9+s14+$0x0], $0xffff;
	v10 =	vor.u32 v7, v10;
	v16 =	vadd.f32 v17, v16;
	v17 =	vadd.f32 v53, v51  }
0xac: {  	v24 =	vor.u32 v7, v24;
	v15 =	vadd.f32 v52, v15;
	v55 =	vadd.f32 v60, v59;
	v11 =	vld.idx.msk [tilespmem:v11+s15+$0x0], $0xffff  }
0xad: {  	v13 =	vadd.f32 v19, v13;
	v60, _, _ =	vpop (xrf2);
	v16 =	vadd.f32 v17, v16;
	v17 =	vld.idx.msk [tilespmem:v21+s14+$0x0], $0xffff  }
0xae: {  	v51 =	vadd.f32 v15, v50;
	v21 =	vld.idx.msk [tilespmem:v62+s15+$0x0], $0xffff;
	v63 =	vmul.f32 $7.812500000e-03, v60  }
0xaf: {  	v59 =	vld [tilespmem:s7+$0xD0];
	(xrf2) =	vadd.scan.msk.f32 $0xffff, v14;
	v52 =	vadd.f32 v13, v61;
	v60 =	vadd.f32 v55, v54  }
0xb0: {  	v10 =	vld.idx.msk [tilespmem:v10+s14+$0x0], $0xffff;
	v18 =	vadd.f32 $9.999999960e-13, v63;
	v63 =	vadd.f32 v22, v57  }
0xb1: {  	v8 =	vadd.f32 v8, v12;
	v14 =	vadd.f32 v16, v60;
	v57 =	vld.idx.msk [tilespmem:v24+s15+$0x0], $0xffff  }
0xb2: {  	v60 =	vld [tilespmem:s7+$0xE0];
	v9 =	vadd.f32 v11, v9;
	v50 =	vbroadcast v18, $0xF;
	v54 =	vadd.f32 v63, v49  }
0xb3: {  	v62 =	vld [tilespmem:s7+$0xF0];
	v24 =	vmul.f32 v51, v51;
	v63 =	vadd.f32 v58, v20;
	v17 =	vadd.f32 v21, v17  }
0xb4: {  	v20 =	vmul.f32 v52, v52;
	v55 =	vadd.f32 v9, v59;
	v61 =	vshrl.u32 v50, $0x1  }
0xb5: {  	v16 =	vmul.f32 $5.000000000e-01, v50;
	v50 =	vadd.f32 v8, v56;
	v18 =	vmul.f32 v54, v54  }
0xb6: {  	v56 =	vadd.f32 v63, v0;
	v8 =	vsub.s32 $0x5F3759DF, v61;
	v10 =	vadd.f32 v57, v10  }
0xb7: {  	v53 =	vadd.f32 v17, v60;
	v61 =	vmul.f32 v55, v55;
	v19 =	vmul.f32 v8, v16  }
0xb8: {  	v0 =	vmul.f32 v50, v50;
	v60 =	vmul.f32 v56, v56;
	v49 =	vadd.f32 v10, v62  }
0xb9: {  	v11 =	vadd.f32 v20, v24;
	v62, _, _ =	vpop (xrf2);
	v63 =	vmul.f32 v53, v53;
	v57 =	vmul.f32 v8, v19  }
0xba: {  	(xrf2) =	vadd.scan.msk.f32 $0xffff, v14;
	v0 =	vadd.f32 v0, v18;
	v12 =	vmul.f32 $7.812500000e-03, v62;
	v24 =	vmul.f32 v49, v49  }
0xbb: {  	v9 =	vadd.f32 v61, v60;
	v59 =	vsub.f32 $1.500000000e+00, v57  }
0xbc: {  	v12 =	vadd.f32 $9.999999960e-13, v12;
	v58 =	vadd.f32 v24, v63  }
0xbd: {  	v8 =	vmul.f32 v8, v59  }
0xbe: {  	v0 =	vadd.f32 v0, v11;
	v60 =	vbroadcast v12, $0xF;
	v9 =	vadd.f32 v58, v9  }
0xbf: {  	v61 =	vmul.f32 v8, v16  }
0xc0: {  	v62 =	vshrl.u32 v60, $0x1;
	v10 =	vmul.f32 $5.000000000e-01, v60;
	v0 =	vadd.f32 v9, v0  }
0xc1: {  	v63 =	vsub.s32 $0x5F3759DF, v62  }
0xc2: {  	v18 =	vmul.f32 v63, v10;
	(xrf2) =	vadd.scan.msk.f32 $0xffff, v0;
	v0 =	vmul.f32 v61, v8;
	_ =	sdelay $0x1  }
0xc3: {  	v17, _, _ =	vpop (xrf2);
	v12 =	vmul.f32 v63, v18;
	v0 =	vsub.f32 $1.500000000e+00, v0  }
0xc4: {  	v11 =	vmul.f32 $7.812500000e-03, v17  }
0xc5: {  	v19 =	vsub.f32 $1.500000000e+00, v12;
	v0 =	vmul.f32 v0, v8  }
0xc6: {  	v8 =	vadd.f32 $9.999999960e-13, v11  }
0xc7: {  	v9 =	vmul.f32 v63, v19;
	v24 =	vmul.f32 v0, v16  }
0xc8: {  	v8 =	vbroadcast v8, $0xF  }
0xc9: {  	v59 =	vmul.f32 v9, v10;
	v57 =	vmul.f32 v24, v0  }
0xca: {  	v58 =	vshrl.u32 v8, $0x1;
	v8 =	vmul.f32 $5.000000000e-01, v8  }
0xcb: {  	v12 =	vsub.s32 $0x5F3759DF, v58;
	v13 =	vmul.f32 v59, v9;
	v11 =	vsub.f32 $1.500000000e+00, v57  }
0xcc: {  	v61 =	vmul.f32 v12, v8  }
0xcd: {  	v60, _, _ =	vpop (xrf2);
	v13 =	vsub.f32 $1.500000000e+00, v13;
	v0 =	vmul.f32 v11, v0  }
0xce: {  	v14 =	vmul.f32 $7.812500000e-03, v60;
	v62 =	vmul.f32 v12, v61  }
0xcf: {  	v9 =	vmul.f32 v13, v9;
	v63 =	vmul.f32 v0, v25  }
0xd0: {  	v24 =	vmul.f32 v0, v28;
	v57 =	vmul.f32 v0, v26  }
0xd1: {  	v14 =	vadd.f32 $9.999999960e-13, v14;
	v60 =	vmul.f32 v0, v30;
	v10 =	vmul.f32 v9, v10  }
0xd2: {  	v11 =	vsub.f32 $1.500000000e+00, v62;
	v30 =	vld [tilespmem:$0x1FF20];
	v20 =	vmul.f32 v0, v27;
	v21 =	vmul.f32 v0, v29  }
0xd3: {  	v29 =	vld [tilespmem:$0x1FF10];
	v14 =	vbroadcast v14, $0xF;
	v10 =	vmul.f32 v10, v9  }
0xd4: {  	v22 =	vmul.f32 v0, v32;
	v32 =	vld [tilespmem:$0x1FF40];
	v11 =	vmul.f32 v12, v11  }
0xd5: {  	v25 =	vshrl.u32 v14, $0x1;
	v13 =	vmul.f32 $5.000000000e-01, v14;
	v10 =	vsub.f32 $1.500000000e+00, v10  }
0xd6: {  	v0 =	vmul.f32 v0, v31;
	v12 =	vsub.s32 $0x5F3759DF, v25;
	v58 =	vmul.f32 v11, v8  }
0xd7: {  	v28 =	vld [tilespmem:$0x1FF00];
	v59 =	vmul.f32 v12, v13;
	v9 =	vmul.f32 v10, v9  }
0xd8: {  	v31 =	vld [tilespmem:$0x1FF30];
	v62 =	vmul.f32 v24, v29;
	v14 =	vmul.f32 v57, v30  }
0xd9: {  	v57 =	vmul.f32 v20, v32;
	v19 =	vmul.f32 v9, v34;
	v34 =	vld [tilespmem:$0x1FF80]  }
0xda: {  	v17 =	vmul.f32 v58, v11;
	v20 =	vmul.f32 v9, v35;
	v35 =	vld [tilespmem:$0x1FF90]  }
0xdb: {  	v18 =	vmul.f32 v12, v59;
	v24 =	vmul.f32 v9, v36;
	v36 =	vld [tilespmem:$0x1FFA0]  }
0xdc: {  	v61 =	vmul.f32 v63, v28;
	v17 =	vsub.f32 $1.500000000e+00, v17;
	v26 =	vmul.f32 v9, v45;
	v45 =	vld [tilespmem:$0x1FFC0]  }
0xdd: {  	v63 =	vmul.f32 v60, v31;
	v18 =	vsub.f32 $1.500000000e+00, v18;
	v25 =	vmul.f32 v9, v44;
	v44 =	vld [tilespmem:$0x1FFB0]  }
0xde: {  	v27 =	vmul.f32 v9, v48;
	v10 =	vmul.f32 v17, v11  }
0xdf: {  	v11 =	vmul.f32 v12, v18;
	v18 =	vmul.f32 v9, v33;
	v33 =	vld [tilespmem:$0x1FF70]  }
0xe0: {  	v9 =	vmul.f32 v9, v47;
	v8 =	vmul.f32 v10, v8;
	v12 =	vadd.f32 v61, v34  }
0xe1: {  	v59 =	vmul.f32 v11, v13;
	v15 =	vadd.f32 v62, v35;
	v61 =	vld [tilespmem:$0x1FF50];
	v62 =	vadd.f32 v57, v45  }
0xe2: {  	v8 =	vmul.f32 v8, v10;
	v58 =	vadd.f32 v14, v36;
	v60 =	vadd.f32 v63, v44;
	v63 =	vld [tilespmem:$0x1FF60];
	[tilespmem:s7+$0xFFFFFF00] =	vst v12  }
0xe3: {  	v47 =	vld [tilespmem:$0x1FFD0];
	v14 =	vmul.f32 v59, v11;
	[tilespmem:s7+$0xFFFFFF40] =	vst v62;
	v62 =	vmul.f32 v24, v31  }
0xe4: {  	v8 =	vsub.f32 $1.500000000e+00, v8;
	[tilespmem:s7+$0xFFFFFF20] =	vst v58;
	v0 =	vmul.f32 v0, v33;
	v58 =	vmul.f32 v18, v28;
	v18 =	vld [tilespmem:$0x1FFF0]  }
0xe5: {  	v57 =	vld [tilespmem:$0x1FFE0];
	[tilespmem:s7+$0xFFFFFF30] =	vst v60;
	v60 =	vmul.f32 v20, v30;
	v24 =	vmul.f32 v25, v32;
	v25 =	vadd.f32 v62, v44  }
0xe6: {  	[tilespmem:s7+$0xFFFFFF10] =	vst v15;
	v8 =	vmul.f32 v8, v10;
	v16 =	vmul.f32 v21, v61;
	v61 =	vadd.f32 v58, v34  }
0xe7: {  	v14 =	vsub.f32 $1.500000000e+00, v14;
	v17 =	vmul.f32 v22, v63;
	v63 =	vadd.f32 v60, v36;
	[tilespmem:s7+$0xFFFFFFB0] =	vst v25  }
0xe8: {  	v43 =	vmul.f32 v8, v43;
	v48 =	vadd.f32 v16, v47;
	[tilespmem:s7+$0xFFFFFF80] =	vst v61  }
0xe9: {  	v59 =	vmul.f32 v19, v29;
	v21 =	vld [tilespmem:$0x1FF50];
	v11 =	vmul.f32 v14, v11;
	v0 =	vadd.f32 v0, v18;
	[tilespmem:s7+$0xFFFFFFA0] =	vst v63  }
0xea: {  	v22 =	vld [tilespmem:$0x1FF60];
	v12 =	vadd.f32 v17, v57;
	v61 =	vmul.f32 v8, v38;
	v58 =	vmul.f32 v43, v28;
	[tilespmem:s7+$0xFFFFFF50] =	vst v48  }
0xeb: {  	v9 =	vmul.f32 v9, v33;
	v60 =	vmul.f32 v8, v37;
	[tilespmem:s7+$0xFFFFFF70] =	vst v0;
	v0 =	vadd.f32 v59, v35  }
0xec: {  	v13 =	vmul.f32 v11, v13;
	[tilespmem:s7+$0xFFFFFF60] =	vst v12;
	v25 =	vmul.f32 v61, v30;
	v63 =	vadd.f32 v58, v34  }
0xed: {  	v62 =	vmul.f32 v8, v42;
	v17 =	vld [tilespmem:$0x1FFE0];
	v38 =	vmul.f32 v8, v41;
	[tilespmem:s7+$0xFFFFFF90] =	vst v0;
	v0 =	vadd.f32 v24, v45  }
0xee: {  	v13 =	vmul.f32 v13, v11;
	v26 =	vmul.f32 v26, v21;
	v37 =	vadd.f32 v25, v36;
	[tilespmem:s7+$0x0] =	vst v63  }
0xef: {  	v19 =	vmul.f32 v60, v29;
	v48 =	vmul.f32 v27, v22;
	[tilespmem:s7+$0xFFFFFFC0] =	vst v0;
	v0 =	vadd.f32 v9, v18  }
0xf0: {  	v27 =	vmul.f32 v8, v40;
	v13 =	vsub.f32 $1.500000000e+00, v13;
	v57 =	vadd.f32 v26, v47;
	[tilespmem:s7+$0x20] =	vst v37  }
0xf1: {  	v12 =	vmul.f32 v38, v22;
	v9 =	vmul.f32 v62, v31;
	[tilespmem:s7+$0xFFFFFFF0] =	vst v0;
	v0 =	vadd.f32 v19, v35  }
0xf2: {  	v24 =	vmul.f32 v8, v46;
	v59 =	vadd.f32 v48, v17;
	v11 =	vmul.f32 v13, v11;
	[tilespmem:s7+$0xFFFFFFD0] =	vst v57  }
0xf3: {  	v8 =	vmul.f32 v8, v39;
	v40 =	vmul.f32 v27, v21;
	[tilespmem:s7+$0x10] =	vst v0;
	v0 =	vadd.f32 v9, v44  }
0xf4: {  	v43 =	vadd.f32 v12, v17;
	v26 =	vmul.f32 v24, v32;
	[tilespmem:s7+$0xFFFFFFE0] =	vst v59;
	v13 =	vmul.f32 v11, v51  }
0xf5: {  	v8 =	vmul.f32 v8, v33;
	v42 =	vmul.f32 v11, v52;
	[tilespmem:s7+$0x30] =	vst v0;
	v0 =	vadd.f32 v40, v47  }
0xf6: {  	[tilespmem:s7+$0x60] =	vst v43;
	v41 =	vadd.f32 v26, v45;
	v48 =	vmul.f32 v11, v54;
	v46 =	vmul.f32 v13, v28  }
0xf7: {  	v50 =	vmul.f32 v11, v50;
	[tilespmem:s7+$0x50] =	vst v0;
	v0 =	vadd.f32 v8, v18;
	v8 =	vmul.f32 v42, v29  }
0xf8: {  	v54 =	vmul.f32 v11, v56;
	[tilespmem:s7+$0x40] =	vst v41;
	v52 =	vmul.f32 v48, v30;
	v51 =	vadd.f32 v46, v34  }
0xf9: {  	v56 =	vmul.f32 v11, v55;
	[tilespmem:s7+$0x70] =	vst v0;
	v0 =	vadd.f32 v8, v35;
	v8 =	vmul.f32 v50, v31  }
0xfa: {  	v59 =	vmul.f32 v11, v53;
	v58 =	vmul.f32 v54, v32;
	v57 =	vadd.f32 v52, v36;
	[tilespmem:s7+$0x80] =	vst v51  }
0xfb: {  	v60 =	vmul.f32 v11, v49;
	[tilespmem:s7+$0x90] =	vst v0;
	v0 =	vadd.f32 v8, v44;
	v8 =	vmul.f32 v56, v21  }
0xfc: {  	p1 =	slt.u32 s8, $0x3C;
	v62 =	vmul.f32 v59, v22;
	v61 =	vadd.f32 v58, v45;
	[tilespmem:s7+$0xA0] =	vst v57  }
.Ltmp0:
0xfd: {  	[tilespmem:s7+$0xB0] =	vst v0;
	v0 =	vadd.f32 v8, v47;
	v8 =	vmul.f32 v60, v33;
	(pc) =	sbr.rel @p1 .LBB2_3-.Ltmp0, $4  }
0xfe: {  	v63 =	vadd.f32 v62, v17;
	[tilespmem:s7+$0xC0] =	vst v61  }
0xff: {  	[tilespmem:s7+$0xD0] =	vst v0;
	v0 =	vadd.f32 v8, v18  }
0x100: {  	[tilespmem:s7+$0xE0] =	vst v63  }
0x101: {  	s9 =	smov.u32 s8;
	[tilespmem:s7+$0xF0] =	vst v0;
	s7 =	sadd.s32 $0x200, s7  }
0x102: {  	s7 =	sshll.u32 s1, $0xF  }
0x103: {  	s7 =	sadd.s32 s10, s7  }
0x104: {  	s7 =	sshrl.u32 s7, $0x3  }
0x105: {  	s8 =	simm.s32 @!p0 $0x8;
	s7 =	sadd.s32 s2, s7  }
0x106: {  	[hbm4b:s7+s3] =	stream.linear.scatter [tilespmem:s18], [sflag:$0x5], $0x2000, $0x38;
	[tilespmem:$0x14F00] =	vst v63  }
0x107: {  	s16 =	sor.u32 $0x3, s5;
	s7 =	sor.u32 $0x1, s5;
	_ =	swait.ge @!p0 [sflag:s8], $0x2000  }
0x108: {  	s9 =	sshll.u32 s16, $0x9;
	s30 =	sshll.u32 s7, $0x7;
	[sflag:s8] =	ssyncset.done @!p0 $0x0  }
0x109: {  	s5 =	sshrl.u32 s9, $0x2;
	[sflag:s8] =	ssyncadd.s32 @!p0 $0xFFFFE000;
	s8 =	sand.u32 $0x3FFFFF80, s30  }
0x10a: {  	[tilespmem:s23], [sflag:$0x4] =	stream.indirect.gather [hbm4b:s4+s17], $0x80, s5, s17, $0xb8;
	[tilespmem:$0x14F00] =	vst v63  }
0x10b: {  	s11 =	sadd.s32 $0x3400, s8;
	_ =	swait.ge [sflag:s24], $0x2000  }
0x10c: {  	v0 =	vmov s11;
	[sflag:s24] =	ssyncset.done $0x0  }
0x10d: {  	s9 =	simm.s32 $0xFFFFFFFC;
	s8 =	simm.s32 $0x8900;
	[tilespmem:$0x1FEE0] =	vst v0;
	[sflag:s24] =	ssyncadd.s32 $0xFFFFE000  }
.LBB2_5:
0x10e: {  	v0 =	vld [tilespmem:$0x1FEE0];
	_ =	sdelay $0x5  }
0x10f: {  	s11 =	sadd.s32 $0x4, s9  }
0x110: {  	s30 =	sand.u32 $0x30, s11  }
0x111: {  	v37 =	vld.idx.msk [tilespmem:v0+s30+$0x0 ss:$0x1], $0xffff  }
0x112: {  	v12 =	vld [tilespmem:s8+$0xFFFFFF00]  }
0x113: {  	v15 =	vld [tilespmem:s8+$0xFFFFFF10]  }
0x114: {  	v18 =	vld [tilespmem:s8+$0xFFFFFF20];
	s30 =	sand.u32 $0xC, s11  }
0x115: {  	v21 =	vld [tilespmem:s8+$0xFFFFFF30];
	v0 =	vmov s30  }
0x116: {  	v27 =	vld [tilespmem:s8+$0xFFFFFF40];
	v0 =	vperm.xlane v37, v0  }
0x117: {  	v29 =	vld [tilespmem:s8+$0xFFFFFF50]  }
0x118: {  	v33 =	vld [tilespmem:s8+$0xFFFFFF60];
	v8 =	vshll.u32 v0, $0x7  }
0x119: {  	v36 =	vld [tilespmem:s8+$0xFFFFFF70];
	v0 =	vshrl.u32 v0, $0x1;
	v8 =	vand.u32 $0x7F80, v8  }
0x11a: {  	v39 =	vld [tilespmem:s8+$0xFFFFFF80];
	v0 =	vand.u32 $0x7FFFFF80, v0;
	v9 =	vor.u32 v23, v8  }
0x11b: {  	v43 =	vld [tilespmem:s8+$0xFFFFFF90];
	v10 =	vor.u32 v23, v0  }
0x11c: {  	v45 =	vld [tilespmem:s8+$0xFFFFFFA0];
	v11 =	vor.u32 v1, v8  }
0x11d: {  	v49 =	vld [tilespmem:s8+$0xFFFFFFB0];
	v13 =	vor.u32 v1, v0  }
0x11e: {  	v51 =	vld [tilespmem:s8+$0xFFFFFFC0];
	v14 =	vor.u32 v2, v8  }
0x11f: {  	v16 =	vor.u32 v2, v0;
	v9 =	vld.idx.msk [tilespmem:v9+s14+$0x0], $0xffff  }
0x120: {  	v17 =	vor.u32 v3, v8;
	v10 =	vld.idx.msk [tilespmem:v10+s15+$0x0], $0xffff  }
0x121: {  	v19 =	vor.u32 v3, v0;
	v11 =	vld.idx.msk [tilespmem:v11+s14+$0x0], $0xffff  }
0x122: {  	v20 =	vor.u32 v4, v8;
	v13 =	vld.idx.msk [tilespmem:v13+s15+$0x0], $0xffff  }
0x123: {  	s30 =	sadd.s32 $0x5, s9;
	v22 =	vor.u32 v4, v0;
	v14 =	vld.idx.msk [tilespmem:v14+s14+$0x0], $0xffff  }
0x124: {  	s30 =	sand.u32 $0xD, s30;
	v26 =	vor.u32 v5, v0;
	v16 =	vld.idx.msk [tilespmem:v16+s15+$0x0], $0xffff  }
0x125: {  	v31 =	vmov s30;
	v25 =	vor.u32 v5, v8;
	v17 =	vld.idx.msk [tilespmem:v17+s14+$0x0], $0xffff  }
0x126: {  	v53 =	vperm.xlane v37, v31;
	v28 =	vor.u32 v6, v8;
	v19 =	vld.idx.msk [tilespmem:v19+s15+$0x0], $0xffff  }
0x127: {  	v30 =	vor.u32 v6, v0;
	v20 =	vld.idx.msk [tilespmem:v20+s14+$0x0], $0xffff  }
0x128: {  	v54 =	vshll.u32 v53, $0x7;
	v8 =	vor.u32 v7, v8;
	v22 =	vld.idx.msk [tilespmem:v22+s15+$0x0], $0xffff  }
0x129: {  	v0 =	vor.u32 v7, v0;
	v31 =	vld.idx.msk [tilespmem:v26+s15+$0x0], $0xffff;
	v26 =	vand.u32 $0x7F80, v54  }
0x12a: {  	v32 =	vld.idx.msk [tilespmem:v25+s14+$0x0], $0xffff;
	v55 =	vor.u32 v23, v26  }
0x12b: {  	v34 =	vld.idx.msk [tilespmem:v28+s14+$0x0], $0xffff;
	v38 =	vor.u32 v1, v26  }
0x12c: {  	v35 =	vld.idx.msk [tilespmem:v30+s15+$0x0], $0xffff;
	v57 =	vor.u32 v2, v26  }
0x12d: {  	v8 =	vld.idx.msk [tilespmem:v8+s14+$0x0], $0xffff;
	v44 =	vor.u32 v3, v26  }
0x12e: {  	v0 =	vld.idx.msk [tilespmem:v0+s15+$0x0], $0xffff;
	v59 =	vor.u32 v4, v26  }
0x12f: {  	v41 =	vld.idx.msk [tilespmem:v55+s14+$0x0], $0xffff  }
0x130: {  	v50 =	vor.u32 v5, v26;
	v38 =	vld.idx.msk [tilespmem:v38+s14+$0x0], $0xffff  }
0x131: {  	v47 =	vld.idx.msk [tilespmem:v57+s14+$0x0], $0xffff  }
0x132: {  	v25 =	vshrl.u32 v53, $0x1;
	v61 =	vor.u32 v6, v26;
	v44 =	vld.idx.msk [tilespmem:v44+s14+$0x0], $0xffff  }
0x133: {  	v25 =	vand.u32 $0x7FFFFF80, v25;
	v53 =	vld.idx.msk [tilespmem:v59+s14+$0x0], $0xffff  }
0x134: {  	v56 =	vor.u32 v23, v25;
	v55 =	vld [tilespmem:s8+$0xFFFFFFD0]  }
0x135: {  	v40 =	vor.u32 v1, v25;
	v50 =	vld.idx.msk [tilespmem:v50+s14+$0x0], $0xffff  }
0x136: {  	v58 =	vor.u32 v2, v25;
	v57 =	vld [tilespmem:s8+$0xFFFFFFE0]  }
0x137: {  	v46 =	vor.u32 v3, v25;
	v59 =	vld.idx.msk [tilespmem:v61+s14+$0x0], $0xffff  }
0x138: {  	v60 =	vor.u32 v4, v25;
	v61 =	vld [tilespmem:s8+$0xFFFFFFF0]  }
0x139: {  	v52 =	vor.u32 v5, v25;
	v42 =	vld.idx.msk [tilespmem:v56+s15+$0x0], $0xffff  }
0x13a: {  	v30 =	vor.u32 v6, v25;
	v40 =	vld.idx.msk [tilespmem:v40+s15+$0x0], $0xffff  }
0x13b: {  	s30 =	sadd.s32 $0x6, s9;
	v48 =	vld.idx.msk [tilespmem:v58+s15+$0x0], $0xffff  }
0x13c: {  	s30 =	sand.u32 $0xE, s30;
	v26 =	vor.u32 v7, v26;
	v9 =	vadd.f32 v10, v9;
	v46 =	vld.idx.msk [tilespmem:v46+s15+$0x0], $0xffff  }
0x13d: {  	v11 =	vadd.f32 v13, v11;
	v16 =	vadd.f32 v16, v14;
	v54 =	vld.idx.msk [tilespmem:v60+s15+$0x0], $0xffff;
	v56 =	vmov s30  }
0x13e: {  	v0 =	vadd.f32 v0, v8;
	v52 =	vld.idx.msk [tilespmem:v52+s15+$0x0], $0xffff;
	v58 =	vor.u32 v7, v25;
	v56 =	vperm.xlane v37, v56  }
0x13f: {  	v10 =	vld.idx.msk [tilespmem:v30+s15+$0x0], $0xffff;
	v28 =	vadd.f32 v11, v15;
	v15 =	vadd.f32 v22, v20  }
0x140: {  	v25 =	vld [tilespmem:s8+$0x0];
	v20 =	vadd.f32 v31, v32;
	v62 =	vshll.u32 v56, $0x7;
	v63 =	vshrl.u32 v56, $0x1  }
0x141: {  	v22 =	vld [tilespmem:s8+$0x10];
	v31 =	vadd.f32 v35, v34;
	v60 =	vand.u32 $0x7F80, v62;
	v56 =	vand.u32 $0x7FFFFF80, v63  }
0x142: {  	v30 =	vor.u32 v23, v60;
	v62 =	vor.u32 v23, v56;
	v23 =	vadd.f32 v9, v12;
	v9 =	vld.idx.msk [tilespmem:v26+s14+$0x0], $0xffff  }
0x143: {  	v27 =	vadd.f32 v15, v27;
	v32 =	vadd.f32 v31, v33;
	v13 =	vld.idx.msk [tilespmem:v58+s15+$0x0], $0xffff  }
0x144: {  	v14 =	vor.u32 v1, v60;
	v26 =	vadd.f32 v16, v18;
	v16 =	vld [tilespmem:s8+$0x20];
	v33 =	vadd.f32 v42, v41  }
0x145: {  	v29 =	vadd.f32 v20, v29;
	v31 =	vadd.f32 v0, v36;
	v58 =	vor.u32 v1, v56;
	v41 =	vld [tilespmem:s8+$0x30]  }
0x146: {  	v35 =	vmul.f32 v27, v27;
	v18 =	vor.u32 v2, v60;
	v33 =	vadd.f32 v33, v39;
	v39 =	vld [tilespmem:s8+$0x40]  }
0x147: {  	v20 =	vor.u32 v3, v60;
	v34 =	vor.u32 v3, v56;
	v36 =	vor.u32 v4, v56;
	v11 =	vld.idx.msk [tilespmem:v30+s14+$0x0], $0xffff  }
0x148: {  	v38 =	vadd.f32 v40, v38;
	v40 =	vor.u32 v5, v56;
	v30 =	vadd.f32 v19, v17;
	v17 =	vld.idx.msk [tilespmem:v62+s15+$0x0], $0xffff  }
0x149: {  	v42 =	vmul.f32 v32, v32;
	v44 =	vadd.f32 v46, v44;
	v62 =	vor.u32 v2, v56;
	v12 =	vld.idx.msk [tilespmem:v14+s14+$0x0], $0xffff  }
0x14a: {  	v63 =	vmul.f32 v23, v23;
	v19 =	vmul.f32 v28, v28;
	v15 =	vld.idx.msk [tilespmem:v58+s15+$0x0], $0xffff;
	v30 =	vadd.f32 v30, v21  }
0x14b: {  	v10 =	vadd.f32 v10, v59;
	v24 =	vmul.f32 v26, v26;
	v58 =	vmul.f32 v29, v29;
	v14 =	vld.idx.msk [tilespmem:v18+s14+$0x0], $0xffff  }
0x14c: {  	v20 =	vld.idx.msk [tilespmem:v20+s14+$0x0], $0xffff;
	v9 =	vadd.f32 v13, v9;
	v0 =	vadd.f32 v19, v63;
	v21 =	vmul.f32 v30, v30  }
0x14d: {  	s30 =	sadd.s32 $0x7, s9;
	v40 =	vld.idx.msk [tilespmem:v40+s15+$0x0], $0xffff;
	v19 =	vor.u32 v4, v60;
	v63 =	vadd.f32 v48, v47;
	v47 =	vor.u32 v6, v56  }
0x14e: {  	v48 =	vmov s30;
	v18 =	vld.idx.msk [tilespmem:v62+s15+$0x0], $0xffff;
	v62 =	vmul.f32 v31, v31;
	v21 =	vadd.f32 v21, v24  }
0x14f: {  	v13 =	vld [tilespmem:s8+$0x70];
	v37 =	vperm.xlane v37, v48;
	v11 =	vadd.f32 v17, v11;
	v12 =	vadd.f32 v15, v12  }
0x150: {  	v48 =	vor.u32 v7, v60;
	v15 =	vld [tilespmem:s8+$0x90];
	v42 =	vadd.f32 v62, v42;
	v8 =	vadd.f32 v21, v0  }
0x151: {  	v24 =	vor.u32 v5, v60;
	v21 =	vld.idx.msk [tilespmem:v34+s15+$0x0], $0xffff;
	v34 =	vadd.f32 v38, v43;
	v43 =	vadd.f32 v58, v35  }
0x152: {  	v19 =	vld.idx.msk [tilespmem:v19+s14+$0x0], $0xffff;
	v58 =	vmul.f32 v33, v33;
	v35 =	vadd.f32 v63, v45;
	v38 =	vor.u32 v6, v60  }
0x153: {  	v63 =	vld.idx.msk [tilespmem:v36+s15+$0x0], $0xffff;
	v36 =	vadd.f32 v44, v49;
	v0 =	vlaneseq.u32;
	v44 =	vadd.f32 v54, v53  }
0x154: {  	v60 =	vadd.f32 v52, v50;
	v52 =	vor.u32 v7, v56;
	v56 =	vshll.u32 v37, $0x7;
	v54 =	vld.idx.msk [tilespmem:v47+s15+$0x0], $0xffff  }
0x155: {  	v37 =	vshrl.u32 v37, $0x1;
	v59 =	vld.idx.msk [tilespmem:v48+s14+$0x0], $0xffff;
	v48 =	vadd.f32 v10, v57;
	v47 =	vadd.f32 v9, v61  }
0x156: {  	v49 =	vld [tilespmem:s8+$0x50];
	v53 =	vand.u32 $0x7F80, v56;
	v46 =	vmul.f32 v34, v34;
	v62 =	vmul.f32 v35, v35  }
0x157: {  	[tilespmem:$0x1FED0] =	vst v23;
	v50 =	vld [tilespmem:s8+$0x60];
	v23 =	vmul.f32 v36, v36;
	v44 =	vadd.f32 v44, v51;
	v42 =	vadd.f32 v42, v43  }
0x158: {  	v45 =	vadd.f32 v60, v55;
	v60 =	vor.u32 v0, v53;
	v55 =	vand.u32 $0x7FFFFF80, v37;
	v24 =	vld.idx.msk [tilespmem:v24+s14+$0x0], $0xffff  }
0x159: {  	v10 =	vor.u32 v1, v53;
	v37 =	vor.u32 v0, v55;
	v0 =	vadd.f32 v42, v8;
	v8 =	vld [tilespmem:s8+$0xA0]  }
0x15a: {  	v61 =	vor.u32 v2, v53;
	v14 =	vadd.f32 v18, v14;
	v17 =	vor.u32 v4, v53;
	v51 =	vld.idx.msk [tilespmem:v38+s14+$0x0], $0xffff  }
0x15b: {  	v57 =	vor.u32 v1, v55;
	v43 =	vmul.f32 v44, v44;
	v56 =	vmul.f32 v45, v45;
	v9 =	vld.idx.msk [tilespmem:v52+s15+$0x0], $0xffff  }
0x15c: {  	v46 =	vadd.f32 v46, v58;
	v23 =	vadd.f32 v23, v62;
	v42 =	vmul.f32 v48, v48;
	v52 =	vld [tilespmem:s8+$0x80]  }
0x15d: {  	v58 =	vmul.f32 v47, v47;
	v62 =	vor.u32 v2, v55;
	v38 =	vadd.f32 v14, v16;
	v60 =	vld.idx.msk [tilespmem:v60+s14+$0x0], $0xffff  }
0x15e: {  	v14 =	vor.u32 v3, v55;
	v23 =	vadd.f32 v23, v46;
	v46 =	vadd.f32 v56, v43;
	v10 =	vld.idx.msk [tilespmem:v10+s14+$0x0], $0xffff  }
0x15f: {  	v42 =	vadd.f32 v58, v42;
	(xrf2) =	vadd.scan.msk.f32 $0xffff, v0;
	v0 =	vadd.f32 v21, v20;
	v21 =	vld.idx.msk [tilespmem:v61+s14+$0x0], $0xffff  }
0x160: {  	v19 =	vadd.f32 v63, v19;
	v43 =	vadd.f32 v11, v25;
	v58 =	vor.u32 v4, v55;
	v17 =	vld.idx.msk [tilespmem:v17+s14+$0x0], $0xffff  }
0x161: {  	v56 =	vld.idx.msk [tilespmem:v37+s15+$0x0], $0xffff;
	v37 =	vadd.f32 v12, v22;
	v12 =	vor.u32 v3, v53;
	v16 =	vadd.f32 v42, v46  }
0x162: {  	v11 =	vld.idx.msk [tilespmem:v57+s15+$0x0], $0xffff;
	v18 =	vmul.f32 v43, v43;
	v42 =	vadd.f32 v0, v41;
	v24 =	vadd.f32 v40, v24  }
0x163: {  	v22 =	vmul.f32 v38, v38;
	v57 =	vld [tilespmem:s8+$0xB0];
	v46 =	vadd.f32 v19, v39;
	v54 =	vadd.f32 v54, v51  }
0x164: {  	v19 =	vor.u32 v5, v53;
	v0 =	vld.idx.msk [tilespmem:v62+s15+$0x0], $0xffff;
	v20 =	vmul.f32 v37, v37;
	v9 =	vadd.f32 v9, v59  }
0x165: {  	v61 =	vmul.f32 v42, v42;
	v40 =	vadd.f32 v24, v49;
	v14 =	vld.idx.msk [tilespmem:v14+s15+$0x0], $0xffff;
	v41 =	vadd.f32 v54, v50  }
0x166: {  	v59 =	vor.u32 v6, v55;
	v58 =	vld.idx.msk [tilespmem:v58+s15+$0x0], $0xffff;
	v39 =	vadd.f32 v9, v13;
	v13 =	vor.u32 v5, v55  }
0x167: {  	v9 =	vld [tilespmem:s8+$0xC0];
	v50 =	vor.u32 v6, v53;
	v18 =	vadd.f32 v20, v18;
	v62 =	vmul.f32 v41, v41  }
0x168: {  	v20 =	vadd.f32 v61, v22;
	v22 =	vld [tilespmem:s8+$0xD0];
	v53 =	vor.u32 v7, v53;
	v63 =	vmul.f32 v39, v39  }
0x169: {  	v24 =	vmul.f32 v46, v46;
	v16 =	vadd.f32 v16, v23;
	v49 =	vmul.f32 v40, v40;
	v12 =	vld.idx.msk [tilespmem:v12+s14+$0x0], $0xffff  }
0x16a: {  	v19 =	vld.idx.msk [tilespmem:v19+s14+$0x0], $0xffff;
	v25 =	vadd.f32 v56, v60;
	v61 =	vadd.f32 v63, v62;
	v63 =	vor.u32 v7, v55  }
0x16b: {  	v10 =	vadd.f32 v11, v10;
	v24 =	vadd.f32 v49, v24;
	v55 =	vld.idx.msk [tilespmem:v59+s15+$0x0], $0xffff;
	v62, _, _ =	vpop (xrf2)  }
0x16c: {  	(xrf2) =	vadd.scan.msk.f32 $0xffff, v16;
	v18 =	vadd.f32 v20, v18;
	v0 =	vadd.f32 v0, v21;
	v13 =	vld.idx.msk [tilespmem:v13+s15+$0x0], $0xffff;
	v23 =	vmul.f32 $7.812500000e-03, v62  }
0x16d: {  	v51 =	vadd.f32 v25, v52;
	v59 =	vld.idx.msk [tilespmem:v53+s14+$0x0], $0xffff;
	v20 =	vadd.f32 v61, v24  }
0x16e: {  	v52 =	vadd.f32 v10, v15;
	v24 =	vld.idx.msk [tilespmem:v50+s14+$0x0], $0xffff;
	v23 =	vadd.f32 $9.999999960e-13, v23  }
0x16f: {  	v61 =	vadd.f32 v14, v12;
	v16 =	vadd.f32 v20, v18;
	v20 =	vld.idx.msk [tilespmem:v63+s15+$0x0], $0xffff  }
0x170: {  	v54 =	vadd.f32 v0, v8;
	v12 =	vld [tilespmem:s8+$0xE0];
	v63 =	vadd.f32 v58, v17;
	v60 =	vbroadcast v23, $0xF  }
0x171: {  	v0 =	vld [tilespmem:s8+$0xF0];
	v25 =	vmul.f32 v51, v51;
	v50 =	vadd.f32 v61, v57;
	v13 =	vadd.f32 v13, v19  }
0x172: {  	v61 =	vmul.f32 v52, v52;
	v56 =	vadd.f32 v63, v9;
	v62 =	vshrl.u32 v60, $0x1  }
0x173: {  	v15 =	vmul.f32 $5.000000000e-01, v60;
	v60 =	vadd.f32 v55, v24;
	v55 =	vadd.f32 v13, v22  }
0x174: {  	v8 =	vsub.s32 $0x5F3759DF, v62;
	v11 =	vadd.f32 v20, v59;
	v20 =	vmul.f32 v54, v54  }
0x175: {  	v62 =	vmul.f32 v50, v50;
	v14 =	vmul.f32 v8, v15;
	v53 =	vadd.f32 v60, v12  }
0x176: {  	v24, _, _ =	vpop (xrf2);
	v63 =	vmul.f32 v55, v55;
	v49 =	vadd.f32 v11, v0;
	v0 =	vmul.f32 v56, v56  }
0x177: {  	v25 =	vadd.f32 v61, v25;
	v11 =	vmul.f32 $7.812500000e-03, v24;
	v12 =	vmul.f32 v53, v53  }
0x178: {  	(xrf2) =	vadd.scan.msk.f32 $0xffff, v16;
	v9 =	vadd.f32 v62, v20;
	v14 =	vmul.f32 v8, v14;
	v57 =	vmul.f32 v49, v49  }
0x179: {  	v0 =	vadd.f32 v63, v0;
	v11 =	vadd.f32 $9.999999960e-13, v11  }
0x17a: {  	v59 =	vsub.f32 $1.500000000e+00, v14;
	v58 =	vadd.f32 v57, v12  }
0x17b: {  	v60 =	vbroadcast v11, $0xF  }
0x17c: {  	v9 =	vadd.f32 v9, v25;
	v8 =	vmul.f32 v8, v59;
	v0 =	vadd.f32 v58, v0  }
0x17d: {  	v11 =	vshrl.u32 v60, $0x1  }
0x17e: {  	v10 =	vmul.f32 $5.000000000e-01, v60;
	v61 =	vmul.f32 v8, v15;
	v0 =	vadd.f32 v0, v9  }
0x17f: {  	v62 =	vsub.s32 $0x5F3759DF, v11  }
0x180: {  	v16 =	vmul.f32 v62, v10;
	(xrf2) =	vadd.scan.msk.f32 $0xffff, v0;
	v0 =	vmul.f32 v61, v8;
	_ =	sdelay $0x1  }
0x181: {  	v63, _, _ =	vpop (xrf2);
	v12 =	vmul.f32 v62, v16;
	v0 =	vsub.f32 $1.500000000e+00, v0  }
0x182: {  	v11 =	vmul.f32 $7.812500000e-03, v63  }
0x183: {  	v17 =	vsub.f32 $1.500000000e+00, v12;
	v0 =	vmul.f32 v0, v8  }
0x184: {  	v8 =	vadd.f32 $9.999999960e-13, v11  }
0x185: {  	v9 =	vmul.f32 v62, v17;
	v18 =	vmul.f32 v0, v15  }
0x186: {  	v8 =	vbroadcast v8, $0xF  }
0x187: {  	v25 =	vmul.f32 v9, v10;
	v19 =	vmul.f32 v18, v0  }
0x188: {  	v60 =	vld [tilespmem:$0x1FED0];
	v24 =	vshrl.u32 v8, $0x1;
	v8 =	vmul.f32 $5.000000000e-01, v8  }
0x189: {  	v13 =	vmul.f32 v25, v9;
	v12 =	vsub.s32 $0x5F3759DF, v24;
	v11 =	vsub.f32 $1.500000000e+00, v19  }
0x18a: {  	v58 =	vmul.f32 v12, v8  }
0x18b: {  	v57, _, _ =	vpop (xrf2);
	v13 =	vsub.f32 $1.500000000e+00, v13;
	v0 =	vmul.f32 v11, v0  }
0x18c: {  	v14 =	vmul.f32 $7.812500000e-03, v57;
	v59 =	vmul.f32 v12, v58  }
0x18d: {  	v9 =	vmul.f32 v13, v9;
	v15 =	vmul.f32 v0, v60  }
0x18e: {  	v14 =	vadd.f32 $9.999999960e-13, v14;
	v61 =	vmul.f32 v0, v28;
	v63 =	vmul.f32 v0, v26  }
0x18f: {  	v11 =	vsub.f32 $1.500000000e+00, v59;
	v10 =	vmul.f32 v9, v10;
	v59 =	vmul.f32 v0, v30  }
0x190: {  	v28 =	vld [tilespmem:$0x1FF00];
	v20 =	vmul.f32 v0, v27;
	v21 =	vmul.f32 v0, v29  }
0x191: {  	v27 =	vld [tilespmem:$0x1FF10];
	v14 =	vbroadcast v14, $0xF;
	v10 =	vmul.f32 v10, v9  }
0x192: {  	v22 =	vmul.f32 v0, v32;
	v11 =	vmul.f32 v12, v11  }
0x193: {  	v30 =	vld [tilespmem:$0x1FF20];
	v62 =	vshrl.u32 v14, $0x1;
	v13 =	vmul.f32 $5.000000000e-01, v14;
	v10 =	vsub.f32 $1.500000000e+00, v10  }
0x194: {  	v32 =	vld [tilespmem:$0x1FF40];
	v0 =	vmul.f32 v0, v31;
	v12 =	vsub.s32 $0x5F3759DF, v62;
	v57 =	vmul.f32 v11, v8  }
0x195: {  	v29 =	vld [tilespmem:$0x1FF30];
	v58 =	vmul.f32 v12, v13;
	v9 =	vmul.f32 v10, v9  }
0x196: {  	v31 =	vld [tilespmem:$0x1FF70];
	v60 =	vmul.f32 v15, v28;
	v61 =	vmul.f32 v61, v27  }
0x197: {  	v17 =	vmul.f32 v57, v11;
	v57 =	vmul.f32 v9, v33;
	v33 =	vld [tilespmem:$0x1FF80]  }
0x198: {  	v14 =	vmul.f32 v63, v30;
	v19 =	vmul.f32 v9, v34;
	v34 =	vld [tilespmem:$0x1FF90]  }
0x199: {  	v63 =	vmul.f32 v20, v32;
	v20 =	vmul.f32 v9, v35;
	v35 =	vld [tilespmem:$0x1FFA0]  }
0x19a: {  	v18 =	vmul.f32 v12, v58;
	v23 =	vmul.f32 v9, v36;
	v36 =	vld [tilespmem:$0x1FFB0]  }
0x19b: {  	v62 =	vmul.f32 v59, v29;
	v17 =	vsub.f32 $1.500000000e+00, v17;
	v24 =	vmul.f32 v9, v44;
	v44 =	vld [tilespmem:$0x1FFC0]  }
0x19c: {  	v0 =	vmul.f32 v0, v31;
	v25 =	vmul.f32 v9, v45;
	v18 =	vsub.f32 $1.500000000e+00, v18  }
0x19d: {  	v26 =	vmul.f32 v9, v48;
	v10 =	vmul.f32 v17, v11  }
0x19e: {  	v9 =	vmul.f32 v9, v47;
	v11 =	vmul.f32 v12, v18;
	v18 =	vld [tilespmem:$0x1FFF0];
	v12 =	vadd.f32 v60, v33  }
0x19f: {  	v8 =	vmul.f32 v10, v8;
	v15 =	vadd.f32 v61, v34;
	v58 =	vadd.f32 v14, v35;
	v61 =	vld [tilespmem:$0x1FF50]  }
0x1a0: {  	v59 =	vmul.f32 v11, v13;
	v60 =	vadd.f32 v62, v36;
	v62 =	vadd.f32 v63, v44;
	v63 =	vld [tilespmem:$0x1FF60];
	[tilespmem:s8+$0xFFFFFF00] =	vst v12  }
0x1a1: {  	v57 =	vmul.f32 v57, v28;
	v8 =	vmul.f32 v8, v10;
	[tilespmem:s8+$0xFFFFFF10] =	vst v15  }
0x1a2: {  	v45 =	vld [tilespmem:$0x1FFD0];
	v9 =	vmul.f32 v9, v31;
	[tilespmem:s8+$0xFFFFFF20] =	vst v58;
	v14 =	vmul.f32 v59, v11  }
0x1a3: {  	[tilespmem:s8+$0xFFFFFF30] =	vst v60;
	v59 =	vmul.f32 v20, v30;
	v60 =	vadd.f32 v57, v33;
	v8 =	vsub.f32 $1.500000000e+00, v8  }
0x1a4: {  	v48 =	vld [tilespmem:$0x1FFE0];
	[tilespmem:s8+$0xFFFFFF40] =	vst v62;
	v58 =	vmul.f32 v19, v27;
	v0 =	vadd.f32 v0, v18;
	v14 =	vsub.f32 $1.500000000e+00, v14  }
0x1a5: {  	v62 =	vadd.f32 v59, v35;
	[tilespmem:s8+$0xFFFFFF80] =	vst v60;
	v16 =	vmul.f32 v21, v61;
	v17 =	vmul.f32 v22, v63  }
0x1a6: {  	v21 =	vld [tilespmem:$0x1FF50];
	v8 =	vmul.f32 v8, v10;
	[tilespmem:s8+$0xFFFFFF70] =	vst v0;
	v0 =	vadd.f32 v58, v34;
	v63 =	vmul.f32 v24, v32  }
0x1a7: {  	v22 =	vld [tilespmem:$0x1FF60];
	v61 =	vmul.f32 v23, v29;
	v11 =	vmul.f32 v14, v11;
	[tilespmem:s8+$0xFFFFFFA0] =	vst v62;
	v47 =	vadd.f32 v16, v45  }
0x1a8: {  	[tilespmem:s8+$0xFFFFFF90] =	vst v0;
	v0 =	vadd.f32 v63, v44;
	v60 =	vmul.f32 v8, v37;
	v62 =	vmul.f32 v8, v42  }
0x1a9: {  	v12 =	vadd.f32 v17, v48;
	v17 =	vld [tilespmem:$0x1FFE0];
	v37 =	vmul.f32 v8, v40;
	v40 =	vmul.f32 v8, v41;
	[tilespmem:s8+$0xFFFFFF50] =	vst v47  }
0x1aa: {  	v13 =	vmul.f32 v11, v13;
	[tilespmem:s8+$0xFFFFFFC0] =	vst v0;
	v0 =	vadd.f32 v9, v18;
	v19 =	vmul.f32 v60, v27  }
0x1ab: {  	v24 =	vadd.f32 v61, v36;
	[tilespmem:s8+$0xFFFFFF60] =	vst v12;
	v47 =	vmul.f32 v8, v43;
	v25 =	vmul.f32 v25, v21  }
0x1ac: {  	v48 =	vmul.f32 v26, v22;
	v13 =	vmul.f32 v13, v11;
	[tilespmem:s8+$0xFFFFFFF0] =	vst v0;
	v0 =	vadd.f32 v19, v34  }
0x1ad: {  	[tilespmem:s8+$0xFFFFFFB0] =	vst v24;
	v24 =	vmul.f32 v8, v46;
	v12 =	vmul.f32 v40, v22;
	v57 =	vadd.f32 v25, v45  }
0x1ae: {  	v58 =	vmul.f32 v47, v28;
	v59 =	vadd.f32 v48, v17;
	v13 =	vsub.f32 $1.500000000e+00, v13;
	[tilespmem:s8+$0x10] =	vst v0  }
0x1af: {  	v61 =	vmul.f32 v8, v38;
	v9 =	vmul.f32 v62, v29;
	v46 =	vadd.f32 v12, v17;
	[tilespmem:s8+$0xFFFFFFD0] =	vst v57  }
0x1b0: {  	v26 =	vmul.f32 v24, v32;
	v63 =	vadd.f32 v58, v33;
	[tilespmem:s8+$0xFFFFFFE0] =	vst v59;
	v11 =	vmul.f32 v13, v11  }
0x1b1: {  	v8 =	vmul.f32 v8, v39;
	v41 =	vmul.f32 v37, v21;
	v0 =	vadd.f32 v9, v36;
	[tilespmem:s8+$0x60] =	vst v46  }
0x1b2: {  	v25 =	vmul.f32 v61, v30;
	v42 =	vadd.f32 v26, v44;
	[tilespmem:s8+$0x0] =	vst v63;
	v13 =	vmul.f32 v11, v51  }
0x1b3: {  	v8 =	vmul.f32 v8, v31;
	[tilespmem:s8+$0x30] =	vst v0;
	v0 =	vadd.f32 v41, v45;
	v43 =	vmul.f32 v11, v52  }
0x1b4: {  	v38 =	vadd.f32 v25, v35;
	[tilespmem:s8+$0x40] =	vst v42;
	v48 =	vmul.f32 v11, v54;
	v47 =	vmul.f32 v13, v28  }
0x1b5: {  	v50 =	vmul.f32 v11, v50;
	[tilespmem:s8+$0x50] =	vst v0;
	v0 =	vadd.f32 v8, v18;
	v8 =	vmul.f32 v43, v27  }
0x1b6: {  	[tilespmem:s8+$0x20] =	vst v38;
	v54 =	vmul.f32 v11, v56;
	v52 =	vmul.f32 v48, v30;
	v51 =	vadd.f32 v47, v33  }
0x1b7: {  	v56 =	vmul.f32 v11, v55;
	[tilespmem:s8+$0x70] =	vst v0;
	v0 =	vadd.f32 v8, v34;
	v8 =	vmul.f32 v50, v29  }
0x1b8: {  	v59 =	vmul.f32 v11, v53;
	v58 =	vmul.f32 v54, v32;
	v57 =	vadd.f32 v52, v35;
	[tilespmem:s8+$0x80] =	vst v51  }
0x1b9: {  	v60 =	vmul.f32 v11, v49;
	[tilespmem:s8+$0x90] =	vst v0;
	v0 =	vadd.f32 v8, v36;
	v8 =	vmul.f32 v56, v21  }
0x1ba: {  	p0 =	slt.u32 s11, $0x3C;
	v62 =	vmul.f32 v59, v22;
	v61 =	vadd.f32 v58, v44;
	[tilespmem:s8+$0xA0] =	vst v57  }
.Ltmp1:
0x1bb: {  	[tilespmem:s8+$0xB0] =	vst v0;
	v0 =	vadd.f32 v8, v45;
	v8 =	vmul.f32 v60, v31;
	(pc) =	sbr.rel @p0 .LBB2_5-.Ltmp1, $4  }
0x1bc: {  	v63 =	vadd.f32 v62, v17;
	[tilespmem:s8+$0xC0] =	vst v61  }
0x1bd: {  	[tilespmem:s8+$0xD0] =	vst v0;
	v0 =	vadd.f32 v8, v18  }
0x1be: {  	[tilespmem:s8+$0xE0] =	vst v63  }
0x1bf: {  	s9 =	smov.u32 s11;
	v23 =	vlaneseq.u32;
	[tilespmem:s8+$0xF0] =	vst v0;
	s8 =	sadd.s32 $0x200, s8  }
0x1c0: {  	s7 =	sshll.u32 s7, $0xD  }
0x1c1: {  	s7 =	sadd.s32 s10, s7  }
0x1c2: {  	s7 =	sshrl.u32 s7, $0x3  }
0x1c3: {  	s7 =	sadd.s32 s2, s7  }
0x1c4: {  	[hbm4b:s7+s3] =	stream.linear.scatter [tilespmem:s20], [sflag:$0x6], $0x2000, $0x38;
	[tilespmem:$0x14F00] =	vst v63  }
0x1c5: {  	p0 =	seq.s32 s1, $0x18;
	_ =	swait.ge [sflag:s25], $0x2000  }
0x1c6: {  	s6 =	sshrl.u32 @!p0 s6, $0x2;
	s8 =	simm.s32 @!p0 $0x40;
	[sflag:s25] =	ssyncset.done $0x0  }
0x1c7: {  	s9 =	simm.s32 @!p0 $0x6800;
	s7 =	sadd.s32 @!p0 $0x200, s6;
	[sflag:s25] =	ssyncadd.s32 $0xFFFFE000  }
0x1c8: {  	[tilespmem:s9], [sflag:$0x1] =	stream.indirect.gather @!p0 [hbm4b:s4+s8], $0x80, s7, s8, $0xb8;
	[tilespmem:$0x14F00] =	vst v63  }
0x1c9: {  	s30 =	sadd.s32 $0x3400, s19;
	_ =	swait.ge [sflag:s26], $0x2000  }
0x1ca: {  	v0 =	vmov s30;
	[sflag:s26] =	ssyncset.done $0x0  }
0x1cb: {  	s9 =	simm.s32 $0xFFFFFFFC;
	s7 =	simm.s32 $0xA900;
	[tilespmem:$0x1FEC0] =	vst v0;
	[sflag:s26] =	ssyncadd.s32 $0xFFFFE000  }
.LBB2_7:
0x1cc: {  	v0 =	vld [tilespmem:$0x1FEC0];
	_ =	sdelay $0x5  }
0x1cd: {  	s8 =	sadd.s32 $0x4, s9  }
0x1ce: {  	s11 =	sand.u32 $0x30, s8  }
0x1cf: {  	v37 =	vld.idx.msk [tilespmem:v0+s11+$0x0 ss:$0x1], $0xffff  }
0x1d0: {  	v12 =	vld [tilespmem:s7+$0xFFFFFF00]  }
0x1d1: {  	v15 =	vld [tilespmem:s7+$0xFFFFFF10]  }
0x1d2: {  	v18 =	vld [tilespmem:s7+$0xFFFFFF20];
	s19 =	sand.u32 $0xC, s8  }
0x1d3: {  	v21 =	vld [tilespmem:s7+$0xFFFFFF30];
	v0 =	vmov s19  }
0x1d4: {  	v27 =	vld [tilespmem:s7+$0xFFFFFF40];
	v0 =	vperm.xlane v37, v0  }
0x1d5: {  	v29 =	vld [tilespmem:s7+$0xFFFFFF50]  }
0x1d6: {  	v32 =	vld [tilespmem:s7+$0xFFFFFF60];
	v8 =	vshll.u32 v0, $0x7  }
0x1d7: {  	v35 =	vld [tilespmem:s7+$0xFFFFFF70];
	v0 =	vshrl.u32 v0, $0x1;
	v8 =	vand.u32 $0x7F80, v8  }
0x1d8: {  	v38 =	vld [tilespmem:s7+$0xFFFFFF80];
	v0 =	vand.u32 $0x7FFFFF80, v0;
	v9 =	vor.u32 v23, v8  }
0x1d9: {  	v42 =	vld [tilespmem:s7+$0xFFFFFF90];
	v10 =	vor.u32 v23, v0  }
0x1da: {  	v44 =	vld [tilespmem:s7+$0xFFFFFFA0];
	v11 =	vor.u32 v1, v8  }
0x1db: {  	v48 =	vld [tilespmem:s7+$0xFFFFFFB0];
	v13 =	vor.u32 v1, v0  }
0x1dc: {  	v50 =	vld [tilespmem:s7+$0xFFFFFFC0];
	v14 =	vor.u32 v2, v8  }
0x1dd: {  	v16 =	vor.u32 v2, v0;
	v9 =	vld.idx.msk [tilespmem:v9+s14+$0x0], $0xffff  }
0x1de: {  	v17 =	vor.u32 v3, v8;
	v10 =	vld.idx.msk [tilespmem:v10+s15+$0x0], $0xffff  }
0x1df: {  	v19 =	vor.u32 v3, v0;
	v11 =	vld.idx.msk [tilespmem:v11+s14+$0x0], $0xffff  }
0x1e0: {  	v20 =	vor.u32 v4, v8;
	v13 =	vld.idx.msk [tilespmem:v13+s15+$0x0], $0xffff  }
0x1e1: {  	v25 =	vor.u32 v5, v0;
	v14 =	vld.idx.msk [tilespmem:v14+s14+$0x0], $0xffff  }
0x1e2: {  	s30 =	sadd.s32 $0x5, s9;
	v23 =	vor.u32 v5, v8;
	v26 =	vor.u32 v6, v8;
	v8 =	vor.u32 v7, v8;
	v16 =	vld.idx.msk [tilespmem:v16+s15+$0x0], $0xffff  }
0x1e3: {  	s11 =	sand.u32 $0xD, s30;
	v22 =	vor.u32 v4, v0;
	v28 =	vor.u32 v6, v0;
	v0 =	vor.u32 v7, v0;
	v17 =	vld.idx.msk [tilespmem:v17+s14+$0x0], $0xffff  }
0x1e4: {  	v30 =	vmov s11;
	v19 =	vld.idx.msk [tilespmem:v19+s15+$0x0], $0xffff  }
0x1e5: {  	v30 =	vperm.xlane v37, v30;
	v20 =	vld.idx.msk [tilespmem:v20+s14+$0x0], $0xffff  }
0x1e6: {  	v31 =	vld.idx.msk [tilespmem:v25+s15+$0x0], $0xffff  }
0x1e7: {  	v52 =	vshll.u32 v30, $0x7;
	v8 =	vld.idx.msk [tilespmem:v8+s14+$0x0], $0xffff  }
0x1e8: {  	v24 =	vlaneseq.u32;
	v53 =	vshrl.u32 v30, $0x1;
	v25 =	vand.u32 $0x7F80, v52;
	v0 =	vld.idx.msk [tilespmem:v0+s15+$0x0], $0xffff  }
0x1e9: {  	v33 =	vld.idx.msk [tilespmem:v26+s14+$0x0], $0xffff;
	v26 =	vand.u32 $0x7FFFFF80, v53;
	v54 =	vor.u32 v24, v25  }
0x1ea: {  	v22 =	vld.idx.msk [tilespmem:v22+s15+$0x0], $0xffff;
	v55 =	vor.u32 v24, v26  }
0x1eb: {  	v23 =	vld.idx.msk [tilespmem:v23+s14+$0x0], $0xffff;
	v36 =	vor.u32 v1, v25  }
0x1ec: {  	v34 =	vld.idx.msk [tilespmem:v28+s15+$0x0], $0xffff;
	v39 =	vor.u32 v1, v26  }
0x1ed: {  	v56 =	vor.u32 v2, v25;
	v0 =	vadd.f32 v0, v8;
	v8 =	vld [tilespmem:s7+$0x20]  }
0x1ee: {  	v57 =	vor.u32 v2, v26;
	v40 =	vld.idx.msk [tilespmem:v54+s14+$0x0], $0xffff  }
0x1ef: {  	v43 =	vor.u32 v3, v25;
	v41 =	vld.idx.msk [tilespmem:v55+s15+$0x0], $0xffff  }
0x1f0: {  	v45 =	vor.u32 v3, v26;
	v36 =	vld.idx.msk [tilespmem:v36+s14+$0x0], $0xffff  }
0x1f1: {  	v58 =	vor.u32 v4, v25;
	v39 =	vld.idx.msk [tilespmem:v39+s15+$0x0], $0xffff  }
0x1f2: {  	v59 =	vor.u32 v4, v26;
	v46 =	vld.idx.msk [tilespmem:v56+s14+$0x0], $0xffff  }
0x1f3: {  	v47 =	vld.idx.msk [tilespmem:v57+s15+$0x0], $0xffff  }
0x1f4: {  	v49 =	vor.u32 v5, v25;
	v43 =	vld.idx.msk [tilespmem:v43+s14+$0x0], $0xffff  }
0x1f5: {  	v51 =	vor.u32 v5, v26;
	v45 =	vld.idx.msk [tilespmem:v45+s15+$0x0], $0xffff  }
0x1f6: {  	v52 =	vld.idx.msk [tilespmem:v58+s14+$0x0], $0xffff  }
0x1f7: {  	v60 =	vor.u32 v6, v25;
	v53 =	vld.idx.msk [tilespmem:v59+s15+$0x0], $0xffff  }
0x1f8: {  	s19 =	sadd.s32 $0x6, s9;
	v61 =	vor.u32 v6, v26;
	v54 =	vld [tilespmem:s7+$0xFFFFFFD0]  }
0x1f9: {  	s11 =	sand.u32 $0xE, s19;
	v49 =	vld.idx.msk [tilespmem:v49+s14+$0x0], $0xffff  }
0x1fa: {  	v26 =	vor.u32 v7, v26;
	v55 =	vmov s11;
	v51 =	vld.idx.msk [tilespmem:v51+s15+$0x0], $0xffff  }
0x1fb: {  	v9 =	vadd.f32 v10, v9;
	v57 =	vld [tilespmem:s7+$0xFFFFFFE0];
	v55 =	vperm.xlane v37, v55  }
0x1fc: {  	v11 =	vadd.f32 v13, v11;
	v58 =	vld.idx.msk [tilespmem:v60+s14+$0x0], $0xffff  }
0x1fd: {  	v56 =	vor.u32 v7, v25;
	v10 =	vld.idx.msk [tilespmem:v61+s15+$0x0], $0xffff;
	v25 =	vadd.f32 v9, v12;
	v62 =	vshll.u32 v55, $0x7  }
0x1fe: {  	v60 =	vld [tilespmem:s7+$0xFFFFFFF0];
	v12 =	vadd.f32 v16, v14;
	v63 =	vshrl.u32 v55, $0x1;
	v59 =	vand.u32 $0x7F80, v62  }
0x1ff: {  	v13 =	vld.idx.msk [tilespmem:v26+s15+$0x0], $0xffff;
	v28 =	vadd.f32 v11, v15;
	v55 =	vand.u32 $0x7FFFFF80, v63;
	v30 =	vor.u32 v24, v59  }
0x200: {  	v16 =	vld [tilespmem:s7+$0x0];
	v15 =	vadd.f32 v22, v20;
	v20 =	vadd.f32 v31, v23;
	v61 =	vor.u32 v24, v55  }
0x201: {  	v22 =	vld [tilespmem:s7+$0x10];
	v31 =	vadd.f32 v34, v33;
	v26 =	vadd.f32 v12, v18;
	v14 =	vor.u32 v1, v59  }
0x202: {  	v27 =	vadd.f32 v15, v27;
	v29 =	vadd.f32 v20, v29;
	v9 =	vld.idx.msk [tilespmem:v56+s14+$0x0], $0xffff;
	v18 =	vor.u32 v2, v59  }
0x203: {  	v32 =	vadd.f32 v31, v32;
	v23 =	vor.u32 v2, v55;
	v49 =	vadd.f32 v51, v49;
	v51 =	vld [tilespmem:s7+$0x60]  }
0x204: {  	v31 =	vadd.f32 v0, v35;
	v62 =	vmul.f32 v25, v25;
	v56 =	vor.u32 v1, v55;
	v11 =	vld.idx.msk [tilespmem:v30+s14+$0x0], $0xffff  }
0x205: {  	v20 =	vor.u32 v3, v59;
	v35 =	vadd.f32 v47, v46;
	v30 =	vadd.f32 v19, v17;
	v17 =	vld.idx.msk [tilespmem:v61+s15+$0x0], $0xffff  }
0x206: {  	v34 =	vor.u32 v3, v55;
	v63 =	vmul.f32 v29, v29;
	v39 =	vadd.f32 v39, v36;
	v12 =	vld.idx.msk [tilespmem:v14+s14+$0x0], $0xffff  }
0x207: {  	s30 =	sadd.s32 $0x7, s9;
	v47 =	vor.u32 v6, v55;
	v10 =	vadd.f32 v10, v58;
	v35 =	vadd.f32 v35, v44;
	v14 =	vld.idx.msk [tilespmem:v18+s14+$0x0], $0xffff  }
0x208: {  	v44 =	vmov s30;
	v18 =	vld.idx.msk [tilespmem:v23+s15+$0x0], $0xffff;
	v23 =	vadd.f32 v41, v40;
	v41 =	vor.u32 v4, v55  }
0x209: {  	v37 =	vperm.xlane v37, v44;
	v19 =	vmul.f32 v28, v28;
	v15 =	vld.idx.msk [tilespmem:v56+s15+$0x0], $0xffff;
	v30 =	vadd.f32 v30, v21  }
0x20a: {  	v61 =	vmul.f32 v26, v26;
	v56 =	vmul.f32 v27, v27;
	v40 =	vld [tilespmem:s7+$0x30];
	v9 =	vadd.f32 v13, v9  }
0x20b: {  	v20 =	vld.idx.msk [tilespmem:v20+s14+$0x0], $0xffff;
	v0 =	vadd.f32 v19, v62;
	v19 =	vor.u32 v4, v59;
	v21 =	vmul.f32 v30, v30  }
0x20c: {  	v13 =	vld [tilespmem:s7+$0x70];
	v62 =	vmul.f32 v31, v31;
	v33 =	vadd.f32 v23, v38;
	v38 =	vor.u32 v5, v55  }
0x20d: {  	v23 =	vor.u32 v5, v59;
	v41 =	vld.idx.msk [tilespmem:v41+s15+$0x0], $0xffff;
	v11 =	vadd.f32 v17, v11;
	v21 =	vadd.f32 v21, v61  }
0x20e: {  	v46 =	vmul.f32 v33, v33;
	v12 =	vadd.f32 v15, v12;
	v15 =	vld [tilespmem:s7+$0x90];
	v14 =	vadd.f32 v18, v14  }
0x20f: {  	v61 =	vmul.f32 v32, v32;
	v0 =	vadd.f32 v21, v0;
	v21 =	vld.idx.msk [tilespmem:v34+s15+$0x0], $0xffff;
	v34 =	vadd.f32 v39, v42  }
0x210: {  	v19 =	vld.idx.msk [tilespmem:v19+s14+$0x0], $0xffff;
	v42 =	vadd.f32 v63, v56;
	v56 =	vadd.f32 v45, v43;
	v45 =	vor.u32 v6, v59  }
0x211: {  	v63 =	vadd.f32 v53, v52;
	v52 =	vld.idx.msk [tilespmem:v38+s15+$0x0], $0xffff;
	v38 =	vor.u32 v7, v59;
	v59 =	vshll.u32 v37, $0x7  }
0x212: {  	v23 =	vld.idx.msk [tilespmem:v23+s14+$0x0], $0xffff;
	v53 =	vor.u32 v7, v55;
	v37 =	vshrl.u32 v37, $0x1;
	v55 =	vand.u32 $0x7F80, v59  }
0x213: {  	v39 =	vld [tilespmem:s7+$0x40];
	v59 =	vand.u32 $0x7FFFFF80, v37;
	v36 =	vadd.f32 v56, v48;
	v48 =	vadd.f32 v62, v61  }
0x214: {  	v43 =	vmul.f32 v34, v34;
	v56 =	vld [tilespmem:s7+$0x50];
	v61 =	vmul.f32 v35, v35;
	v44 =	vadd.f32 v63, v50  }
0x215: {  	v37 =	vor.u32 v24, v59;
	v62 =	vmul.f32 v36, v36;
	v42 =	vadd.f32 v48, v42;
	v50 =	vld.idx.msk [tilespmem:v45+s14+$0x0], $0xffff  }
0x216: {  	v58 =	vmul.f32 v44, v44;
	v48 =	vadd.f32 v10, v57;
	v45 =	vadd.f32 v49, v54;
	v49 =	vld.idx.msk [tilespmem:v47+s15+$0x0], $0xffff  }
0x217: {  	v10 =	vor.u32 v1, v55;
	v19 =	vadd.f32 v41, v19;
	v54 =	vor.u32 v24, v55;
	v24 =	vld.idx.msk [tilespmem:v38+s14+$0x0], $0xffff  }
0x218: {  	v47 =	vadd.f32 v9, v60;
	v9 =	vld.idx.msk [tilespmem:v53+s15+$0x0], $0xffff;
	v60 =	vadd.f32 v43, v46;
	v46 =	vor.u32 v1, v59  }
0x219: {  	v53 =	vld [tilespmem:s7+$0x80];
	v43 =	vadd.f32 v11, v16;
	v38 =	vadd.f32 v14, v8;
	v63 =	vmul.f32 v45, v45  }
0x21a: {  	v8 =	vld [tilespmem:s7+$0xA0];
	v14 =	vor.u32 v3, v59;
	v23 =	vadd.f32 v52, v23;
	v52 =	vor.u32 v4, v59  }
0x21b: {  	v62 =	vadd.f32 v62, v61;
	v61 =	vld.idx.msk [tilespmem:v37+s15+$0x0], $0xffff;
	v58 =	vadd.f32 v63, v58;
	v63 =	vor.u32 v2, v59  }
0x21c: {  	v0 =	vadd.f32 v42, v0;
	v42 =	vmul.f32 v48, v48;
	v57 =	vmul.f32 v47, v47;
	v10 =	vld.idx.msk [tilespmem:v10+s14+$0x0], $0xffff  }
0x21d: {  	v37 =	vadd.f32 v12, v22;
	v18 =	vmul.f32 v43, v43;
	v11 =	vld.idx.msk [tilespmem:v46+s15+$0x0], $0xffff;
	v46 =	vor.u32 v3, v55  }
0x21e: {  	v22 =	vmul.f32 v38, v38;
	(xrf2) =	vadd.scan.msk.f32 $0xffff, v0;
	v0 =	vadd.f32 v21, v20;
	v42 =	vadd.f32 v57, v42;
	v57 =	vld [tilespmem:s7+$0xB0]  }
0x21f: {  	v60 =	vadd.f32 v62, v60;
	v62 =	vor.u32 v2, v55;
	v20 =	vmul.f32 v37, v37;
	v54 =	vld.idx.msk [tilespmem:v54+s14+$0x0], $0xffff  }
0x220: {  	v16 =	vadd.f32 v42, v58;
	v42 =	vadd.f32 v0, v40;
	v0 =	vld.idx.msk [tilespmem:v63+s15+$0x0], $0xffff;
	v63 =	vor.u32 v4, v55  }
0x221: {  	v50 =	vadd.f32 v49, v50;
	v9 =	vadd.f32 v9, v24;
	v14 =	vld.idx.msk [tilespmem:v14+s15+$0x0], $0xffff;
	v49 =	vor.u32 v6, v55  }
0x222: {  	v40 =	vadd.f32 v23, v56;
	v12 =	vld.idx.msk [tilespmem:v46+s14+$0x0], $0xffff;
	v46 =	vadd.f32 v19, v39;
	v19 =	vor.u32 v5, v55  }
0x223: {  	v56 =	vld.idx.msk [tilespmem:v52+s15+$0x0], $0xffff;
	v52 =	vor.u32 v6, v59;
	v39 =	vadd.f32 v9, v13;
	v13 =	vor.u32 v5, v59  }
0x224: {  	v41 =	vadd.f32 v50, v51;
	v21 =	vld.idx.msk [tilespmem:v62+s14+$0x0], $0xffff;
	v58 =	vmul.f32 v42, v42;
	v55 =	vor.u32 v7, v55  }
0x225: {  	v18 =	vadd.f32 v20, v18;
	v24 =	vmul.f32 v40, v40;
	v17 =	vld.idx.msk [tilespmem:v63+s14+$0x0], $0xffff;
	v63 =	vmul.f32 v39, v39  }
0x226: {  	v62 =	vmul.f32 v41, v41;
	v20 =	vadd.f32 v58, v22;
	v22 =	vld [tilespmem:s7+$0xD0];
	v23 =	vmul.f32 v46, v46  }
0x227: {  	v16 =	vadd.f32 v16, v60;
	v58 =	vor.u32 v7, v59;
	v19 =	vld.idx.msk [tilespmem:v19+s14+$0x0], $0xffff  }
0x228: {  	v23 =	vadd.f32 v24, v23;
	v13 =	vld.idx.msk [tilespmem:v13+s15+$0x0], $0xffff;
	v62 =	vadd.f32 v63, v62  }
0x229: {  	v61 =	vadd.f32 v61, v54;
	v10 =	vadd.f32 v11, v10;
	v11 =	vld.idx.msk [tilespmem:v55+s14+$0x0], $0xffff;
	v63, _, _ =	vpop (xrf2)  }
0x22a: {  	(xrf2) =	vadd.scan.msk.f32 $0xffff, v16;
	v18 =	vadd.f32 v20, v18;
	v20 =	vadd.f32 v62, v23;
	v23 =	vld.idx.msk [tilespmem:v49+s14+$0x0], $0xffff;
	v50 =	vmul.f32 $7.812500000e-03, v63  }
0x22b: {  	v51 =	vadd.f32 v61, v53;
	v0 =	vadd.f32 v0, v21;
	v63 =	vld.idx.msk [tilespmem:v52+s15+$0x0], $0xffff  }
0x22c: {  	v16 =	vadd.f32 v20, v18;
	v20 =	vld.idx.msk [tilespmem:v58+s15+$0x0], $0xffff;
	v62 =	vadd.f32 $9.999999960e-13, v50  }
0x22d: {  	v9 =	vld [tilespmem:s7+$0xC0];
	v52 =	vadd.f32 v10, v15;
	v13 =	vadd.f32 v13, v19  }
0x22e: {  	v60 =	vadd.f32 v14, v12;
	v12 =	vld [tilespmem:s7+$0xE0];
	v54 =	vadd.f32 v0, v8;
	v50 =	vbroadcast v62, $0xF  }
0x22f: {  	v0 =	vld [tilespmem:s7+$0xF0];
	v24 =	vmul.f32 v52, v52;
	v55 =	vadd.f32 v13, v22;
	v62 =	vadd.f32 v56, v17  }
0x230: {  	v17 =	vmul.f32 v51, v51;
	v63 =	vadd.f32 v63, v23;
	v61 =	vshrl.u32 v50, $0x1  }
0x231: {  	v15 =	vmul.f32 $5.000000000e-01, v50;
	v50 =	vadd.f32 v60, v57;
	v11 =	vadd.f32 v20, v11  }
0x232: {  	v20 =	vmul.f32 v54, v54;
	v56 =	vadd.f32 v62, v9;
	v8 =	vsub.s32 $0x5F3759DF, v61  }
0x233: {  	v53 =	vadd.f32 v63, v12;
	v61 =	vmul.f32 v55, v55;
	v14 =	vmul.f32 v8, v15  }
0x234: {  	v60 =	vmul.f32 v50, v50;
	v49 =	vadd.f32 v11, v0;
	v0 =	vmul.f32 v56, v56;
	v62, _, _ =	vpop (xrf2)  }
0x235: {  	v63 =	vadd.f32 v24, v17;
	v12 =	vmul.f32 v53, v53;
	v11 =	vmul.f32 $7.812500000e-03, v62  }
0x236: {  	(xrf2) =	vadd.scan.msk.f32 $0xffff, v16;
	v24 =	vmul.f32 v49, v49;
	v9 =	vadd.f32 v60, v20;
	v14 =	vmul.f32 v8, v14  }
0x237: {  	v0 =	vadd.f32 v61, v0;
	v11 =	vadd.f32 $9.999999960e-13, v11  }
0x238: {  	v57 =	vadd.f32 v24, v12;
	v58 =	vsub.f32 $1.500000000e+00, v14  }
0x239: {  	v59 =	vbroadcast v11, $0xF  }
0x23a: {  	v9 =	vadd.f32 v9, v63;
	v0 =	vadd.f32 v57, v0;
	v8 =	vmul.f32 v8, v58  }
0x23b: {  	v11 =	vshrl.u32 v59, $0x1;
	v10 =	vmul.f32 $5.000000000e-01, v59  }
0x23c: {  	v0 =	vadd.f32 v0, v9;
	v60 =	vmul.f32 v8, v15;
	v61 =	vsub.s32 $0x5F3759DF, v11  }
0x23d: {  	v63 =	vmul.f32 v61, v10  }
0x23e: {  	(xrf2) =	vadd.scan.msk.f32 $0xffff, v0;
	v0 =	vmul.f32 v60, v8  }
0x23f: {  	v12 =	vmul.f32 v61, v63  }
0x240: {  	v62, _, _ =	vpop (xrf2);
	v0 =	vsub.f32 $1.500000000e+00, v0  }
0x241: {  	v11 =	vmul.f32 $7.812500000e-03, v62;
	v16 =	vsub.f32 $1.500000000e+00, v12  }
0x242: {  	v0 =	vmul.f32 v0, v8  }
0x243: {  	v8 =	vadd.f32 $9.999999960e-13, v11;
	v9 =	vmul.f32 v61, v16  }
0x244: {  	v17 =	vmul.f32 v0, v15  }
0x245: {  	v8 =	vbroadcast v8, $0xF;
	v24 =	vmul.f32 v9, v10  }
0x246: {  	v18 =	vmul.f32 v17, v0  }
0x247: {  	v19 =	vshrl.u32 v8, $0x1;
	v8 =	vmul.f32 $5.000000000e-01, v8;
	v13 =	vmul.f32 v24, v9  }
0x248: {  	v12 =	vsub.s32 $0x5F3759DF, v19;
	v11 =	vsub.f32 $1.500000000e+00, v18  }
0x249: {  	v57, _, _ =	vpop (xrf2);
	v58 =	vmul.f32 v12, v8;
	v13 =	vsub.f32 $1.500000000e+00, v13  }
0x24a: {  	v14 =	vmul.f32 $7.812500000e-03, v57;
	v0 =	vmul.f32 v11, v0  }
0x24b: {  	v59 =	vmul.f32 v12, v58;
	v9 =	vmul.f32 v13, v9  }
0x24c: {  	v14 =	vadd.f32 $9.999999960e-13, v14;
	v60 =	vmul.f32 v0, v25;
	v61 =	vmul.f32 v0, v28  }
0x24d: {  	v11 =	vsub.f32 $1.500000000e+00, v59;
	v63 =	vmul.f32 v0, v26;
	v59 =	vmul.f32 v0, v30  }
0x24e: {  	v28 =	vld [tilespmem:$0x1FF00];
	v20 =	vmul.f32 v0, v27;
	v10 =	vmul.f32 v9, v10  }
0x24f: {  	v30 =	vld [tilespmem:$0x1FF20];
	v21 =	vmul.f32 v0, v29;
	v14 =	vbroadcast v14, $0xF  }
0x250: {  	v27 =	vld [tilespmem:$0x1FF10];
	v22 =	vmul.f32 v0, v32;
	v10 =	vmul.f32 v10, v9  }
0x251: {  	v11 =	vmul.f32 v12, v11;
	v62 =	vshrl.u32 v14, $0x1;
	v13 =	vmul.f32 $5.000000000e-01, v14  }
0x252: {  	v32 =	vld [tilespmem:$0x1FF40];
	v0 =	vmul.f32 v0, v31;
	v12 =	vsub.s32 $0x5F3759DF, v62;
	v10 =	vsub.f32 $1.500000000e+00, v10  }
0x253: {  	v57 =	vmul.f32 v11, v8;
	v58 =	vmul.f32 v12, v13  }
0x254: {  	v29 =	vld [tilespmem:$0x1FF30];
	v60 =	vmul.f32 v60, v28;
	v9 =	vmul.f32 v10, v9  }
0x255: {  	v31 =	vld [tilespmem:$0x1FF70];
	v61 =	vmul.f32 v61, v27;
	v14 =	vmul.f32 v63, v30  }
0x256: {  	v17 =	vmul.f32 v57, v11;
	v57 =	vmul.f32 v9, v33;
	v33 =	vld [tilespmem:$0x1FF80]  }
0x257: {  	v63 =	vmul.f32 v20, v32;
	v19 =	vmul.f32 v9, v34;
	v34 =	vld [tilespmem:$0x1FF90]  }
0x258: {  	v18 =	vmul.f32 v12, v58;
	v20 =	vmul.f32 v9, v35;
	v35 =	vld [tilespmem:$0x1FFA0]  }
0x259: {  	v62 =	vmul.f32 v59, v29;
	v17 =	vsub.f32 $1.500000000e+00, v17;
	v23 =	vmul.f32 v9, v36;
	v36 =	vld [tilespmem:$0x1FFB0]  }
0x25a: {  	v0 =	vmul.f32 v0, v31;
	v18 =	vsub.f32 $1.500000000e+00, v18;
	v24 =	vmul.f32 v9, v44;
	v44 =	vld [tilespmem:$0x1FFC0]  }
0x25b: {  	v25 =	vmul.f32 v9, v45;
	v10 =	vmul.f32 v17, v11  }
0x25c: {  	v26 =	vmul.f32 v9, v48;
	v11 =	vmul.f32 v12, v18;
	v18 =	vld [tilespmem:$0x1FFF0];
	v12 =	vadd.f32 v60, v33  }
0x25d: {  	v9 =	vmul.f32 v9, v47;
	v8 =	vmul.f32 v10, v8;
	v15 =	vadd.f32 v61, v34  }
0x25e: {  	v57 =	vmul.f32 v57, v28;
	v59 =	vmul.f32 v11, v13;
	v58 =	vadd.f32 v14, v35;
	v61 =	vld [tilespmem:$0x1FF50];
	[tilespmem:s7+$0xFFFFFF00] =	vst v12  }
0x25f: {  	v8 =	vmul.f32 v8, v10;
	v60 =	vadd.f32 v62, v36;
	v62 =	vadd.f32 v63, v44;
	v63 =	vld [tilespmem:$0x1FF60];
	[tilespmem:s7+$0xFFFFFF10] =	vst v15  }
0x260: {  	v45 =	vld [tilespmem:$0x1FFD0];
	v9 =	vmul.f32 v9, v31;
	v14 =	vmul.f32 v59, v11;
	[tilespmem:s7+$0xFFFFFF20] =	vst v58  }
0x261: {  	v59 =	vmul.f32 v20, v30;
	v8 =	vsub.f32 $1.500000000e+00, v8;
	[tilespmem:s7+$0xFFFFFF30] =	vst v60;
	v0 =	vadd.f32 v0, v18  }
0x262: {  	v48 =	vld [tilespmem:$0x1FFE0];
	[tilespmem:s7+$0xFFFFFF40] =	vst v62;
	v58 =	vmul.f32 v19, v27;
	v60 =	vadd.f32 v57, v33;
	v14 =	vsub.f32 $1.500000000e+00, v14  }
0x263: {  	v62 =	vadd.f32 v59, v35;
	v8 =	vmul.f32 v8, v10;
	[tilespmem:s7+$0xFFFFFF70] =	vst v0;
	v16 =	vmul.f32 v21, v61  }
0x264: {  	v0 =	vadd.f32 v58, v34;
	[tilespmem:s7+$0xFFFFFF80] =	vst v60;
	v21 =	vld [tilespmem:$0x1FF50];
	v17 =	vmul.f32 v22, v63;
	v63 =	vmul.f32 v24, v32  }
0x265: {  	v22 =	vld [tilespmem:$0x1FF60];
	v11 =	vmul.f32 v14, v11;
	v61 =	vmul.f32 v23, v29;
	[tilespmem:s7+$0xFFFFFFA0] =	vst v62;
	v47 =	vadd.f32 v16, v45  }
0x266: {  	[tilespmem:s7+$0xFFFFFF90] =	vst v0;
	v60 =	vmul.f32 v8, v37;
	v62 =	vmul.f32 v8, v42;
	v0 =	vadd.f32 v63, v44  }
0x267: {  	v37 =	vmul.f32 v8, v40;
	v40 =	vmul.f32 v8, v41;
	v12 =	vadd.f32 v17, v48;
	v17 =	vld [tilespmem:$0x1FFE0];
	[tilespmem:s7+$0xFFFFFF50] =	vst v47  }
0x268: {  	v13 =	vmul.f32 v11, v13;
	v19 =	vmul.f32 v60, v27;
	[tilespmem:s7+$0xFFFFFFC0] =	vst v0;
	v0 =	vadd.f32 v9, v18  }
0x269: {  	v24 =	vadd.f32 v61, v36;
	[tilespmem:s7+$0xFFFFFF60] =	vst v12;
	v47 =	vmul.f32 v8, v43;
	v25 =	vmul.f32 v25, v21  }
0x26a: {  	v13 =	vmul.f32 v13, v11;
	v48 =	vmul.f32 v26, v22;
	[tilespmem:s7+$0xFFFFFFF0] =	vst v0;
	v0 =	vadd.f32 v19, v34  }
0x26b: {  	[tilespmem:s7+$0xFFFFFFB0] =	vst v24;
	v24 =	vmul.f32 v8, v46;
	v12 =	vmul.f32 v40, v22;
	v57 =	vadd.f32 v25, v45  }
0x26c: {  	v58 =	vmul.f32 v47, v28;
	v13 =	vsub.f32 $1.500000000e+00, v13;
	v59 =	vadd.f32 v48, v17;
	[tilespmem:s7+$0x10] =	vst v0  }
0x26d: {  	v61 =	vmul.f32 v8, v38;
	v9 =	vmul.f32 v62, v29;
	v46 =	vadd.f32 v12, v17;
	[tilespmem:s7+$0xFFFFFFD0] =	vst v57  }
0x26e: {  	v26 =	vmul.f32 v24, v32;
	v63 =	vadd.f32 v58, v33;
	v11 =	vmul.f32 v13, v11;
	[tilespmem:s7+$0xFFFFFFE0] =	vst v59  }
0x26f: {  	v8 =	vmul.f32 v8, v39;
	v41 =	vmul.f32 v37, v21;
	v0 =	vadd.f32 v9, v36;
	[tilespmem:s7+$0x60] =	vst v46  }
0x270: {  	v25 =	vmul.f32 v61, v30;
	v42 =	vadd.f32 v26, v44;
	[tilespmem:s7+$0x0] =	vst v63;
	v13 =	vmul.f32 v11, v51  }
0x271: {  	v8 =	vmul.f32 v8, v31;
	[tilespmem:s7+$0x30] =	vst v0;
	v0 =	vadd.f32 v41, v45;
	v43 =	vmul.f32 v11, v52  }
0x272: {  	v38 =	vadd.f32 v25, v35;
	[tilespmem:s7+$0x40] =	vst v42;
	v48 =	vmul.f32 v11, v54;
	v47 =	vmul.f32 v13, v28  }
0x273: {  	v50 =	vmul.f32 v11, v50;
	[tilespmem:s7+$0x50] =	vst v0;
	v0 =	vadd.f32 v8, v18;
	v8 =	vmul.f32 v43, v27  }
0x274: {  	v54 =	vmul.f32 v11, v56;
	[tilespmem:s7+$0x20] =	vst v38;
	v52 =	vmul.f32 v48, v30;
	v51 =	vadd.f32 v47, v33  }
0x275: {  	v56 =	vmul.f32 v11, v55;
	[tilespmem:s7+$0x70] =	vst v0;
	v0 =	vadd.f32 v8, v34;
	v8 =	vmul.f32 v50, v29  }
0x276: {  	v59 =	vmul.f32 v11, v53;
	v58 =	vmul.f32 v54, v32;
	v57 =	vadd.f32 v52, v35;
	[tilespmem:s7+$0x80] =	vst v51  }
0x277: {  	v60 =	vmul.f32 v11, v49;
	[tilespmem:s7+$0x90] =	vst v0;
	v0 =	vadd.f32 v8, v36;
	v8 =	vmul.f32 v56, v21  }
0x278: {  	p1 =	slt.u32 s8, $0x3C;
	v62 =	vmul.f32 v59, v22;
	v61 =	vadd.f32 v58, v44;
	[tilespmem:s7+$0xA0] =	vst v57  }
.Ltmp2:
0x279: {  	[tilespmem:s7+$0xB0] =	vst v0;
	v0 =	vadd.f32 v8, v45;
	v8 =	vmul.f32 v60, v31;
	(pc) =	sbr.rel @p1 .LBB2_7-.Ltmp2, $4  }
0x27a: {  	v63 =	vadd.f32 v62, v17;
	[tilespmem:s7+$0xC0] =	vst v61  }
0x27b: {  	[tilespmem:s7+$0xD0] =	vst v0;
	v0 =	vadd.f32 v8, v18  }
0x27c: {  	[tilespmem:s7+$0xE0] =	vst v63  }
0x27d: {  	s9 =	smov.u32 s8;
	v23 =	vlaneseq.u32;
	[tilespmem:s7+$0xF0] =	vst v0;
	s7 =	sadd.s32 $0x200, s7  }
0x27e: {  	s7 =	sshll.u32 s13, $0xD  }
0x27f: {  	s7 =	sadd.s32 s10, s7  }
0x280: {  	s7 =	sshrl.u32 s7, $0x3  }
0x281: {  	s7 =	sadd.s32 s2, s7  }
0x282: {  	[hbm4b:s7+s3] =	stream.linear.scatter [tilespmem:s21], [sflag:$0x7], $0x2000, $0x38;
	[tilespmem:$0x14F00] =	vst v63  }
0x283: {  	_ =	swait.ge [sflag:s28], $0x2000  }
0x284: {  	s6 =	sadd.s32 @!p0 $0x280, s6;
	[sflag:s28] =	ssyncset.done $0x0  }
0x285: {  	s8 =	simm.s32 @!p0 $0x8800;
	s7 =	simm.s32 @!p0 $0x40;
	[sflag:s28] =	ssyncadd.s32 $0xFFFFE000  }
0x286: {  	[tilespmem:s8], [sflag:$0x2] =	stream.indirect.gather @!p0 [hbm4b:s4+s7], $0x80, s6, s7, $0xb8;
	[tilespmem:$0x14F00] =	vst v63  }
0x287: {  	s30 =	sadd.s32 $0x3400, s5;
	_ =	swait.ge [sflag:s29], $0x2000  }
0x288: {  	v0 =	vmov s30;
	[sflag:s29] =	ssyncset.done $0x0  }
0x289: {  	s5 =	simm.s32 $0xC900;
	s7 =	simm.s32 $0xFFFFFFFC;
	[tilespmem:$0x1FEB0] =	vst v0;
	[sflag:s29] =	ssyncadd.s32 $0xFFFFE000  }
.LBB2_9:
0x28a: {  	v0 =	vld [tilespmem:$0x1FEB0];
	_ =	sdelay $0x5  }
0x28b: {  	s6 =	sadd.s32 $0x4, s7  }
0x28c: {  	s8 =	sand.u32 $0x30, s6  }
0x28d: {  	v37 =	vld.idx.msk [tilespmem:v0+s8+$0x0 ss:$0x1], $0xffff  }
0x28e: {  	v12 =	vld [tilespmem:s5+$0xFFFFFF00]  }
0x28f: {  	v15 =	vld [tilespmem:s5+$0xFFFFFF10]  }
0x290: {  	v18 =	vld [tilespmem:s5+$0xFFFFFF20];
	s11 =	sand.u32 $0xC, s6  }
0x291: {  	v21 =	vld [tilespmem:s5+$0xFFFFFF30];
	v0 =	vmov s11  }
0x292: {  	v27 =	vld [tilespmem:s5+$0xFFFFFF40];
	v0 =	vperm.xlane v37, v0  }
0x293: {  	v29 =	vld [tilespmem:s5+$0xFFFFFF50]  }
0x294: {  	v32 =	vld [tilespmem:s5+$0xFFFFFF60];
	v8 =	vshll.u32 v0, $0x7  }
0x295: {  	v35 =	vld [tilespmem:s5+$0xFFFFFF70];
	v0 =	vshrl.u32 v0, $0x1;
	v8 =	vand.u32 $0x7F80, v8  }
0x296: {  	v38 =	vld [tilespmem:s5+$0xFFFFFF80];
	v0 =	vand.u32 $0x7FFFFF80, v0;
	v9 =	vor.u32 v23, v8  }
0x297: {  	v42 =	vld [tilespmem:s5+$0xFFFFFF90];
	v10 =	vor.u32 v23, v0  }
0x298: {  	v44 =	vld [tilespmem:s5+$0xFFFFFFA0];
	v11 =	vor.u32 v1, v8  }
0x299: {  	v48 =	vld [tilespmem:s5+$0xFFFFFFB0];
	v13 =	vor.u32 v1, v0  }
0x29a: {  	v50 =	vld [tilespmem:s5+$0xFFFFFFC0];
	v14 =	vor.u32 v2, v8  }
0x29b: {  	v16 =	vor.u32 v2, v0;
	v9 =	vld.idx.msk [tilespmem:v9+s14+$0x0], $0xffff  }
0x29c: {  	v17 =	vor.u32 v3, v8;
	v10 =	vld.idx.msk [tilespmem:v10+s15+$0x0], $0xffff  }
0x29d: {  	v19 =	vor.u32 v3, v0;
	v11 =	vld.idx.msk [tilespmem:v11+s14+$0x0], $0xffff  }
0x29e: {  	v20 =	vor.u32 v4, v8;
	v13 =	vld.idx.msk [tilespmem:v13+s15+$0x0], $0xffff  }
0x29f: {  	v25 =	vor.u32 v5, v0;
	v14 =	vld.idx.msk [tilespmem:v14+s14+$0x0], $0xffff  }
0x2a0: {  	s13 =	sadd.s32 $0x5, s7;
	v23 =	vor.u32 v5, v8;
	v26 =	vor.u32 v6, v8;
	v8 =	vor.u32 v7, v8;
	v16 =	vld.idx.msk [tilespmem:v16+s15+$0x0], $0xffff  }
0x2a1: {  	s8 =	sand.u32 $0xD, s13;
	v22 =	vor.u32 v4, v0;
	v28 =	vor.u32 v6, v0;
	v0 =	vor.u32 v7, v0;
	v17 =	vld.idx.msk [tilespmem:v17+s14+$0x0], $0xffff  }
0x2a2: {  	v30 =	vmov s8;
	v19 =	vld.idx.msk [tilespmem:v19+s15+$0x0], $0xffff  }
0x2a3: {  	v30 =	vperm.xlane v37, v30;
	v20 =	vld.idx.msk [tilespmem:v20+s14+$0x0], $0xffff  }
0x2a4: {  	v31 =	vld.idx.msk [tilespmem:v25+s15+$0x0], $0xffff  }
0x2a5: {  	v52 =	vshll.u32 v30, $0x7;
	v8 =	vld.idx.msk [tilespmem:v8+s14+$0x0], $0xffff  }
0x2a6: {  	v24 =	vlaneseq.u32;
	v53 =	vshrl.u32 v30, $0x1;
	v25 =	vand.u32 $0x7F80, v52;
	v0 =	vld.idx.msk [tilespmem:v0+s15+$0x0], $0xffff  }
0x2a7: {  	v33 =	vld.idx.msk [tilespmem:v26+s14+$0x0], $0xffff;
	v26 =	vand.u32 $0x7FFFFF80, v53;
	v54 =	vor.u32 v24, v25  }
0x2a8: {  	v22 =	vld.idx.msk [tilespmem:v22+s15+$0x0], $0xffff;
	v55 =	vor.u32 v24, v26  }
0x2a9: {  	v23 =	vld.idx.msk [tilespmem:v23+s14+$0x0], $0xffff;
	v36 =	vor.u32 v1, v25  }
0x2aa: {  	v34 =	vld.idx.msk [tilespmem:v28+s15+$0x0], $0xffff;
	v39 =	vor.u32 v1, v26  }
0x2ab: {  	v56 =	vor.u32 v2, v25;
	v0 =	vadd.f32 v0, v8;
	v8 =	vld [tilespmem:s5+$0x20]  }
0x2ac: {  	v57 =	vor.u32 v2, v26;
	v40 =	vld.idx.msk [tilespmem:v54+s14+$0x0], $0xffff  }
0x2ad: {  	v43 =	vor.u32 v3, v25;
	v41 =	vld.idx.msk [tilespmem:v55+s15+$0x0], $0xffff  }
0x2ae: {  	v45 =	vor.u32 v3, v26;
	v36 =	vld.idx.msk [tilespmem:v36+s14+$0x0], $0xffff  }
0x2af: {  	v58 =	vor.u32 v4, v25;
	v39 =	vld.idx.msk [tilespmem:v39+s15+$0x0], $0xffff  }
0x2b0: {  	v59 =	vor.u32 v4, v26;
	v46 =	vld.idx.msk [tilespmem:v56+s14+$0x0], $0xffff  }
0x2b1: {  	v47 =	vld.idx.msk [tilespmem:v57+s15+$0x0], $0xffff  }
0x2b2: {  	v49 =	vor.u32 v5, v25;
	v43 =	vld.idx.msk [tilespmem:v43+s14+$0x0], $0xffff  }
0x2b3: {  	v51 =	vor.u32 v5, v26;
	v45 =	vld.idx.msk [tilespmem:v45+s15+$0x0], $0xffff  }
0x2b4: {  	v52 =	vld.idx.msk [tilespmem:v58+s14+$0x0], $0xffff  }
0x2b5: {  	v60 =	vor.u32 v6, v25;
	v53 =	vld.idx.msk [tilespmem:v59+s15+$0x0], $0xffff  }
0x2b6: {  	s19 =	sadd.s32 $0x6, s7;
	v61 =	vor.u32 v6, v26;
	v54 =	vld [tilespmem:s5+$0xFFFFFFD0]  }
0x2b7: {  	s8 =	sand.u32 $0xE, s19;
	v49 =	vld.idx.msk [tilespmem:v49+s14+$0x0], $0xffff  }
0x2b8: {  	v26 =	vor.u32 v7, v26;
	v55 =	vmov s8;
	v51 =	vld.idx.msk [tilespmem:v51+s15+$0x0], $0xffff  }
0x2b9: {  	v9 =	vadd.f32 v10, v9;
	v57 =	vld [tilespmem:s5+$0xFFFFFFE0];
	v55 =	vperm.xlane v37, v55  }
0x2ba: {  	v11 =	vadd.f32 v13, v11;
	v58 =	vld.idx.msk [tilespmem:v60+s14+$0x0], $0xffff  }
0x2bb: {  	v56 =	vor.u32 v7, v25;
	v10 =	vld.idx.msk [tilespmem:v61+s15+$0x0], $0xffff;
	v25 =	vadd.f32 v9, v12;
	v62 =	vshll.u32 v55, $0x7  }
0x2bc: {  	v60 =	vld [tilespmem:s5+$0xFFFFFFF0];
	v12 =	vadd.f32 v16, v14;
	v63 =	vshrl.u32 v55, $0x1;
	v59 =	vand.u32 $0x7F80, v62  }
0x2bd: {  	v13 =	vld.idx.msk [tilespmem:v26+s15+$0x0], $0xffff;
	v28 =	vadd.f32 v11, v15;
	v55 =	vand.u32 $0x7FFFFF80, v63;
	v30 =	vor.u32 v24, v59  }
0x2be: {  	v16 =	vld [tilespmem:s5+$0x0];
	v15 =	vadd.f32 v22, v20;
	v20 =	vadd.f32 v31, v23;
	v61 =	vor.u32 v24, v55  }
0x2bf: {  	v22 =	vld [tilespmem:s5+$0x10];
	v31 =	vadd.f32 v34, v33;
	v26 =	vadd.f32 v12, v18;
	v14 =	vor.u32 v1, v59  }
0x2c0: {  	v27 =	vadd.f32 v15, v27;
	v29 =	vadd.f32 v20, v29;
	v9 =	vld.idx.msk [tilespmem:v56+s14+$0x0], $0xffff;
	v18 =	vor.u32 v2, v59  }
0x2c1: {  	v32 =	vadd.f32 v31, v32;
	v23 =	vor.u32 v2, v55;
	v49 =	vadd.f32 v51, v49;
	v51 =	vld [tilespmem:s5+$0x60]  }
0x2c2: {  	v31 =	vadd.f32 v0, v35;
	v62 =	vmul.f32 v25, v25;
	v56 =	vor.u32 v1, v55;
	v11 =	vld.idx.msk [tilespmem:v30+s14+$0x0], $0xffff  }
0x2c3: {  	v20 =	vor.u32 v3, v59;
	v35 =	vadd.f32 v47, v46;
	v30 =	vadd.f32 v19, v17;
	v17 =	vld.idx.msk [tilespmem:v61+s15+$0x0], $0xffff  }
0x2c4: {  	v34 =	vor.u32 v3, v55;
	v63 =	vmul.f32 v29, v29;
	v39 =	vadd.f32 v39, v36;
	v12 =	vld.idx.msk [tilespmem:v14+s14+$0x0], $0xffff  }
0x2c5: {  	s30 =	sadd.s32 $0x7, s7;
	v47 =	vor.u32 v6, v55;
	v10 =	vadd.f32 v10, v58;
	v35 =	vadd.f32 v35, v44;
	v14 =	vld.idx.msk [tilespmem:v18+s14+$0x0], $0xffff  }
0x2c6: {  	v44 =	vmov s30;
	v18 =	vld.idx.msk [tilespmem:v23+s15+$0x0], $0xffff;
	v23 =	vadd.f32 v41, v40;
	v41 =	vor.u32 v4, v55  }
0x2c7: {  	v37 =	vperm.xlane v37, v44;
	v19 =	vmul.f32 v28, v28;
	v15 =	vld.idx.msk [tilespmem:v56+s15+$0x0], $0xffff;
	v30 =	vadd.f32 v30, v21  }
0x2c8: {  	v61 =	vmul.f32 v26, v26;
	v56 =	vmul.f32 v27, v27;
	v40 =	vld [tilespmem:s5+$0x30];
	v9 =	vadd.f32 v13, v9  }
0x2c9: {  	v20 =	vld.idx.msk [tilespmem:v20+s14+$0x0], $0xffff;
	v0 =	vadd.f32 v19, v62;
	v19 =	vor.u32 v4, v59;
	v21 =	vmul.f32 v30, v30  }
0x2ca: {  	v13 =	vld [tilespmem:s5+$0x70];
	v62 =	vmul.f32 v31, v31;
	v33 =	vadd.f32 v23, v38;
	v38 =	vor.u32 v5, v55  }
0x2cb: {  	v23 =	vor.u32 v5, v59;
	v41 =	vld.idx.msk [tilespmem:v41+s15+$0x0], $0xffff;
	v11 =	vadd.f32 v17, v11;
	v21 =	vadd.f32 v21, v61  }
0x2cc: {  	v46 =	vmul.f32 v33, v33;
	v12 =	vadd.f32 v15, v12;
	v15 =	vld [tilespmem:s5+$0x90];
	v14 =	vadd.f32 v18, v14  }
0x2cd: {  	v61 =	vmul.f32 v32, v32;
	v0 =	vadd.f32 v21, v0;
	v21 =	vld.idx.msk [tilespmem:v34+s15+$0x0], $0xffff;
	v34 =	vadd.f32 v39, v42  }
0x2ce: {  	v19 =	vld.idx.msk [tilespmem:v19+s14+$0x0], $0xffff;
	v42 =	vadd.f32 v63, v56;
	v56 =	vadd.f32 v45, v43;
	v45 =	vor.u32 v6, v59  }
0x2cf: {  	v63 =	vadd.f32 v53, v52;
	v52 =	vld.idx.msk [tilespmem:v38+s15+$0x0], $0xffff;
	v38 =	vor.u32 v7, v59;
	v59 =	vshll.u32 v37, $0x7  }
0x2d0: {  	v23 =	vld.idx.msk [tilespmem:v23+s14+$0x0], $0xffff;
	v53 =	vor.u32 v7, v55;
	v37 =	vshrl.u32 v37, $0x1;
	v55 =	vand.u32 $0x7F80, v59  }
0x2d1: {  	v39 =	vld [tilespmem:s5+$0x40];
	v59 =	vand.u32 $0x7FFFFF80, v37;
	v36 =	vadd.f32 v56, v48;
	v48 =	vadd.f32 v62, v61  }
0x2d2: {  	v43 =	vmul.f32 v34, v34;
	v56 =	vld [tilespmem:s5+$0x50];
	v61 =	vmul.f32 v35, v35;
	v44 =	vadd.f32 v63, v50  }
0x2d3: {  	v37 =	vor.u32 v24, v59;
	v62 =	vmul.f32 v36, v36;
	v42 =	vadd.f32 v48, v42;
	v50 =	vld.idx.msk [tilespmem:v45+s14+$0x0], $0xffff  }
0x2d4: {  	v58 =	vmul.f32 v44, v44;
	v48 =	vadd.f32 v10, v57;
	v45 =	vadd.f32 v49, v54;
	v49 =	vld.idx.msk [tilespmem:v47+s15+$0x0], $0xffff  }
0x2d5: {  	v10 =	vor.u32 v1, v55;
	v19 =	vadd.f32 v41, v19;
	v54 =	vor.u32 v24, v55;
	v24 =	vld.idx.msk [tilespmem:v38+s14+$0x0], $0xffff  }
0x2d6: {  	v47 =	vadd.f32 v9, v60;
	v9 =	vld.idx.msk [tilespmem:v53+s15+$0x0], $0xffff;
	v60 =	vadd.f32 v43, v46;
	v46 =	vor.u32 v1, v59  }
0x2d7: {  	v53 =	vld [tilespmem:s5+$0x80];
	v43 =	vadd.f32 v11, v16;
	v38 =	vadd.f32 v14, v8;
	v14 =	vor.u32 v3, v59  }
0x2d8: {  	v8 =	vld [tilespmem:s5+$0xA0];
	v23 =	vadd.f32 v52, v23;
	v62 =	vadd.f32 v62, v61;
	v63 =	vmul.f32 v45, v45  }
0x2d9: {  	v0 =	vadd.f32 v42, v0;
	v42 =	vmul.f32 v48, v48;
	v57 =	vmul.f32 v47, v47;
	v61 =	vld.idx.msk [tilespmem:v37+s15+$0x0], $0xffff  }
0x2da: {  	v52 =	vor.u32 v4, v59;
	v58 =	vadd.f32 v63, v58;
	v63 =	vor.u32 v2, v59;
	v10 =	vld.idx.msk [tilespmem:v10+s14+$0x0], $0xffff  }
0x2db: {  	v37 =	vadd.f32 v12, v22;
	v18 =	vmul.f32 v43, v43;
	v42 =	vadd.f32 v57, v42;
	v57 =	vld [tilespmem:s5+$0xB0]  }
0x2dc: {  	v22 =	vmul.f32 v38, v38;
	v60 =	vadd.f32 v62, v60;
	v11 =	vld.idx.msk [tilespmem:v46+s15+$0x0], $0xffff;
	v46 =	vor.u32 v3, v55  }
0x2dd: {  	v62 =	vor.u32 v2, v55;
	(xrf2) =	vadd.scan.msk.f32 $0xffff, v0;
	v0 =	vadd.f32 v21, v20;
	v54 =	vld.idx.msk [tilespmem:v54+s14+$0x0], $0xffff  }
0x2de: {  	v20 =	vmul.f32 v37, v37;
	v50 =	vadd.f32 v49, v50;
	v9 =	vadd.f32 v9, v24;
	v14 =	vld.idx.msk [tilespmem:v14+s15+$0x0], $0xffff  }
0x2df: {  	v16 =	vadd.f32 v42, v58;
	v42 =	vadd.f32 v0, v40;
	v0 =	vld.idx.msk [tilespmem:v63+s15+$0x0], $0xffff;
	v63 =	vor.u32 v4, v55  }
0x2e0: {  	v49 =	vor.u32 v6, v55;
	v40 =	vadd.f32 v23, v56;
	v56 =	vld.idx.msk [tilespmem:v52+s15+$0x0], $0xffff;
	v52 =	vor.u32 v6, v59  }
0x2e1: {  	v41 =	vadd.f32 v50, v51;
	v12 =	vld.idx.msk [tilespmem:v46+s14+$0x0], $0xffff;
	v46 =	vadd.f32 v19, v39;
	v19 =	vor.u32 v5, v55  }
0x2e2: {  	v21 =	vld.idx.msk [tilespmem:v62+s14+$0x0], $0xffff;
	v58 =	vmul.f32 v42, v42;
	v39 =	vadd.f32 v9, v13;
	v13 =	vor.u32 v5, v59  }
0x2e3: {  	v18 =	vadd.f32 v20, v18;
	v24 =	vmul.f32 v40, v40;
	v62 =	vmul.f32 v41, v41;
	v9 =	vld [tilespmem:s5+$0xC0]  }
0x2e4: {  	v16 =	vadd.f32 v16, v60;
	v23 =	vmul.f32 v46, v46;
	v17 =	vld.idx.msk [tilespmem:v63+s14+$0x0], $0xffff;
	v63 =	vmul.f32 v39, v39  }
0x2e5: {  	v20 =	vadd.f32 v58, v22;
	v22 =	vld [tilespmem:s5+$0xD0];
	v55 =	vor.u32 v7, v55;
	v61 =	vadd.f32 v61, v54  }
0x2e6: {  	v58 =	vor.u32 v7, v59;
	v23 =	vadd.f32 v24, v23;
	v19 =	vld.idx.msk [tilespmem:v19+s14+$0x0], $0xffff;
	v62 =	vadd.f32 v63, v62  }
0x2e7: {  	v10 =	vadd.f32 v11, v10;
	v0 =	vadd.f32 v0, v21;
	v13 =	vld.idx.msk [tilespmem:v13+s15+$0x0], $0xffff  }
0x2e8: {  	(xrf2) =	vadd.scan.msk.f32 $0xffff, v16;
	v18 =	vadd.f32 v20, v18;
	v63, _, _ =	vpop (xrf2);
	v20 =	vadd.f32 v62, v23;
	v23 =	vld.idx.msk [tilespmem:v49+s14+$0x0], $0xffff  }
0x2e9: {  	v51 =	vadd.f32 v61, v53;
	v54 =	vadd.f32 v0, v8;
	v50 =	vmul.f32 $7.812500000e-03, v63;
	v63 =	vld.idx.msk [tilespmem:v52+s15+$0x0], $0xffff  }
0x2ea: {  	v11 =	vld.idx.msk [tilespmem:v55+s14+$0x0], $0xffff;
	v52 =	vadd.f32 v10, v15;
	v61 =	vadd.f32 v56, v17  }
0x2eb: {  	v16 =	vadd.f32 v20, v18;
	v20 =	vld.idx.msk [tilespmem:v58+s15+$0x0], $0xffff;
	v62 =	vadd.f32 $9.999999960e-13, v50  }
0x2ec: {  	v58 =	vadd.f32 v14, v12;
	v12 =	vld [tilespmem:s5+$0xE0];
	v13 =	vadd.f32 v13, v19  }
0x2ed: {  	v0 =	vld [tilespmem:s5+$0xF0];
	v24 =	vmul.f32 v52, v52;
	v56 =	vadd.f32 v61, v9;
	v50 =	vbroadcast v62, $0xF  }
0x2ee: {  	v55 =	vadd.f32 v13, v22;
	v62 =	vmul.f32 v51, v51;
	v63 =	vadd.f32 v63, v23  }
0x2ef: {  	v60 =	vshrl.u32 v50, $0x1;
	v15 =	vmul.f32 $5.000000000e-01, v50;
	v50 =	vadd.f32 v58, v57  }
0x2f0: {  	v11 =	vadd.f32 v20, v11;
	v20 =	vmul.f32 v54, v54;
	v8 =	vsub.s32 $0x5F3759DF, v60  }
0x2f1: {  	v58 =	vmul.f32 v55, v55;
	v53 =	vadd.f32 v63, v12;
	v14 =	vmul.f32 v8, v15  }
0x2f2: {  	v59, _, _ =	vpop (xrf2);
	v57 =	vmul.f32 v50, v50;
	v49 =	vadd.f32 v11, v0;
	v0 =	vmul.f32 v56, v56  }
0x2f3: {  	v60 =	vadd.f32 v24, v62;
	v11 =	vmul.f32 $7.812500000e-03, v59;
	v12 =	vmul.f32 v53, v53  }
0x2f4: {  	v61 =	vmul.f32 v49, v49;
	v9 =	vadd.f32 v57, v20;
	v14 =	vmul.f32 v8, v14  }
0x2f5: {  	(xrf2) =	vadd.scan.msk.f32 $0xffff, v16;
	v0 =	vadd.f32 v58, v0;
	v11 =	vadd.f32 $9.999999960e-13, v11  }
0x2f6: {  	v62 =	vadd.f32 v61, v12;
	v63 =	vsub.f32 $1.500000000e+00, v14  }
0x2f7: {  	v13 =	vbroadcast v11, $0xF  }
0x2f8: {  	v9 =	vadd.f32 v9, v60;
	v0 =	vadd.f32 v62, v0;
	v8 =	vmul.f32 v8, v63  }
0x2f9: {  	v11 =	vshrl.u32 v13, $0x1;
	v10 =	vmul.f32 $5.000000000e-01, v13  }
0x2fa: {  	v16 =	vsub.s32 $0x5F3759DF, v11;
	v0 =	vadd.f32 v0, v9;
	v14 =	vmul.f32 v8, v15  }
0x2fb: {  	v18 =	vmul.f32 v16, v10  }
0x2fc: {  	(xrf2) =	vadd.scan.msk.f32 $0xffff, v0;
	v0 =	vmul.f32 v14, v8  }
0x2fd: {  	v12 =	vmul.f32 v16, v18  }
0x2fe: {  	v0 =	vsub.f32 $1.500000000e+00, v0  }
0x2ff: {  	v17, _, _ =	vpop (xrf2);
	v19 =	vsub.f32 $1.500000000e+00, v12  }
0x300: {  	v11 =	vmul.f32 $7.812500000e-03, v17;
	v0 =	vmul.f32 v0, v8  }
0x301: {  	v9 =	vmul.f32 v16, v19  }
0x302: {  	v8 =	vadd.f32 $9.999999960e-13, v11;
	v24 =	vmul.f32 v0, v15  }
0x303: {  	v59 =	vmul.f32 v9, v10  }
0x304: {  	v8 =	vbroadcast v8, $0xF;
	v57 =	vmul.f32 v24, v0  }
0x305: {  	v13 =	vmul.f32 v59, v9  }
0x306: {  	v58 =	vshrl.u32 v8, $0x1;
	v8 =	vmul.f32 $5.000000000e-01, v8;
	v11 =	vsub.f32 $1.500000000e+00, v57  }
0x307: {  	v12 =	vsub.s32 $0x5F3759DF, v58;
	v13 =	vsub.f32 $1.500000000e+00, v13  }
0x308: {  	v60, _, _ =	vpop (xrf2);
	v61 =	vmul.f32 v12, v8;
	v0 =	vmul.f32 v11, v0  }
0x309: {  	v14 =	vmul.f32 $7.812500000e-03, v60;
	v9 =	vmul.f32 v13, v9  }
0x30a: {  	v62 =	vmul.f32 v12, v61;
	v63 =	vmul.f32 v0, v25  }
0x30b: {  	v24 =	vmul.f32 v0, v28;
	v10 =	vmul.f32 v9, v10  }
0x30c: {  	v14 =	vadd.f32 $9.999999960e-13, v14;
	v26 =	vmul.f32 v0, v26;
	v59 =	vmul.f32 v0, v30  }
0x30d: {  	v11 =	vsub.f32 $1.500000000e+00, v62;
	v28 =	vld [tilespmem:$0x1FF00];
	v20 =	vmul.f32 v0, v27;
	v10 =	vmul.f32 v10, v9  }
0x30e: {  	v21 =	vmul.f32 v0, v29;
	v14 =	vbroadcast v14, $0xF  }
0x30f: {  	v29 =	vld [tilespmem:$0x1FF10];
	v22 =	vmul.f32 v0, v32;
	v11 =	vmul.f32 v12, v11;
	v10 =	vsub.f32 $1.500000000e+00, v10  }
0x310: {  	v32 =	vld [tilespmem:$0x1FF40];
	v0 =	vmul.f32 v0, v31;
	v25 =	vshrl.u32 v14, $0x1;
	v13 =	vmul.f32 $5.000000000e-01, v14  }
0x311: {  	v30 =	vld [tilespmem:$0x1FF20];
	v12 =	vsub.s32 $0x5F3759DF, v25;
	v57 =	vmul.f32 v11, v8;
	v9 =	vmul.f32 v10, v9  }
0x312: {  	v31 =	vld [tilespmem:$0x1FF30];
	v58 =	vmul.f32 v12, v13;
	v60 =	vmul.f32 v63, v28  }
0x313: {  	v17 =	vmul.f32 v57, v11;
	v57 =	vmul.f32 v9, v33;
	v33 =	vld [tilespmem:$0x1FF70]  }
0x314: {  	v61 =	vmul.f32 v24, v29;
	v19 =	vmul.f32 v9, v34;
	v34 =	vld [tilespmem:$0x1FF80]  }
0x315: {  	v63 =	vmul.f32 v20, v32;
	v20 =	vmul.f32 v9, v35;
	v35 =	vld [tilespmem:$0x1FF90]  }
0x316: {  	v18 =	vmul.f32 v12, v58;
	v23 =	vmul.f32 v9, v36;
	v36 =	vld [tilespmem:$0x1FFA0]  }
0x317: {  	v14 =	vmul.f32 v26, v30;
	v17 =	vsub.f32 $1.500000000e+00, v17;
	v24 =	vmul.f32 v9, v44;
	v44 =	vld [tilespmem:$0x1FFB0]  }
0x318: {  	v62 =	vmul.f32 v59, v31;
	v25 =	vmul.f32 v9, v45;
	v45 =	vld [tilespmem:$0x1FFC0];
	v18 =	vsub.f32 $1.500000000e+00, v18  }
0x319: {  	v26 =	vmul.f32 v9, v48;
	v10 =	vmul.f32 v17, v11  }
0x31a: {  	v9 =	vmul.f32 v9, v47;
	v11 =	vmul.f32 v12, v18  }
0x31b: {  	v57 =	vmul.f32 v57, v28;
	v18 =	vld [tilespmem:$0x1FFF0];
	v8 =	vmul.f32 v10, v8;
	v12 =	vadd.f32 v60, v34  }
0x31c: {  	v15 =	vadd.f32 v61, v35;
	v58 =	vadd.f32 v14, v36;
	v59 =	vmul.f32 v11, v13;
	v61 =	vld [tilespmem:$0x1FF50]  }
0x31d: {  	v60 =	vadd.f32 v62, v44;
	v62 =	vadd.f32 v63, v45;
	v63 =	vld [tilespmem:$0x1FF60];
	v0 =	vmul.f32 v0, v33;
	[tilespmem:s5+$0xFFFFFF00] =	vst v12  }
0x31e: {  	v47 =	vld [tilespmem:$0x1FFD0];
	v9 =	vmul.f32 v9, v33;
	v8 =	vmul.f32 v8, v10;
	[tilespmem:s5+$0xFFFFFF10] =	vst v15  }
0x31f: {  	v48 =	vld [tilespmem:$0x1FFE0];
	[tilespmem:s5+$0xFFFFFF20] =	vst v58;
	v14 =	vmul.f32 v59, v11;
	v58 =	vmul.f32 v19, v29  }
0x320: {  	[tilespmem:s5+$0xFFFFFF30] =	vst v60;
	v59 =	vmul.f32 v20, v30;
	v60 =	vadd.f32 v57, v34;
	v8 =	vsub.f32 $1.500000000e+00, v8  }
0x321: {  	[tilespmem:s5+$0xFFFFFF40] =	vst v62;
	v0 =	vadd.f32 v0, v18;
	v14 =	vsub.f32 $1.500000000e+00, v14;
	v16 =	vmul.f32 v21, v61  }
0x322: {  	v62 =	vadd.f32 v59, v36;
	[tilespmem:s5+$0xFFFFFF80] =	vst v60;
	v17 =	vmul.f32 v22, v63;
	v8 =	vmul.f32 v8, v10  }
0x323: {  	v61 =	vmul.f32 v23, v31;
	[tilespmem:s5+$0xFFFFFF70] =	vst v0;
	v0 =	vadd.f32 v58, v35;
	v63 =	vmul.f32 v24, v32  }
0x324: {  	v21 =	vld [tilespmem:$0x1FF50];
	v11 =	vmul.f32 v14, v11;
	[tilespmem:s5+$0xFFFFFFA0] =	vst v62;
	v27 =	vadd.f32 v16, v47;
	v12 =	vadd.f32 v17, v48  }
0x325: {  	v22 =	vld [tilespmem:$0x1FF60];
	v24 =	vadd.f32 v61, v44;
	v43 =	vmul.f32 v8, v43;
	[tilespmem:s5+$0xFFFFFF90] =	vst v0;
	v60 =	vmul.f32 v8, v37  }
0x326: {  	v0 =	vadd.f32 v63, v45;
	v61 =	vmul.f32 v8, v38;
	v62 =	vmul.f32 v8, v42;
	[tilespmem:s5+$0xFFFFFF50] =	vst v27  }
0x327: {  	v17 =	vld [tilespmem:$0x1FFE0];
	v13 =	vmul.f32 v11, v13;
	[tilespmem:s5+$0xFFFFFF60] =	vst v12;
	v58 =	vmul.f32 v43, v28  }
0x328: {  	v38 =	vmul.f32 v8, v41;
	[tilespmem:s5+$0xFFFFFFC0] =	vst v0;
	v0 =	vadd.f32 v9, v18;
	v19 =	vmul.f32 v60, v29  }
0x329: {  	[tilespmem:s5+$0xFFFFFFB0] =	vst v24;
	v27 =	vmul.f32 v25, v21;
	v13 =	vmul.f32 v13, v11;
	v63 =	vadd.f32 v58, v34  }
0x32a: {  	v24 =	vmul.f32 v8, v46;
	v48 =	vmul.f32 v26, v22;
	[tilespmem:s5+$0xFFFFFFF0] =	vst v0;
	v0 =	vadd.f32 v19, v35  }
0x32b: {  	v25 =	vmul.f32 v61, v30;
	v57 =	vadd.f32 v27, v47;
	v13 =	vsub.f32 $1.500000000e+00, v13;
	[tilespmem:s5+$0x0] =	vst v63  }
0x32c: {  	v9 =	vmul.f32 v62, v31;
	v59 =	vadd.f32 v48, v17;
	v27 =	vmul.f32 v8, v40;
	[tilespmem:s5+$0x10] =	vst v0  }
0x32d: {  	v12 =	vmul.f32 v38, v22;
	v37 =	vadd.f32 v25, v36;
	[tilespmem:s5+$0xFFFFFFD0] =	vst v57;
	v11 =	vmul.f32 v13, v11  }
0x32e: {  	v8 =	vmul.f32 v8, v39;
	v0 =	vadd.f32 v9, v44;
	[tilespmem:s5+$0xFFFFFFE0] =	vst v59;
	v40 =	vmul.f32 v27, v21  }
0x32f: {  	v26 =	vmul.f32 v24, v32;
	v43 =	vadd.f32 v12, v17;
	[tilespmem:s5+$0x20] =	vst v37;
	v13 =	vmul.f32 v11, v51  }
0x330: {  	v8 =	vmul.f32 v8, v33;
	[tilespmem:s5+$0x30] =	vst v0;
	v0 =	vadd.f32 v40, v47;
	v42 =	vmul.f32 v11, v52  }
0x331: {  	v41 =	vadd.f32 v26, v45;
	[tilespmem:s5+$0x60] =	vst v43;
	v48 =	vmul.f32 v11, v54;
	v46 =	vmul.f32 v13, v28  }
0x332: {  	v50 =	vmul.f32 v11, v50;
	[tilespmem:s5+$0x50] =	vst v0;
	v0 =	vadd.f32 v8, v18;
	v8 =	vmul.f32 v42, v29  }
0x333: {  	[tilespmem:s5+$0x40] =	vst v41;
	v54 =	vmul.f32 v11, v56;
	v52 =	vmul.f32 v48, v30;
	v51 =	vadd.f32 v46, v34  }
0x334: {  	v56 =	vmul.f32 v11, v55;
	[tilespmem:s5+$0x70] =	vst v0;
	v0 =	vadd.f32 v8, v35;
	v8 =	vmul.f32 v50, v31  }
0x335: {  	v59 =	vmul.f32 v11, v53;
	v58 =	vmul.f32 v54, v32;
	v57 =	vadd.f32 v52, v36;
	[tilespmem:s5+$0x80] =	vst v51  }
0x336: {  	v60 =	vmul.f32 v11, v49;
	[tilespmem:s5+$0x90] =	vst v0;
	v0 =	vadd.f32 v8, v44;
	v8 =	vmul.f32 v56, v21  }
0x337: {  	p0 =	slt.u32 s6, $0x3C;
	v62 =	vmul.f32 v59, v22;
	v61 =	vadd.f32 v58, v45;
	[tilespmem:s5+$0xA0] =	vst v57  }
.Ltmp3:
0x338: {  	[tilespmem:s5+$0xB0] =	vst v0;
	v0 =	vadd.f32 v8, v47;
	v8 =	vmul.f32 v60, v33;
	(pc) =	sbr.rel @p0 .LBB2_9-.Ltmp3, $4  }
0x339: {  	v63 =	vadd.f32 v62, v17;
	[tilespmem:s5+$0xC0] =	vst v61  }
0x33a: {  	[tilespmem:s5+$0xD0] =	vst v0;
	v0 =	vadd.f32 v8, v18  }
0x33b: {  	[tilespmem:s5+$0xE0] =	vst v63  }
0x33c: {  	s7 =	smov.u32 s6;
	v23 =	vlaneseq.u32;
	[tilespmem:s5+$0xF0] =	vst v0;
	s5 =	sadd.s32 $0x200, s5  }
0x33d: {  	s1 =	sadd.s32 $0x1, s1  }
0x33e: {  	p0 =	sne.s32 s1, $0x19  }
.Ltmp4:
0x33f: {  	s5 =	sshll.u32 s16, $0xD;
	(pc) =	sbr.rel @p0 .LBB2_2-.Ltmp4, $4  }
0x340: {  	s5 =	sadd.s32 s10, s5  }
0x341: {  	s5 =	sshrl.u32 s5, $0x3  }
0x342: {  	s5 =	sadd.s32 s2, s5  }
0x343: {  	[hbm4b:s5+s3] =	stream.linear.scatter [tilespmem:s23], [sflag:$0x8], $0x2000, $0x38;
	[tilespmem:$0x14F00] =	vst v63  }
0x344: {  	s1 =	simm.s32 $0x7  }
0x345: {  	_ =	swait.ge [sflag:s1], $0x2000  }
0x346: {  	[sflag:s1] =	ssyncset.done $0x0  }
0x347: {  	[sflag:s1] =	ssyncadd.s32 $0xFFFFE000  }
0x348: {  	_ =	swait.ge [sflag:s31], $0x2000  }
0x349: {  	s0 =	sadd.s32 $0x1, s0;
	s30 =	rddreg [dreg:$0x8]  }
0x34a: {  	p0 =	sne.s32 s0, s30  }
.Ltmp5:
0x34b: {  	_ = 	snop;
	(pc) =	sbr.rel @p0 .LBB2_1-.Ltmp5, $3  }
0x34c: {  	_ =	sdelay $0x1  }
0x34d: {  	[sflag:s31] =	ssyncset.done $0x0  }
0x34e: {  	[sflag:s31] =	ssyncadd.s32 $0xFFFFE000  }
0x34f: {  	_ =	sfence.sel $0x180000  }
0x350: {  	[bflag:$0x0] =	sbarrier.arrive $0xFFFF  }
0x351: {  	_ =	strace $0x90000047  }
0x352: {  	s0 =	stileid.u32;
	[bflag:$0x2] =	sbarrier.arrive $0xFFFF  }
0x353: {  	p0 =	sne.s32 s0, $0x0;
	s0 =	rddreg [dreg:$0x2]  }
0x354: {  	s0 =	sadd.s32 @!p0 $0x100000, s0  }
0x355: {  	[sflag:s0] =	ssyncadd.tile.s32 @!p0 $0x1;
	_ =	shalt  }
.Lfunc_end2:
_tile_overlayer_lowered:
.L_overlay_start_2:
0x356: {  	(tag) =	ssettag $0x2  }
0x357: {  	s0 =	rddreg [dreg:$0x0];
	s2 =	stileid.u32  }
0x358: {  	s1 =	rddreg [dreg:$0x1];
	p0 =	sne.s32 s2, $0x0  }
0x359: {  	s3 =	rddreg [dreg:$0x2];
	[bflag:$0x3] =	sbarrier.arrive $0xFFFF;
	s2 =	simm.s32 @!p0 $0x1C09  }
0x35a: {  	[timem:s3], [sflag:s2] =	dma.local @!p0 [hbm:s0], s1  }
0x35b: {  	s0 =	simm.s32 @!p0 $0x9  }
0x35c: {  	_ =	swait.ge @!p0 [sflag:s0], s1  }
0x35d: {  	s1 =	ssub.s32 @!p0 $0x0, s1;
	[sflag:s0] =	ssyncset.done @!p0 $0x0  }
0x35e: {  	[sflag:s0] =	ssyncadd.s32 @!p0 s1  }
0x35f: {  	[bflag:$0x3] =	sbarrier.arrive $0xFFFF  }
0x360: {  	_ =	shalt  }

</sc_bundles>
